<compile_context>
chip_gen: v7x
topology: tpu7x:2x2x1
jax: 0.10.2.dev20260603
libtpu: 0.0.44.dev20260713+nightly
codegen_flags: <defaults>
</compile_context>

<pallas_src>
import functools

import jax
import jax.numpy as jnp
from jax import lax
from jax.experimental import pallas as pl
from jax.experimental.pallas import tpu as pltpu
from jax.experimental.pallas import tpu_sc as plsc

N = 10000
D = 128
ODIM = 64
NP = 10240
NC, NS = 2, 16
NW = NC * NS
CHUNK = 128
CPW = 80
SUB = 64
NSUB = 160
EPW = CPW * CHUNK
EP = NW * EPW
RPT = NP // NS
RB = 2048
GRID = NP // RB

_sc_mesh = plsc.VectorSubcoreMesh(
    core_axis_name="c", subcore_axis_name="s", num_cores=NC, num_subcores=NS)



@functools.partial(
    pl.kernel,
    out_type=jax.ShapeDtypeStruct((NC, NP, D), jnp.float32),
    mesh=_sc_mesh,
    scratch_types=[
        pltpu.VMEM((2, CHUNK), jnp.int32),
        pltpu.VMEM((CHUNK, D), jnp.float32),
        pltpu.VMEM((CHUNK, D), jnp.float32),
        pltpu.VMEM_SHARED((NP, D), jnp.float32),
        pltpu.SemaphoreType.DMA,
    ],
)
def _sc_deg(dst_hbm, ones_hbm, zeros_hbm, deg_out, dstv, onesv, wbv, deg_sh,
            isem):
    cid = lax.axis_index("c")
    tid = lax.axis_index("s")
    wid = cid * NS + tid

    pltpu.sync_copy(ones_hbm, onesv)
    pltpu.sync_copy(zeros_hbm, wbv)
    for r in range(RPT // CHUNK):
        pltpu.sync_copy(wbv, deg_sh.at[pl.ds(tid * RPT + r * CHUNK, CHUNK)])
    plsc.subcore_barrier()

    def load_idx(j, slot):
        pltpu.async_copy(dst_hbm.at[wid, j], dstv.at[slot], isem)

    def wait_idx(j, slot):
        pltpu.make_async_copy(dst_hbm.at[wid, j], dstv.at[slot], isem).wait()

    load_idx(0, 0)

    def pair(p, _):
        j0 = 2 * p
        load_idx(j0 + 1, 1)
        wait_idx(j0, 0)
        pltpu.sync_copy(onesv, deg_sh.at[dstv.at[0]], add=True)

        @pl.when(p < CPW // 2 - 1)
        def _():
            load_idx(j0 + 2, 0)

        wait_idx(j0 + 1, 1)
        pltpu.sync_copy(onesv, deg_sh.at[dstv.at[1]], add=True)
        return 0
    lax.fori_loop(0, CPW // 2, pair, 0)
    plsc.subcore_barrier()

    for r in range(RPT // CHUNK):
        base = tid * RPT + r * CHUNK
        pltpu.sync_copy(deg_sh.at[pl.ds(base, CHUNK)], wbv)
        pltpu.sync_copy(wbv, deg_out.at[cid, pl.ds(base, CHUNK)])


@functools.partial(
    pl.kernel,
    out_type=jax.ShapeDtypeStruct((NC, NP, D), jnp.float32),
    mesh=_sc_mesh,
    scratch_types=[
        pltpu.VMEM((4, 2, CHUNK), jnp.int32),
        pltpu.VMEM((CHUNK, D), jnp.float32),
        pltpu.VMEM((CHUNK, D), jnp.float32),
        pltpu.VMEM_SHARED((NP, D), jnp.float32),
        pltpu.SemaphoreType.DMA,
        pltpu.SemaphoreType.DMA,
        pltpu.SemaphoreType.DMA,
    ],
)
def _sc_agg(hs_hbm, idx_hbm, zeros_hbm, acc_out,
            idxv, buf0, buf1, acc_sh, gsem0, gsem1, isem):
    cid = lax.axis_index("c")
    tid = lax.axis_index("s")
    wid = cid * NS + tid

    pltpu.sync_copy(zeros_hbm, buf0)
    for r in range(RPT // CHUNK):
        pltpu.sync_copy(buf0, acc_sh.at[pl.ds(tid * RPT + r * CHUNK, CHUNK)])
    plsc.subcore_barrier()

    def load_idx(j, slot):
        pltpu.async_copy(idx_hbm.at[wid, j], idxv.at[slot], isem)

    def wait_idx(j, slot):
        pltpu.make_async_copy(idx_hbm.at[wid, j], idxv.at[slot], isem).wait()

    def start_gather(slot, buf, sem):
        pltpu.async_copy(hs_hbm.at[idxv.at[slot, 0]], buf, sem)

    def wait_gather(slot, buf, sem):
        pltpu.make_async_copy(hs_hbm.at[idxv.at[slot, 0]], buf, sem).wait()

    def scatter(slot, buf):
        pltpu.sync_copy(buf, acc_sh.at[idxv.at[slot, 1]], add=True)

    for s in range(4):
        load_idx(s, s)
    wait_idx(0, 0)
    start_gather(0, buf0, gsem0)

    NQ = CPW // 4

    def quad(q, _):
        j0 = 4 * q
        not_last = q < NQ - 1

        wait_idx(j0 + 1, 1)
        start_gather(1, buf1, gsem1)
        wait_gather(0, buf0, gsem0)
        scatter(0, buf0)

        @pl.when(not_last)
        def _():
            load_idx(j0 + 4, 0)

        wait_idx(j0 + 2, 2)
        start_gather(2, buf0, gsem0)
        wait_gather(1, buf1, gsem1)
        scatter(1, buf1)

        @pl.when(not_last)
        def _():
            load_idx(j0 + 5, 1)

        wait_idx(j0 + 3, 3)
        start_gather(3, buf1, gsem1)
        wait_gather(2, buf0, gsem0)
        scatter(2, buf0)

        @pl.when(not_last)
        def _():
            load_idx(j0 + 6, 2)
            wait_idx(j0 + 4, 0)
            start_gather(0, buf0, gsem0)

        wait_gather(3, buf1, gsem1)
        scatter(3, buf1)

        @pl.when(not_last)
        def _():
            load_idx(j0 + 7, 3)
        return 0
    lax.fori_loop(0, NQ, quad, 0)
    plsc.subcore_barrier()

    for r in range(RPT // CHUNK):
        base = tid * RPT + r * CHUNK
        pltpu.sync_copy(acc_sh.at[pl.ds(base, CHUNK)], buf0)
        pltpu.sync_copy(buf0, acc_out.at[cid, pl.ds(base, CHUNK)])



def _tc_pro_body(x_ref, w_ref, deg0_ref, deg1_ref, o_ref, dis_ref):
    rows = pl.program_id(0) * RB + lax.broadcasted_iota(jnp.int32, (RB, 1), 0)
    degsum = deg0_ref[:, 0:1] + deg1_ref[:, 0:1] + 1.0
    dis = jnp.where(rows < N, lax.rsqrt(degsum), 0.0)
    h = jnp.dot(x_ref[...], w_ref[...], preferred_element_type=jnp.float32,
                precision=lax.Precision.HIGHEST)
    o_ref[...] = h * dis
    dis_ref[...] = dis


def _tc_mid_body(acc0_ref, acc1_ref, hs_ref, dis_ref, b_ref, w_ref, o_ref):
    dis = dis_ref[...]
    h = (acc0_ref[...] + acc1_ref[...] + hs_ref[...]) * dis + b_ref[...]
    h = jnp.maximum(h, 0.0)
    o_ref[...] = jnp.dot(h, w_ref[...], preferred_element_type=jnp.float32,
                         precision=lax.Precision.HIGHEST) * dis


def _tc_fin_body(acc0_ref, acc1_ref, hs_ref, dis_ref, b_ref,
                 wc_ref, bc_ref, o_ref):
    dis = dis_ref[...]
    h = (acc0_ref[...] + acc1_ref[...] + hs_ref[...]) * dis + b_ref[...]
    h = jnp.maximum(h, 0.0)
    logits = jnp.dot(h, wc_ref[...], preferred_element_type=jnp.float32,
                     precision=lax.Precision.HIGHEST) + bc_ref[...]
    m = jnp.max(logits, axis=1, keepdims=True)
    lse = jnp.log(jnp.sum(jnp.exp(logits - m), axis=1, keepdims=True)) + m
    o_ref[...] = logits - lse


def _row_spec(width):
    return pl.BlockSpec((RB, width), lambda i: (i, 0))


def _full_spec(h, w):
    return pl.BlockSpec((h, w), lambda i: (0, 0))


_tc_pro = pl.pallas_call(
    _tc_pro_body,
    grid=(GRID,),
    in_specs=[_row_spec(D), _full_spec(D, D), _row_spec(D), _row_spec(D)],
    out_specs=[_row_spec(D), _row_spec(1)],
    out_shape=[jax.ShapeDtypeStruct((NP, D), jnp.float32),
               jax.ShapeDtypeStruct((NP, 1), jnp.float32)],
)

_tc_mid = pl.pallas_call(
    _tc_mid_body,
    grid=(GRID,),
    in_specs=[_row_spec(D), _row_spec(D), _row_spec(D), _row_spec(1),
              _full_spec(1, D), _full_spec(D, D)],
    out_specs=_row_spec(D),
    out_shape=jax.ShapeDtypeStruct((NP, D), jnp.float32),
)

_tc_fin = pl.pallas_call(
    _tc_fin_body,
    grid=(GRID,),
    in_specs=[_row_spec(D), _row_spec(D), _row_spec(D), _row_spec(1),
              _full_spec(1, D), _full_spec(D, ODIM),
              _full_spec(1, ODIM)],
    out_specs=_row_spec(ODIM),
    out_shape=jax.ShapeDtypeStruct((NP, ODIM), jnp.float32),
)


def kernel(x, edge_index, W1, b1, W2, b2, Wc, bc):
    src = edge_index[0].astype(jnp.int32)
    dst = edge_index[1].astype(jnp.int32)
    npad = EP - src.shape[0]
    pad_idx = (jnp.arange(npad, dtype=jnp.int32) % (NP - N)) + N
    src_f = jnp.concatenate([src, pad_idx]).reshape(NW, CPW, 1, CHUNK)
    dst_f = jnp.concatenate([dst, pad_idx]).reshape(NW, CPW, 1, CHUNK)
    idx_p = jnp.concatenate([src_f, dst_f], axis=2)
    dst_c = dst_f.reshape(NW, CPW, CHUNK)
    x_p = jnp.pad(x, ((0, NP - N), (0, 0)))
    ones16 = jnp.ones((CHUNK, D), jnp.float32)
    zeros16 = jnp.zeros((CHUNK, D), jnp.float32)

    deg = _sc_deg(dst_c, ones16, zeros16)
    hs1, dis = _tc_pro(x_p, W1, deg[0], deg[1])
    acc1 = _sc_agg(hs1, idx_p, zeros16)
    hs2 = _tc_mid(acc1[0], acc1[1], hs1, dis, b1.reshape(1, D), W2)
    acc2 = _sc_agg(hs2, idx_p, zeros16)
    out = _tc_fin(acc2[0], acc2[1], hs2, dis, b2.reshape(1, D),
                  Wc, bc.reshape(1, ODIM))
    return out[:N]

# --- scband reference (transcript-rebuilt; emitter-appended) ---
"""Pipeline reference for scband-gcn-395136991497 (READ-ONLY COPY).

The authoritative reference and input builder live on the scoring server;
editing this copy changes nothing except your own understanding.
"""

import jax, jax.numpy as jnp
import numpy as np

N_NODES = 10000
N_EDGES = 320000
IN_DIM = 128
HID_DIM = 128
MID_DIM = 128
OUT_DIM = 64


def setup_inputs(seed: int = 0) -> dict:
    key = jax.random.key(seed)
    ks = jax.random.split(key, 8)
    x = jax.random.normal(ks[0], (N_NODES, IN_DIM), dtype=jnp.float32)
    edge_index = jax.random.randint(ks[1], (2, N_EDGES), 0, N_NODES, dtype=jnp.int64)
    W1 = jax.random.normal(ks[2], (IN_DIM, HID_DIM), dtype=jnp.float32) * (1.0 / np.sqrt(IN_DIM))
    b1 = jnp.zeros((HID_DIM,), dtype=jnp.float32)
    W2 = jax.random.normal(ks[3], (HID_DIM, MID_DIM), dtype=jnp.float32) * (1.0 / np.sqrt(HID_DIM))
    b2 = jnp.zeros((MID_DIM,), dtype=jnp.float32)
    Wc = jax.random.normal(ks[4], (MID_DIM, OUT_DIM), dtype=jnp.float32) * (1.0 / np.sqrt(MID_DIM))
    bc = jnp.zeros((OUT_DIM,), dtype=jnp.float32)
    return {"x": x, "edge_index": edge_index, "W1": W1, "b1": b1, "W2": W2, "b2": b2, "Wc": Wc, "bc": bc}


def _gcn_conv(x, src, dst, W, b, n_nodes):
    # PyG GCNConv: add self-loops, symmetric normalization D^-1/2 A_hat D^-1/2
    loop = jnp.arange(n_nodes, dtype=src.dtype)
    src_f = jnp.concatenate([src, loop])
    dst_f = jnp.concatenate([dst, loop])
    deg = jnp.zeros((n_nodes,), dtype=x.dtype).at[dst_f].add(1.0)
    dis = jnp.where(deg > 0, deg ** -0.5, 0.0)
    norm = dis[src_f] * dis[dst_f]
    h = x @ W
    msg = h[src_f] * norm[:, None]
    out = jnp.zeros((n_nodes, h.shape[1]), dtype=h.dtype).at[dst_f].add(msg)
    return out + b


def reference(x, edge_index, W1, b1, W2, b2, Wc, bc):
    src = edge_index[0]
    dst = edge_index[1]
    n_nodes = x.shape[0]
    h = _gcn_conv(x, src, dst, W1, b1, n_nodes)
    h = jax.nn.relu(h)
    # dropout is identity in eval / deterministic reference
    h = _gcn_conv(h, src, dst, W2, b2, n_nodes)
    h = jax.nn.relu(h)
    logits = h @ Wc + bc
    return jax.nn.log_softmax(logits, axis=1)

if __name__ == "__main__":
    import jax
    _d = setup_inputs()
    print(jax.jit(kernel)(*tuple(_d.values())))

</pallas_src>

<mosaic_0001>
#map = affine_map<(d0, d1) -> (0, 0, 0)>
#map1 = affine_map<(d0, d1) -> (0, 0)>
module attributes {stable_mosaic.version = 14 : i64} {
  func.func @_sc_deg(%arg0: i32, %arg1: i32, %arg2: memref<32x80x128xi32, #tpu.memory_space<hbm>>, %arg3: memref<128x128xf32, #tpu.memory_space<hbm>>, %arg4: memref<128x128xf32, #tpu.memory_space<hbm>>, %arg5: memref<2x10240x128xf32, #tpu.memory_space<hbm>>, %arg6: memref<2x128xi32, #tpu.memory_space<vmem>>, %arg7: memref<128x128xf32, #tpu.memory_space<vmem>>, %arg8: memref<128x128xf32, #tpu.memory_space<vmem>>, %arg9: memref<10240x128xf32, #tpu.memory_space<vmem_shared>>, %arg10: memref<!tpu.dma_semaphore, #tpu.memory_space<semaphore_mem>>) attributes {dimension_semantics = [#tpu.dimension_semantics<core_parallel>, #tpu.dimension_semantics<subcore_parallel>], iteration_bounds = array<i64: 2, 16>, scalar_prefetch = 0 : i64, scratch_operands = 5 : i64, tpu.core_type = #tpu.core_type<sc_vector_subcore>, window_params = [{transform_indices = #map}, {transform_indices = #map1}, {transform_indices = #map1}, {transform_indices = #map}]} {
    %mul3A = arith.constant 16 : i32
    %mul3A_0 = arith.muli %arg0, %mul3A : i32
    %add3A = arith.addi %mul3A_0, %arg1 : i32
    "tpu.region"() ({
      %run_scoped3A = tpu.sem_alloc : memref<!tpu.dma_semaphore, #tpu.memory_space<semaphore_mem>>
      tpu.enqueue_dma source(%arg3 : memref<128x128xf32, #tpu.memory_space<hbm>>) target(%arg7 : memref<128x128xf32, #tpu.memory_space<vmem>>) target_semaphore(%run_scoped3A : memref<!tpu.dma_semaphore, #tpu.memory_space<semaphore_mem>>)
      tpu.wait_dma2 semaphore(%run_scoped3A : memref<!tpu.dma_semaphore, #tpu.memory_space<semaphore_mem>>) src(%arg3 : memref<128x128xf32, #tpu.memory_space<hbm>>) dst(%arg7 : memref<128x128xf32, #tpu.memory_space<vmem>>)
      tpu.yield
    }) : () -> ()
    "tpu.region"() ({
      %run_scoped3A = tpu.sem_alloc : memref<!tpu.dma_semaphore, #tpu.memory_space<semaphore_mem>>
      tpu.enqueue_dma source(%arg4 : memref<128x128xf32, #tpu.memory_space<hbm>>) target(%arg8 : memref<128x128xf32, #tpu.memory_space<vmem>>) target_semaphore(%run_scoped3A : memref<!tpu.dma_semaphore, #tpu.memory_space<semaphore_mem>>)
      tpu.wait_dma2 semaphore(%run_scoped3A : memref<!tpu.dma_semaphore, #tpu.memory_space<semaphore_mem>>) src(%arg4 : memref<128x128xf32, #tpu.memory_space<hbm>>) dst(%arg8 : memref<128x128xf32, #tpu.memory_space<vmem>>)
      tpu.yield
    }) : () -> ()
    %mul3A_1 = arith.constant 640 : i32
    %mul3A_2 = arith.muli %arg1, %mul3A_1 : i32
    %add3A_3 = arith.constant 0 : i32
    %add3A_4 = arith.addi %mul3A_2, %add3A_3 : i32
    "tpu.region"() ({
      %run_scoped3A = tpu.sem_alloc : memref<!tpu.dma_semaphore, #tpu.memory_space<semaphore_mem>>
      %dma_start3A_61 = arith.constant 0 : i32
      %dma_start3A_62 = tpu.memref_slice %arg9[%add3A_4, %dma_start3A_61] : memref<10240x128xf32, #tpu.memory_space<vmem_shared>> -> memref<128x128xf32, #tpu.memory_space<vmem_shared>>
      %dma_start3A_63 = arith.constant 0 : i32
      %dma_start3A_64 = tpu.memref_slice %arg9[%add3A_4, %dma_start3A_63] : memref<10240x128xf32, #tpu.memory_space<vmem_shared>> -> memref<128x128xf32, #tpu.memory_space<vmem_shared>>
      tpu.enqueue_dma source(%arg8 : memref<128x128xf32, #tpu.memory_space<vmem>>) target(%dma_start3A_64 : memref<128x128xf32, #tpu.memory_space<vmem_shared>>) target_semaphore(%run_scoped3A : memref<!tpu.dma_semaphore, #tpu.memory_space<semaphore_mem>>)
      %dma_wait3A = arith.constant 0 : i32
      %dma_wait3A_65 = tpu.memref_slice %arg9[%add3A_4, %dma_wait3A] : memref<10240x128xf32, #tpu.memory_space<vmem_shared>> -> memref<128x128xf32, #tpu.memory_space<vmem_shared>>
      %dma_wait3A_66 = arith.constant 0 : i32
      %dma_wait3A_67 = tpu.memref_slice %arg9[%add3A_4, %dma_wait3A_66] : memref<10240x128xf32, #tpu.memory_space<vmem_shared>> -> memref<128x128xf32, #tpu.memory_space<vmem_shared>>
      tpu.wait_dma2 semaphore(%run_scoped3A : memref<!tpu.dma_semaphore, #tpu.memory_space<semaphore_mem>>) src(%arg8 : memref<128x128xf32, #tpu.memory_space<vmem>>) dst(%dma_wait3A_67 : memref<128x128xf32, #tpu.memory_space<vmem_shared>>)
      tpu.yield
    }) : () -> ()
    %mul3A_5 = arith.constant 640 : i32
    %mul3A_6 = arith.muli %arg1, %mul3A_5 : i32
    %add3A_7 = arith.constant 128 : i32
    %add3A_8 = arith.addi %mul3A_6, %add3A_7 : i32
    "tpu.region"() ({
      %run_scoped3A = tpu.sem_alloc : memref<!tpu.dma_semaphore, #tpu.memory_space<semaphore_mem>>
      %dma_start3A_61 = arith.constant 0 : i32
      %dma_start3A_62 = tpu.memref_slice %arg9[%add3A_8, %dma_start3A_61] : memref<10240x128xf32, #tpu.memory_space<vmem_shared>> -> memref<128x128xf32, #tpu.memory_space<vmem_shared>>
      %dma_start3A_63 = arith.constant 0 : i32
      %dma_start3A_64 = tpu.memref_slice %arg9[%add3A_8, %dma_start3A_63] : memref<10240x128xf32, #tpu.memory_space<vmem_shared>> -> memref<128x128xf32, #tpu.memory_space<vmem_shared>>
      tpu.enqueue_dma source(%arg8 : memref<128x128xf32, #tpu.memory_space<vmem>>) target(%dma_start3A_64 : memref<128x128xf32, #tpu.memory_space<vmem_shared>>) target_semaphore(%run_scoped3A : memref<!tpu.dma_semaphore, #tpu.memory_space<semaphore_mem>>)
      %dma_wait3A = arith.constant 0 : i32
      %dma_wait3A_65 = tpu.memref_slice %arg9[%add3A_8, %dma_wait3A] : memref<10240x128xf32, #tpu.memory_space<vmem_shared>> -> memref<128x128xf32, #tpu.memory_space<vmem_shared>>
      %dma_wait3A_66 = arith.constant 0 : i32
      %dma_wait3A_67 = tpu.memref_slice %arg9[%add3A_8, %dma_wait3A_66] : memref<10240x128xf32, #tpu.memory_space<vmem_shared>> -> memref<128x128xf32, #tpu.memory_space<vmem_shared>>
      tpu.wait_dma2 semaphore(%run_scoped3A : memref<!tpu.dma_semaphore, #tpu.memory_space<semaphore_mem>>) src(%arg8 : memref<128x128xf32, #tpu.memory_space<vmem>>) dst(%dma_wait3A_67 : memref<128x128xf32, #tpu.memory_space<vmem_shared>>)
      tpu.yield
    }) : () -> ()
    %mul3A_9 = arith.constant 640 : i32
    %mul3A_10 = arith.muli %arg1, %mul3A_9 : i32
    %add3A_11 = arith.constant 256 : i32
    %add3A_12 = arith.addi %mul3A_10, %add3A_11 : i32
    "tpu.region"() ({
      %run_scoped3A = tpu.sem_alloc : memref<!tpu.dma_semaphore, #tpu.memory_space<semaphore_mem>>
      %dma_start3A_61 = arith.constant 0 : i32
      %dma_start3A_62 = tpu.memref_slice %arg9[%add3A_12, %dma_start3A_61] : memref<10240x128xf32, #tpu.memory_space<vmem_shared>> -> memref<128x128xf32, #tpu.memory_space<vmem_shared>>
      %dma_start3A_63 = arith.constant 0 : i32
      %dma_start3A_64 = tpu.memref_slice %arg9[%add3A_12, %dma_start3A_63] : memref<10240x128xf32, #tpu.memory_space<vmem_shared>> -> memref<128x128xf32, #tpu.memory_space<vmem_shared>>
      tpu.enqueue_dma source(%arg8 : memref<128x128xf32, #tpu.memory_space<vmem>>) target(%dma_start3A_64 : memref<128x128xf32, #tpu.memory_space<vmem_shared>>) target_semaphore(%run_scoped3A : memref<!tpu.dma_semaphore, #tpu.memory_space<semaphore_mem>>)
      %dma_wait3A = arith.constant 0 : i32
      %dma_wait3A_65 = tpu.memref_slice %arg9[%add3A_12, %dma_wait3A] : memref<10240x128xf32, #tpu.memory_space<vmem_shared>> -> memref<128x128xf32, #tpu.memory_space<vmem_shared>>
      %dma_wait3A_66 = arith.constant 0 : i32
      %dma_wait3A_67 = tpu.memref_slice %arg9[%add3A_12, %dma_wait3A_66] : memref<10240x128xf32, #tpu.memory_space<vmem_shared>> -> memref<128x128xf32, #tpu.memory_space<vmem_shared>>
      tpu.wait_dma2 semaphore(%run_scoped3A : memref<!tpu.dma_semaphore, #tpu.memory_space<semaphore_mem>>) src(%arg8 : memref<128x128xf32, #tpu.memory_space<vmem>>) dst(%dma_wait3A_67 : memref<128x128xf32, #tpu.memory_space<vmem_shared>>)
      tpu.yield
    }) : () -> ()
    %mul3A_13 = arith.constant 640 : i32
    %mul3A_14 = arith.muli %arg1, %mul3A_13 : i32
    %add3A_15 = arith.constant 384 : i32
    %add3A_16 = arith.addi %mul3A_14, %add3A_15 : i32
    "tpu.region"() ({
      %run_scoped3A = tpu.sem_alloc : memref<!tpu.dma_semaphore, #tpu.memory_space<semaphore_mem>>
      %dma_start3A_61 = arith.constant 0 : i32
      %dma_start3A_62 = tpu.memref_slice %arg9[%add3A_16, %dma_start3A_61] : memref<10240x128xf32, #tpu.memory_space<vmem_shared>> -> memref<128x128xf32, #tpu.memory_space<vmem_shared>>
      %dma_start3A_63 = arith.constant 0 : i32
      %dma_start3A_64 = tpu.memref_slice %arg9[%add3A_16, %dma_start3A_63] : memref<10240x128xf32, #tpu.memory_space<vmem_shared>> -> memref<128x128xf32, #tpu.memory_space<vmem_shared>>
      tpu.enqueue_dma source(%arg8 : memref<128x128xf32, #tpu.memory_space<vmem>>) target(%dma_start3A_64 : memref<128x128xf32, #tpu.memory_space<vmem_shared>>) target_semaphore(%run_scoped3A : memref<!tpu.dma_semaphore, #tpu.memory_space<semaphore_mem>>)
      %dma_wait3A = arith.constant 0 : i32
      %dma_wait3A_65 = tpu.memref_slice %arg9[%add3A_16, %dma_wait3A] : memref<10240x128xf32, #tpu.memory_space<vmem_shared>> -> memref<128x128xf32, #tpu.memory_space<vmem_shared>>
      %dma_wait3A_66 = arith.constant 0 : i32
      %dma_wait3A_67 = tpu.memref_slice %arg9[%add3A_16, %dma_wait3A_66] : memref<10240x128xf32, #tpu.memory_space<vmem_shared>> -> memref<128x128xf32, #tpu.memory_space<vmem_shared>>
      tpu.wait_dma2 semaphore(%run_scoped3A : memref<!tpu.dma_semaphore, #tpu.memory_space<semaphore_mem>>) src(%arg8 : memref<128x128xf32, #tpu.memory_space<vmem>>) dst(%dma_wait3A_67 : memref<128x128xf32, #tpu.memory_space<vmem_shared>>)
      tpu.yield
    }) : () -> ()
    %mul3A_17 = arith.constant 640 : i32
    %mul3A_18 = arith.muli %arg1, %mul3A_17 : i32
    %add3A_19 = arith.constant 512 : i32
    %add3A_20 = arith.addi %mul3A_18, %add3A_19 : i32
    "tpu.region"() ({
      %run_scoped3A = tpu.sem_alloc : memref<!tpu.dma_semaphore, #tpu.memory_space<semaphore_mem>>
      %dma_start3A_61 = arith.constant 0 : i32
      %dma_start3A_62 = tpu.memref_slice %arg9[%add3A_20, %dma_start3A_61] : memref<10240x128xf32, #tpu.memory_space<vmem_shared>> -> memref<128x128xf32, #tpu.memory_space<vmem_shared>>
      %dma_start3A_63 = arith.constant 0 : i32
      %dma_start3A_64 = tpu.memref_slice %arg9[%add3A_20, %dma_start3A_63] : memref<10240x128xf32, #tpu.memory_space<vmem_shared>> -> memref<128x128xf32, #tpu.memory_space<vmem_shared>>
      tpu.enqueue_dma source(%arg8 : memref<128x128xf32, #tpu.memory_space<vmem>>) target(%dma_start3A_64 : memref<128x128xf32, #tpu.memory_space<vmem_shared>>) target_semaphore(%run_scoped3A : memref<!tpu.dma_semaphore, #tpu.memory_space<semaphore_mem>>)
      %dma_wait3A = arith.constant 0 : i32
      %dma_wait3A_65 = tpu.memref_slice %arg9[%add3A_20, %dma_wait3A] : memref<10240x128xf32, #tpu.memory_space<vmem_shared>> -> memref<128x128xf32, #tpu.memory_space<vmem_shared>>
      %dma_wait3A_66 = arith.constant 0 : i32
      %dma_wait3A_67 = tpu.memref_slice %arg9[%add3A_20, %dma_wait3A_66] : memref<10240x128xf32, #tpu.memory_space<vmem_shared>> -> memref<128x128xf32, #tpu.memory_space<vmem_shared>>
      tpu.wait_dma2 semaphore(%run_scoped3A : memref<!tpu.dma_semaphore, #tpu.memory_space<semaphore_mem>>) src(%arg8 : memref<128x128xf32, #tpu.memory_space<vmem>>) dst(%dma_wait3A_67 : memref<128x128xf32, #tpu.memory_space<vmem_shared>>)
      tpu.yield
    }) : () -> ()
    %barrier3A = arith.constant 0 : index
    tpu.barrier barrier_id(%barrier3A)
    %dma_start3A = arith.constant 0 : i32
    %dma_start3A_21 = arith.constant 0 : i32
    %dma_start3A_22 = arith.constant 0 : i32
    %dma_start3A_23 = tpu.memref_slice %arg6[%dma_start3A_21, %dma_start3A_22] : memref<2x128xi32, #tpu.memory_space<vmem>> -> memref<1x128xi32, #tpu.memory_space<vmem>>
    %dma_start3A_24 = tpu.memref_squeeze %dma_start3A_23 : memref<1x128xi32, #tpu.memory_space<vmem>> -> memref<128xi32, #tpu.memory_space<vmem>>
    %dma_start3A_25 = arith.constant 0 : i32
    %dma_start3A_26 = tpu.memref_slice %arg2[%add3A, %dma_start3A, %dma_start3A_25] : memref<32x80x128xi32, #tpu.memory_space<hbm>> -> memref<1x1x128xi32, #tpu.memory_space<hbm>>
    %dma_start3A_27 = tpu.memref_squeeze %dma_start3A_26 : memref<1x1x128xi32, #tpu.memory_space<hbm>> -> memref<128xi32, #tpu.memory_space<hbm>>
    %dma_start3A_28 = arith.constant 0 : i32
    %dma_start3A_29 = tpu.memref_slice %arg6[%dma_start3A_21, %dma_start3A_28] : memref<2x128xi32, #tpu.memory_space<vmem>> -> memref<1x128xi32, #tpu.memory_space<vmem>>
    %dma_start3A_30 = tpu.memref_squeeze %dma_start3A_29 : memref<1x128xi32, #tpu.memory_space<vmem>> -> memref<128xi32, #tpu.memory_space<vmem>>
    %dma_start3A_31 = arith.constant 0 : i32
    %dma_start3A_32 = tpu.memref_slice %arg2[%add3A, %dma_start3A, %dma_start3A_31] : memref<32x80x128xi32, #tpu.memory_space<hbm>> -> memref<1x1x128xi32, #tpu.memory_space<hbm>>
    %dma_start3A_33 = tpu.memref_squeeze %dma_start3A_32 : memref<1x1x128xi32, #tpu.memory_space<hbm>> -> memref<128xi32, #tpu.memory_space<hbm>>
    tpu.enqueue_dma source(%dma_start3A_33 : memref<128xi32, #tpu.memory_space<hbm>>) target(%dma_start3A_30 : memref<128xi32, #tpu.memory_space<vmem>>) target_semaphore(%arg10 : memref<!tpu.dma_semaphore, #tpu.memory_space<semaphore_mem>>)
    %scan3A = arith.constant 0 : i32
    %scan3A_34 = arith.constant 0 : i32
    %scan3A_35 = arith.constant 40 : i32
    %scan3A_36 = arith.addi %scan3A_34, %scan3A_35 : i32
    %scan3A_37 = arith.constant 1 : i32
    %scan3A_38 = scf.for %scan3A_61 = %scan3A_34 to %scan3A_36 step %scan3A_37 iter_args(%scan3A_62 = %scan3A) -> (i32)  : i32 {
      %mul3A_63 = arith.constant 2 : i32
      %mul3A_64 = arith.muli %mul3A_63, %scan3A_61 : i32
      %add3A_65 = arith.constant 1 : i32
      %add3A_66 = arith.addi %mul3A_64, %add3A_65 : i32
      %dma_start3A_67 = arith.constant 1 : i32
      %dma_start3A_68 = arith.constant 0 : i32
      %dma_start3A_69 = tpu.memref_slice %arg6[%dma_start3A_67, %dma_start3A_68] : memref<2x128xi32, #tpu.memory_space<vmem>> -> memref<1x128xi32, #tpu.memory_space<vmem>>
      %dma_start3A_70 = tpu.memref_squeeze %dma_start3A_69 : memref<1x128xi32, #tpu.memory_space<vmem>> -> memref<128xi32, #tpu.memory_space<vmem>>
      %dma_start3A_71 = arith.constant 0 : i32
      %dma_start3A_72 = tpu.memref_slice %arg2[%add3A, %add3A_66, %dma_start3A_71] : memref<32x80x128xi32, #tpu.memory_space<hbm>> -> memref<1x1x128xi32, #tpu.memory_space<hbm>>
      %dma_start3A_73 = tpu.memref_squeeze %dma_start3A_72 : memref<1x1x128xi32, #tpu.memory_space<hbm>> -> memref<128xi32, #tpu.memory_space<hbm>>
      %dma_start3A_74 = arith.constant 0 : i32
      %dma_start3A_75 = tpu.memref_slice %arg6[%dma_start3A_67, %dma_start3A_74] : memref<2x128xi32, #tpu.memory_space<vmem>> -> memref<1x128xi32, #tpu.memory_space<vmem>>
      %dma_start3A_76 = tpu.memref_squeeze %dma_start3A_75 : memref<1x128xi32, #tpu.memory_space<vmem>> -> memref<128xi32, #tpu.memory_space<vmem>>
      %dma_start3A_77 = arith.constant 0 : i32
      %dma_start3A_78 = tpu.memref_slice %arg2[%add3A, %add3A_66, %dma_start3A_77] : memref<32x80x128xi32, #tpu.memory_space<hbm>> -> memref<1x1x128xi32, #tpu.memory_space<hbm>>
      %dma_start3A_79 = tpu.memref_squeeze %dma_start3A_78 : memref<1x1x128xi32, #tpu.memory_space<hbm>> -> memref<128xi32, #tpu.memory_space<hbm>>
      tpu.enqueue_dma source(%dma_start3A_79 : memref<128xi32, #tpu.memory_space<hbm>>) target(%dma_start3A_76 : memref<128xi32, #tpu.memory_space<vmem>>) target_semaphore(%arg10 : memref<!tpu.dma_semaphore, #tpu.memory_space<semaphore_mem>>)
      %dma_wait3A = arith.constant 0 : i32
      %dma_wait3A_80 = arith.constant 0 : i32
      %dma_wait3A_81 = tpu.memref_slice %arg6[%dma_wait3A, %dma_wait3A_80] : memref<2x128xi32, #tpu.memory_space<vmem>> -> memref<1x128xi32, #tpu.memory_space<vmem>>
      %dma_wait3A_82 = tpu.memref_squeeze %dma_wait3A_81 : memref<1x128xi32, #tpu.memory_space<vmem>> -> memref<128xi32, #tpu.memory_space<vmem>>
      %dma_wait3A_83 = arith.constant 0 : i32
      %dma_wait3A_84 = tpu.memref_slice %arg2[%add3A, %mul3A_64, %dma_wait3A_83] : memref<32x80x128xi32, #tpu.memory_space<hbm>> -> memref<1x1x128xi32, #tpu.memory_space<hbm>>
      %dma_wait3A_85 = tpu.memref_squeeze %dma_wait3A_84 : memref<1x1x128xi32, #tpu.memory_space<hbm>> -> memref<128xi32, #tpu.memory_space<hbm>>
      %dma_wait3A_86 = arith.constant 0 : i32
      %dma_wait3A_87 = tpu.memref_slice %arg6[%dma_wait3A, %dma_wait3A_86] : memref<2x128xi32, #tpu.memory_space<vmem>> -> memref<1x128xi32, #tpu.memory_space<vmem>>
      %dma_wait3A_88 = tpu.memref_squeeze %dma_wait3A_87 : memref<1x128xi32, #tpu.memory_space<vmem>> -> memref<128xi32, #tpu.memory_space<vmem>>
      %dma_wait3A_89 = arith.constant 0 : i32
      %dma_wait3A_90 = tpu.memref_slice %arg2[%add3A, %mul3A_64, %dma_wait3A_89] : memref<32x80x128xi32, #tpu.memory_space<hbm>> -> memref<1x1x128xi32, #tpu.memory_space<hbm>>
      %dma_wait3A_91 = tpu.memref_squeeze %dma_wait3A_90 : memref<1x1x128xi32, #tpu.memory_space<hbm>> -> memref<128xi32, #tpu.memory_space<hbm>>
      tpu.wait_dma2 semaphore(%arg10 : memref<!tpu.dma_semaphore, #tpu.memory_space<semaphore_mem>>) src(%dma_wait3A_91 : memref<128xi32, #tpu.memory_space<hbm>>) dst(%dma_wait3A_88 : memref<128xi32, #tpu.memory_space<vmem>>)
      %run_scoped3A = arith.constant 0 : i32
      "tpu.region"() ({
        %run_scoped3A_111 = tpu.sem_alloc : memref<!tpu.dma_semaphore, #tpu.memory_space<semaphore_mem>>
        %dma_start3A_112 = arith.constant 0 : i32
        %dma_start3A_113 = tpu.memref_slice %arg6[%run_scoped3A, %dma_start3A_112] : memref<2x128xi32, #tpu.memory_space<vmem>> -> memref<1x128xi32, #tpu.memory_space<vmem>>
        %dma_start3A_114 = tpu.memref_squeeze %dma_start3A_113 : memref<1x128xi32, #tpu.memory_space<vmem>> -> memref<128xi32, #tpu.memory_space<vmem>>
        %dma_start3A_115 = arith.constant 0 : i32
        %dma_start3A_116 = arith.constant 0 : i32
        %dma_start3A_117 = tpu.memref_slice %arg9[%dma_start3A_115, %dma_start3A_116] : memref<10240x128xf32, #tpu.memory_space<vmem_shared>> -> memref<10240x128xf32, #tpu.memory_space<vmem_shared>>
        tpu.enqueue_indirect_dma source(%arg7 : memref<128x128xf32, #tpu.memory_space<vmem>>) target(%dma_start3A_117 : memref<10240x128xf32, #tpu.memory_space<vmem_shared>>) offsets(%dma_start3A_114 : memref<128xi32, #tpu.memory_space<vmem>>) semaphore(%run_scoped3A_111 : memref<!tpu.dma_semaphore, #tpu.memory_space<semaphore_mem>>) {add = true}
        %dma_wait3A_118 = arith.constant 0 : i32
        %dma_wait3A_119 = tpu.memref_slice %arg6[%run_scoped3A, %dma_wait3A_118] : memref<2x128xi32, #tpu.memory_space<vmem>> -> memref<1x128xi32, #tpu.memory_space<vmem>>
        %dma_wait3A_120 = tpu.memref_squeeze %dma_wait3A_119 : memref<1x128xi32, #tpu.memory_space<vmem>> -> memref<128xi32, #tpu.memory_space<vmem>>
        %dma_wait3A_121 = arith.constant 0 : i32
        %dma_wait3A_122 = arith.constant 0 : i32
        %dma_wait3A_123 = tpu.memref_slice %arg9[%dma_wait3A_121, %dma_wait3A_122] : memref<10240x128xf32, #tpu.memory_space<vmem_shared>> -> memref<10240x128xf32, #tpu.memory_space<vmem_shared>>
        tpu.wait_indirect_dma semaphore(%run_scoped3A_111 : memref<!tpu.dma_semaphore, #tpu.memory_space<semaphore_mem>>) src(%arg7 : memref<128x128xf32, #tpu.memory_space<vmem>>) dst(%dma_wait3A_123 : memref<10240x128xf32, #tpu.memory_space<vmem_shared>>)
        tpu.yield
      }) : () -> ()
      %lt3A = arith.constant 39 : i32
      %lt3A_92 = arith.cmpi slt, %scan3A_61, %lt3A : i32
      %convert_element_type3A = arith.extui %lt3A_92 : i1 to i32
      %cond3A = arith.constant 0 : i32
      %cond3A_93 = arith.cmpi ne, %convert_element_type3A, %cond3A : i32
      scf.if %cond3A_93 {
        %add3A_111 = arith.constant 2 : i32
        %add3A_112 = arith.addi %mul3A_64, %add3A_111 : i32
        %dma_start3A_113 = arith.constant 0 : i32
        %dma_start3A_114 = arith.constant 0 : i32
        %dma_start3A_115 = tpu.memref_slice %arg6[%dma_start3A_113, %dma_start3A_114] : memref<2x128xi32, #tpu.memory_space<vmem>> -> memref<1x128xi32, #tpu.memory_space<vmem>>
        %dma_start3A_116 = tpu.memref_squeeze %dma_start3A_115 : memref<1x128xi32, #tpu.memory_space<vmem>> -> memref<128xi32, #tpu.memory_space<vmem>>
        %dma_start3A_117 = arith.constant 0 : i32
        %dma_start3A_118 = tpu.memref_slice %arg2[%add3A, %add3A_112, %dma_start3A_117] : memref<32x80x128xi32, #tpu.memory_space<hbm>> -> memref<1x1x128xi32, #tpu.memory_space<hbm>>
        %dma_start3A_119 = tpu.memref_squeeze %dma_start3A_118 : memref<1x1x128xi32, #tpu.memory_space<hbm>> -> memref<128xi32, #tpu.memory_space<hbm>>
        %dma_start3A_120 = arith.constant 0 : i32
        %dma_start3A_121 = tpu.memref_slice %arg6[%dma_start3A_113, %dma_start3A_120] : memref<2x128xi32, #tpu.memory_space<vmem>> -> memref<1x128xi32, #tpu.memory_space<vmem>>
        %dma_start3A_122 = tpu.memref_squeeze %dma_start3A_121 : memref<1x128xi32, #tpu.memory_space<vmem>> -> memref<128xi32, #tpu.memory_space<vmem>>
        %dma_start3A_123 = arith.constant 0 : i32
        %dma_start3A_124 = tpu.memref_slice %arg2[%add3A, %add3A_112, %dma_start3A_123] : memref<32x80x128xi32, #tpu.memory_space<hbm>> -> memref<1x1x128xi32, #tpu.memory_space<hbm>>
        %dma_start3A_125 = tpu.memref_squeeze %dma_start3A_124 : memref<1x1x128xi32, #tpu.memory_space<hbm>> -> memref<128xi32, #tpu.memory_space<hbm>>
        tpu.enqueue_dma source(%dma_start3A_125 : memref<128xi32, #tpu.memory_space<hbm>>) target(%dma_start3A_122 : memref<128xi32, #tpu.memory_space<vmem>>) target_semaphore(%arg10 : memref<!tpu.dma_semaphore, #tpu.memory_space<semaphore_mem>>)
      } else {
      }
      %add3A_94 = arith.constant 1 : i32
      %add3A_95 = arith.addi %mul3A_64, %add3A_94 : i32
      %dma_wait3A_96 = arith.constant 1 : i32
      %dma_wait3A_97 = arith.constant 0 : i32
      %dma_wait3A_98 = tpu.memref_slice %arg6[%dma_wait3A_96, %dma_wait3A_97] : memref<2x128xi32, #tpu.memory_space<vmem>> -> memref<1x128xi32, #tpu.memory_space<vmem>>
      %dma_wait3A_99 = tpu.memref_squeeze %dma_wait3A_98 : memref<1x128xi32, #tpu.memory_space<vmem>> -> memref<128xi32, #tpu.memory_space<vmem>>
      %dma_wait3A_100 = arith.constant 0 : i32
      %dma_wait3A_101 = tpu.memref_slice %arg2[%add3A, %add3A_95, %dma_wait3A_100] : memref<32x80x128xi32, #tpu.memory_space<hbm>> -> memref<1x1x128xi32, #tpu.memory_space<hbm>>
      %dma_wait3A_102 = tpu.memref_squeeze %dma_wait3A_101 : memref<1x1x128xi32, #tpu.memory_space<hbm>> -> memref<128xi32, #tpu.memory_space<hbm>>
      %dma_wait3A_103 = arith.constant 0 : i32
      %dma_wait3A_104 = tpu.memref_slice %arg6[%dma_wait3A_96, %dma_wait3A_103] : memref<2x128xi32, #tpu.memory_space<vmem>> -> memref<1x128xi32, #tpu.memory_space<vmem>>
      %dma_wait3A_105 = tpu.memref_squeeze %dma_wait3A_104 : memref<1x128xi32, #tpu.memory_space<vmem>> -> memref<128xi32, #tpu.memory_space<vmem>>
      %dma_wait3A_106 = arith.constant 0 : i32
      %dma_wait3A_107 = tpu.memref_slice %arg2[%add3A, %add3A_95, %dma_wait3A_106] : memref<32x80x128xi32, #tpu.memory_space<hbm>> -> memref<1x1x128xi32, #tpu.memory_space<hbm>>
      %dma_wait3A_108 = tpu.memref_squeeze %dma_wait3A_107 : memref<1x1x128xi32, #tpu.memory_space<hbm>> -> memref<128xi32, #tpu.memory_space<hbm>>
      tpu.wait_dma2 semaphore(%arg10 : memref<!tpu.dma_semaphore, #tpu.memory_space<semaphore_mem>>) src(%dma_wait3A_108 : memref<128xi32, #tpu.memory_space<hbm>>) dst(%dma_wait3A_105 : memref<128xi32, #tpu.memory_space<vmem>>)
      %run_scoped3A_109 = arith.constant 1 : i32
      "tpu.region"() ({
        %run_scoped3A_111 = tpu.sem_alloc : memref<!tpu.dma_semaphore, #tpu.memory_space<semaphore_mem>>
        %dma_start3A_112 = arith.constant 0 : i32
        %dma_start3A_113 = tpu.memref_slice %arg6[%run_scoped3A_109, %dma_start3A_112] : memref<2x128xi32, #tpu.memory_space<vmem>> -> memref<1x128xi32, #tpu.memory_space<vmem>>
        %dma_start3A_114 = tpu.memref_squeeze %dma_start3A_113 : memref<1x128xi32, #tpu.memory_space<vmem>> -> memref<128xi32, #tpu.memory_space<vmem>>
        %dma_start3A_115 = arith.constant 0 : i32
        %dma_start3A_116 = arith.constant 0 : i32
        %dma_start3A_117 = tpu.memref_slice %arg9[%dma_start3A_115, %dma_start3A_116] : memref<10240x128xf32, #tpu.memory_space<vmem_shared>> -> memref<10240x128xf32, #tpu.memory_space<vmem_shared>>
        tpu.enqueue_indirect_dma source(%arg7 : memref<128x128xf32, #tpu.memory_space<vmem>>) target(%dma_start3A_117 : memref<10240x128xf32, #tpu.memory_space<vmem_shared>>) offsets(%dma_start3A_114 : memref<128xi32, #tpu.memory_space<vmem>>) semaphore(%run_scoped3A_111 : memref<!tpu.dma_semaphore, #tpu.memory_space<semaphore_mem>>) {add = true}
        %dma_wait3A_118 = arith.constant 0 : i32
        %dma_wait3A_119 = tpu.memref_slice %arg6[%run_scoped3A_109, %dma_wait3A_118] : memref<2x128xi32, #tpu.memory_space<vmem>> -> memref<1x128xi32, #tpu.memory_space<vmem>>
        %dma_wait3A_120 = tpu.memref_squeeze %dma_wait3A_119 : memref<1x128xi32, #tpu.memory_space<vmem>> -> memref<128xi32, #tpu.memory_space<vmem>>
        %dma_wait3A_121 = arith.constant 0 : i32
        %dma_wait3A_122 = arith.constant 0 : i32
        %dma_wait3A_123 = tpu.memref_slice %arg9[%dma_wait3A_121, %dma_wait3A_122] : memref<10240x128xf32, #tpu.memory_space<vmem_shared>> -> memref<10240x128xf32, #tpu.memory_space<vmem_shared>>
        tpu.wait_indirect_dma semaphore(%run_scoped3A_111 : memref<!tpu.dma_semaphore, #tpu.memory_space<semaphore_mem>>) src(%arg7 : memref<128x128xf32, #tpu.memory_space<vmem>>) dst(%dma_wait3A_123 : memref<10240x128xf32, #tpu.memory_space<vmem_shared>>)
        tpu.yield
      }) : () -> ()
      %scan3A_110 = arith.constant 0 : i32
      scf.yield %scan3A_110 : i32
    }
    %scan3A_39 = arith.constant 40 : i32
    %barrier3A_40 = arith.constant 0 : index
    tpu.barrier barrier_id(%barrier3A_40)
    %mul3A_41 = arith.constant 640 : i32
    %mul3A_42 = arith.muli %arg1, %mul3A_41 : i32
    %add3A_43 = arith.constant 0 : i32
    %add3A_44 = arith.addi %mul3A_42, %add3A_43 : i32
    "tpu.region"() ({
      %run_scoped3A = tpu.sem_alloc : memref<!tpu.dma_semaphore, #tpu.memory_space<semaphore_mem>>
      %dma_start3A_61 = arith.constant 0 : i32
      %dma_start3A_62 = tpu.memref_slice %arg9[%add3A_44, %dma_start3A_61] : memref<10240x128xf32, #tpu.memory_space<vmem_shared>> -> memref<128x128xf32, #tpu.memory_space<vmem_shared>>
      %dma_start3A_63 = arith.constant 0 : i32
      %dma_start3A_64 = tpu.memref_slice %arg9[%add3A_44, %dma_start3A_63] : memref<10240x128xf32, #tpu.memory_space<vmem_shared>> -> memref<128x128xf32, #tpu.memory_space<vmem_shared>>
      tpu.enqueue_dma source(%dma_start3A_64 : memref<128x128xf32, #tpu.memory_space<vmem_shared>>) target(%arg8 : memref<128x128xf32, #tpu.memory_space<vmem>>) target_semaphore(%run_scoped3A : memref<!tpu.dma_semaphore, #tpu.memory_space<semaphore_mem>>)
      %dma_wait3A = arith.constant 0 : i32
      %dma_wait3A_65 = tpu.memref_slice %arg9[%add3A_44, %dma_wait3A] : memref<10240x128xf32, #tpu.memory_space<vmem_shared>> -> memref<128x128xf32, #tpu.memory_space<vmem_shared>>
      %dma_wait3A_66 = arith.constant 0 : i32
      %dma_wait3A_67 = tpu.memref_slice %arg9[%add3A_44, %dma_wait3A_66] : memref<10240x128xf32, #tpu.memory_space<vmem_shared>> -> memref<128x128xf32, #tpu.memory_space<vmem_shared>>
      tpu.wait_dma2 semaphore(%run_scoped3A : memref<!tpu.dma_semaphore, #tpu.memory_space<semaphore_mem>>) src(%dma_wait3A_67 : memref<128x128xf32, #tpu.memory_space<vmem_shared>>) dst(%arg8 : memref<128x128xf32, #tpu.memory_space<vmem>>)
      tpu.yield
    }) : () -> ()
    "tpu.region"() ({
      %run_scoped3A = tpu.sem_alloc : memref<!tpu.dma_semaphore, #tpu.memory_space<semaphore_mem>>
      %dma_start3A_61 = arith.constant 0 : i32
      %dma_start3A_62 = tpu.memref_slice %arg5[%arg0, %add3A_44, %dma_start3A_61] : memref<2x10240x128xf32, #tpu.memory_space<hbm>> -> memref<1x128x128xf32, #tpu.memory_space<hbm>>
      %dma_start3A_63 = tpu.memref_squeeze %dma_start3A_62 : memref<1x128x128xf32, #tpu.memory_space<hbm>> -> memref<128x128xf32, #tpu.memory_space<hbm>>
      %dma_start3A_64 = arith.constant 0 : i32
      %dma_start3A_65 = tpu.memref_slice %arg5[%arg0, %add3A_44, %dma_start3A_64] : memref<2x10240x128xf32, #tpu.memory_space<hbm>> -> memref<1x128x128xf32, #tpu.memory_space<hbm>>
      %dma_start3A_66 = tpu.memref_squeeze %dma_start3A_65 : memref<1x128x128xf32, #tpu.memory_space<hbm>> -> memref<128x128xf32, #tpu.memory_space<hbm>>
      tpu.enqueue_dma source(%arg8 : memref<128x128xf32, #tpu.memory_space<vmem>>) target(%dma_start3A_66 : memref<128x128xf32, #tpu.memory_space<hbm>>) target_semaphore(%run_scoped3A : memref<!tpu.dma_semaphore, #tpu.memory_space<semaphore_mem>>)
      %dma_wait3A = arith.constant 0 : i32
      %dma_wait3A_67 = tpu.memref_slice %arg5[%arg0, %add3A_44, %dma_wait3A] : memref<2x10240x128xf32, #tpu.memory_space<hbm>> -> memref<1x128x128xf32, #tpu.memory_space<hbm>>
      %dma_wait3A_68 = tpu.memref_squeeze %dma_wait3A_67 : memref<1x128x128xf32, #tpu.memory_space<hbm>> -> memref<128x128xf32, #tpu.memory_space<hbm>>
      %dma_wait3A_69 = arith.constant 0 : i32
      %dma_wait3A_70 = tpu.memref_slice %arg5[%arg0, %add3A_44, %dma_wait3A_69] : memref<2x10240x128xf32, #tpu.memory_space<hbm>> -> memref<1x128x128xf32, #tpu.memory_space<hbm>>
      %dma_wait3A_71 = tpu.memref_squeeze %dma_wait3A_70 : memref<1x128x128xf32, #tpu.memory_space<hbm>> -> memref<128x128xf32, #tpu.memory_space<hbm>>
      tpu.wait_dma2 semaphore(%run_scoped3A : memref<!tpu.dma_semaphore, #tpu.memory_space<semaphore_mem>>) src(%arg8 : memref<128x128xf32, #tpu.memory_space<vmem>>) dst(%dma_wait3A_71 : memref<128x128xf32, #tpu.memory_space<hbm>>)
      tpu.yield
    }) : () -> ()
    %mul3A_45 = arith.constant 640 : i32
    %mul3A_46 = arith.muli %arg1, %mul3A_45 : i32
    %add3A_47 = arith.constant 128 : i32
    %add3A_48 = arith.addi %mul3A_46, %add3A_47 : i32
    "tpu.region"() ({
      %run_scoped3A = tpu.sem_alloc : memref<!tpu.dma_semaphore, #tpu.memory_space<semaphore_mem>>
      %dma_start3A_61 = arith.constant 0 : i32
      %dma_start3A_62 = tpu.memref_slice %arg9[%add3A_48, %dma_start3A_61] : memref<10240x128xf32, #tpu.memory_space<vmem_shared>> -> memref<128x128xf32, #tpu.memory_space<vmem_shared>>
      %dma_start3A_63 = arith.constant 0 : i32
      %dma_start3A_64 = tpu.memref_slice %arg9[%add3A_48, %dma_start3A_63] : memref<10240x128xf32, #tpu.memory_space<vmem_shared>> -> memref<128x128xf32, #tpu.memory_space<vmem_shared>>
      tpu.enqueue_dma source(%dma_start3A_64 : memref<128x128xf32, #tpu.memory_space<vmem_shared>>) target(%arg8 : memref<128x128xf32, #tpu.memory_space<vmem>>) target_semaphore(%run_scoped3A : memref<!tpu.dma_semaphore, #tpu.memory_space<semaphore_mem>>)
      %dma_wait3A = arith.constant 0 : i32
      %dma_wait3A_65 = tpu.memref_slice %arg9[%add3A_48, %dma_wait3A] : memref<10240x128xf32, #tpu.memory_space<vmem_shared>> -> memref<128x128xf32, #tpu.memory_space<vmem_shared>>
      %dma_wait3A_66 = arith.constant 0 : i32
      %dma_wait3A_67 = tpu.memref_slice %arg9[%add3A_48, %dma_wait3A_66] : memref<10240x128xf32, #tpu.memory_space<vmem_shared>> -> memref<128x128xf32, #tpu.memory_space<vmem_shared>>
      tpu.wait_dma2 semaphore(%run_scoped3A : memref<!tpu.dma_semaphore, #tpu.memory_space<semaphore_mem>>) src(%dma_wait3A_67 : memref<128x128xf32, #tpu.memory_space<vmem_shared>>) dst(%arg8 : memref<128x128xf32, #tpu.memory_space<vmem>>)
      tpu.yield
    }) : () -> ()
    "tpu.region"() ({
      %run_scoped3A = tpu.sem_alloc : memref<!tpu.dma_semaphore, #tpu.memory_space<semaphore_mem>>
      %dma_start3A_61 = arith.constant 0 : i32
      %dma_start3A_62 = tpu.memref_slice %arg5[%arg0, %add3A_48, %dma_start3A_61] : memref<2x10240x128xf32, #tpu.memory_space<hbm>> -> memref<1x128x128xf32, #tpu.memory_space<hbm>>
      %dma_start3A_63 = tpu.memref_squeeze %dma_start3A_62 : memref<1x128x128xf32, #tpu.memory_space<hbm>> -> memref<128x128xf32, #tpu.memory_space<hbm>>
      %dma_start3A_64 = arith.constant 0 : i32
      %dma_start3A_65 = tpu.memref_slice %arg5[%arg0, %add3A_48, %dma_start3A_64] : memref<2x10240x128xf32, #tpu.memory_space<hbm>> -> memref<1x128x128xf32, #tpu.memory_space<hbm>>
      %dma_start3A_66 = tpu.memref_squeeze %dma_start3A_65 : memref<1x128x128xf32, #tpu.memory_space<hbm>> -> memref<128x128xf32, #tpu.memory_space<hbm>>
      tpu.enqueue_dma source(%arg8 : memref<128x128xf32, #tpu.memory_space<vmem>>) target(%dma_start3A_66 : memref<128x128xf32, #tpu.memory_space<hbm>>) target_semaphore(%run_scoped3A : memref<!tpu.dma_semaphore, #tpu.memory_space<semaphore_mem>>)
      %dma_wait3A = arith.constant 0 : i32
      %dma_wait3A_67 = tpu.memref_slice %arg5[%arg0, %add3A_48, %dma_wait3A] : memref<2x10240x128xf32, #tpu.memory_space<hbm>> -> memref<1x128x128xf32, #tpu.memory_space<hbm>>
      %dma_wait3A_68 = tpu.memref_squeeze %dma_wait3A_67 : memref<1x128x128xf32, #tpu.memory_space<hbm>> -> memref<128x128xf32, #tpu.memory_space<hbm>>
      %dma_wait3A_69 = arith.constant 0 : i32
      %dma_wait3A_70 = tpu.memref_slice %arg5[%arg0, %add3A_48, %dma_wait3A_69] : memref<2x10240x128xf32, #tpu.memory_space<hbm>> -> memref<1x128x128xf32, #tpu.memory_space<hbm>>
      %dma_wait3A_71 = tpu.memref_squeeze %dma_wait3A_70 : memref<1x128x128xf32, #tpu.memory_space<hbm>> -> memref<128x128xf32, #tpu.memory_space<hbm>>
      tpu.wait_dma2 semaphore(%run_scoped3A : memref<!tpu.dma_semaphore, #tpu.memory_space<semaphore_mem>>) src(%arg8 : memref<128x128xf32, #tpu.memory_space<vmem>>) dst(%dma_wait3A_71 : memref<128x128xf32, #tpu.memory_space<hbm>>)
      tpu.yield
    }) : () -> ()
    %mul3A_49 = arith.constant 640 : i32
    %mul3A_50 = arith.muli %arg1, %mul3A_49 : i32
    %add3A_51 = arith.constant 256 : i32
    %add3A_52 = arith.addi %mul3A_50, %add3A_51 : i32
    "tpu.region"() ({
      %run_scoped3A = tpu.sem_alloc : memref<!tpu.dma_semaphore, #tpu.memory_space<semaphore_mem>>
      %dma_start3A_61 = arith.constant 0 : i32
      %dma_start3A_62 = tpu.memref_slice %arg9[%add3A_52, %dma_start3A_61] : memref<10240x128xf32, #tpu.memory_space<vmem_shared>> -> memref<128x128xf32, #tpu.memory_space<vmem_shared>>
      %dma_start3A_63 = arith.constant 0 : i32
      %dma_start3A_64 = tpu.memref_slice %arg9[%add3A_52, %dma_start3A_63] : memref<10240x128xf32, #tpu.memory_space<vmem_shared>> -> memref<128x128xf32, #tpu.memory_space<vmem_shared>>
      tpu.enqueue_dma source(%dma_start3A_64 : memref<128x128xf32, #tpu.memory_space<vmem_shared>>) target(%arg8 : memref<128x128xf32, #tpu.memory_space<vmem>>) target_semaphore(%run_scoped3A : memref<!tpu.dma_semaphore, #tpu.memory_space<semaphore_mem>>)
      %dma_wait3A = arith.constant 0 : i32
      %dma_wait3A_65 = tpu.memref_slice %arg9[%add3A_52, %dma_wait3A] : memref<10240x128xf32, #tpu.memory_space<vmem_shared>> -> memref<128x128xf32, #tpu.memory_space<vmem_shared>>
      %dma_wait3A_66 = arith.constant 0 : i32
      %dma_wait3A_67 = tpu.memref_slice %arg9[%add3A_52, %dma_wait3A_66] : memref<10240x128xf32, #tpu.memory_space<vmem_shared>> -> memref<128x128xf32, #tpu.memory_space<vmem_shared>>
      tpu.wait_dma2 semaphore(%run_scoped3A : memref<!tpu.dma_semaphore, #tpu.memory_space<semaphore_mem>>) src(%dma_wait3A_67 : memref<128x128xf32, #tpu.memory_space<vmem_shared>>) dst(%arg8 : memref<128x128xf32, #tpu.memory_space<vmem>>)
      tpu.yield
    }) : () -> ()
    "tpu.region"() ({
      %run_scoped3A = tpu.sem_alloc : memref<!tpu.dma_semaphore, #tpu.memory_space<semaphore_mem>>
      %dma_start3A_61 = arith.constant 0 : i32
      %dma_start3A_62 = tpu.memref_slice %arg5[%arg0, %add3A_52, %dma_start3A_61] : memref<2x10240x128xf32, #tpu.memory_space<hbm>> -> memref<1x128x128xf32, #tpu.memory_space<hbm>>
      %dma_start3A_63 = tpu.memref_squeeze %dma_start3A_62 : memref<1x128x128xf32, #tpu.memory_space<hbm>> -> memref<128x128xf32, #tpu.memory_space<hbm>>
      %dma_start3A_64 = arith.constant 0 : i32
      %dma_start3A_65 = tpu.memref_slice %arg5[%arg0, %add3A_52, %dma_start3A_64] : memref<2x10240x128xf32, #tpu.memory_space<hbm>> -> memref<1x128x128xf32, #tpu.memory_space<hbm>>
      %dma_start3A_66 = tpu.memref_squeeze %dma_start3A_65 : memref<1x128x128xf32, #tpu.memory_space<hbm>> -> memref<128x128xf32, #tpu.memory_space<hbm>>
      tpu.enqueue_dma source(%arg8 : memref<128x128xf32, #tpu.memory_space<vmem>>) target(%dma_start3A_66 : memref<128x128xf32, #tpu.memory_space<hbm>>) target_semaphore(%run_scoped3A : memref<!tpu.dma_semaphore, #tpu.memory_space<semaphore_mem>>)
      %dma_wait3A = arith.constant 0 : i32
      %dma_wait3A_67 = tpu.memref_slice %arg5[%arg0, %add3A_52, %dma_wait3A] : memref<2x10240x128xf32, #tpu.memory_space<hbm>> -> memref<1x128x128xf32, #tpu.memory_space<hbm>>
      %dma_wait3A_68 = tpu.memref_squeeze %dma_wait3A_67 : memref<1x128x128xf32, #tpu.memory_space<hbm>> -> memref<128x128xf32, #tpu.memory_space<hbm>>
      %dma_wait3A_69 = arith.constant 0 : i32
      %dma_wait3A_70 = tpu.memref_slice %arg5[%arg0, %add3A_52, %dma_wait3A_69] : memref<2x10240x128xf32, #tpu.memory_space<hbm>> -> memref<1x128x128xf32, #tpu.memory_space<hbm>>
      %dma_wait3A_71 = tpu.memref_squeeze %dma_wait3A_70 : memref<1x128x128xf32, #tpu.memory_space<hbm>> -> memref<128x128xf32, #tpu.memory_space<hbm>>
      tpu.wait_dma2 semaphore(%run_scoped3A : memref<!tpu.dma_semaphore, #tpu.memory_space<semaphore_mem>>) src(%arg8 : memref<128x128xf32, #tpu.memory_space<vmem>>) dst(%dma_wait3A_71 : memref<128x128xf32, #tpu.memory_space<hbm>>)
      tpu.yield
    }) : () -> ()
    %mul3A_53 = arith.constant 640 : i32
    %mul3A_54 = arith.muli %arg1, %mul3A_53 : i32
    %add3A_55 = arith.constant 384 : i32
    %add3A_56 = arith.addi %mul3A_54, %add3A_55 : i32
    "tpu.region"() ({
      %run_scoped3A = tpu.sem_alloc : memref<!tpu.dma_semaphore, #tpu.memory_space<semaphore_mem>>
      %dma_start3A_61 = arith.constant 0 : i32
      %dma_start3A_62 = tpu.memref_slice %arg9[%add3A_56, %dma_start3A_61] : memref<10240x128xf32, #tpu.memory_space<vmem_shared>> -> memref<128x128xf32, #tpu.memory_space<vmem_shared>>
      %dma_start3A_63 = arith.constant 0 : i32
      %dma_start3A_64 = tpu.memref_slice %arg9[%add3A_56, %dma_start3A_63] : memref<10240x128xf32, #tpu.memory_space<vmem_shared>> -> memref<128x128xf32, #tpu.memory_space<vmem_shared>>
      tpu.enqueue_dma source(%dma_start3A_64 : memref<128x128xf32, #tpu.memory_space<vmem_shared>>) target(%arg8 : memref<128x128xf32, #tpu.memory_space<vmem>>) target_semaphore(%run_scoped3A : memref<!tpu.dma_semaphore, #tpu.memory_space<semaphore_mem>>)
      %dma_wait3A = arith.constant 0 : i32
      %dma_wait3A_65 = tpu.memref_slice %arg9[%add3A_56, %dma_wait3A] : memref<10240x128xf32, #tpu.memory_space<vmem_shared>> -> memref<128x128xf32, #tpu.memory_space<vmem_shared>>
      %dma_wait3A_66 = arith.constant 0 : i32
      %dma_wait3A_67 = tpu.memref_slice %arg9[%add3A_56, %dma_wait3A_66] : memref<10240x128xf32, #tpu.memory_space<vmem_shared>> -> memref<128x128xf32, #tpu.memory_space<vmem_shared>>
      tpu.wait_dma2 semaphore(%run_scoped3A : memref<!tpu.dma_semaphore, #tpu.memory_space<semaphore_mem>>) src(%dma_wait3A_67 : memref<128x128xf32, #tpu.memory_space<vmem_shared>>) dst(%arg8 : memref<128x128xf32, #tpu.memory_space<vmem>>)
      tpu.yield
    }) : () -> ()
    "tpu.region"() ({
      %run_scoped3A = tpu.sem_alloc : memref<!tpu.dma_semaphore, #tpu.memory_space<semaphore_mem>>
      %dma_start3A_61 = arith.constant 0 : i32
      %dma_start3A_62 = tpu.memref_slice %arg5[%arg0, %add3A_56, %dma_start3A_61] : memref<2x10240x128xf32, #tpu.memory_space<hbm>> -> memref<1x128x128xf32, #tpu.memory_space<hbm>>
      %dma_start3A_63 = tpu.memref_squeeze %dma_start3A_62 : memref<1x128x128xf32, #tpu.memory_space<hbm>> -> memref<128x128xf32, #tpu.memory_space<hbm>>
      %dma_start3A_64 = arith.constant 0 : i32
      %dma_start3A_65 = tpu.memref_slice %arg5[%arg0, %add3A_56, %dma_start3A_64] : memref<2x10240x128xf32, #tpu.memory_space<hbm>> -> memref<1x128x128xf32, #tpu.memory_space<hbm>>
      %dma_start3A_66 = tpu.memref_squeeze %dma_start3A_65 : memref<1x128x128xf32, #tpu.memory_space<hbm>> -> memref<128x128xf32, #tpu.memory_space<hbm>>
      tpu.enqueue_dma source(%arg8 : memref<128x128xf32, #tpu.memory_space<vmem>>) target(%dma_start3A_66 : memref<128x128xf32, #tpu.memory_space<hbm>>) target_semaphore(%run_scoped3A : memref<!tpu.dma_semaphore, #tpu.memory_space<semaphore_mem>>)
      %dma_wait3A = arith.constant 0 : i32
      %dma_wait3A_67 = tpu.memref_slice %arg5[%arg0, %add3A_56, %dma_wait3A] : memref<2x10240x128xf32, #tpu.memory_space<hbm>> -> memref<1x128x128xf32, #tpu.memory_space<hbm>>
      %dma_wait3A_68 = tpu.memref_squeeze %dma_wait3A_67 : memref<1x128x128xf32, #tpu.memory_space<hbm>> -> memref<128x128xf32, #tpu.memory_space<hbm>>
      %dma_wait3A_69 = arith.constant 0 : i32
      %dma_wait3A_70 = tpu.memref_slice %arg5[%arg0, %add3A_56, %dma_wait3A_69] : memref<2x10240x128xf32, #tpu.memory_space<hbm>> -> memref<1x128x128xf32, #tpu.memory_space<hbm>>
      %dma_wait3A_71 = tpu.memref_squeeze %dma_wait3A_70 : memref<1x128x128xf32, #tpu.memory_space<hbm>> -> memref<128x128xf32, #tpu.memory_space<hbm>>
      tpu.wait_dma2 semaphore(%run_scoped3A : memref<!tpu.dma_semaphore, #tpu.memory_space<semaphore_mem>>) src(%arg8 : memref<128x128xf32, #tpu.memory_space<vmem>>) dst(%dma_wait3A_71 : memref<128x128xf32, #tpu.memory_space<hbm>>)
      tpu.yield
    }) : () -> ()
    %mul3A_57 = arith.constant 640 : i32
    %mul3A_58 = arith.muli %arg1, %mul3A_57 : i32
    %add3A_59 = arith.constant 512 : i32
    %add3A_60 = arith.addi %mul3A_58, %add3A_59 : i32
    "tpu.region"() ({
      %run_scoped3A = tpu.sem_alloc : memref<!tpu.dma_semaphore, #tpu.memory_space<semaphore_mem>>
      %dma_start3A_61 = arith.constant 0 : i32
      %dma_start3A_62 = tpu.memref_slice %arg9[%add3A_60, %dma_start3A_61] : memref<10240x128xf32, #tpu.memory_space<vmem_shared>> -> memref<128x128xf32, #tpu.memory_space<vmem_shared>>
      %dma_start3A_63 = arith.constant 0 : i32
      %dma_start3A_64 = tpu.memref_slice %arg9[%add3A_60, %dma_start3A_63] : memref<10240x128xf32, #tpu.memory_space<vmem_shared>> -> memref<128x128xf32, #tpu.memory_space<vmem_shared>>
      tpu.enqueue_dma source(%dma_start3A_64 : memref<128x128xf32, #tpu.memory_space<vmem_shared>>) target(%arg8 : memref<128x128xf32, #tpu.memory_space<vmem>>) target_semaphore(%run_scoped3A : memref<!tpu.dma_semaphore, #tpu.memory_space<semaphore_mem>>)
      %dma_wait3A = arith.constant 0 : i32
      %dma_wait3A_65 = tpu.memref_slice %arg9[%add3A_60, %dma_wait3A] : memref<10240x128xf32, #tpu.memory_space<vmem_shared>> -> memref<128x128xf32, #tpu.memory_space<vmem_shared>>
      %dma_wait3A_66 = arith.constant 0 : i32
      %dma_wait3A_67 = tpu.memref_slice %arg9[%add3A_60, %dma_wait3A_66] : memref<10240x128xf32, #tpu.memory_space<vmem_shared>> -> memref<128x128xf32, #tpu.memory_space<vmem_shared>>
      tpu.wait_dma2 semaphore(%run_scoped3A : memref<!tpu.dma_semaphore, #tpu.memory_space<semaphore_mem>>) src(%dma_wait3A_67 : memref<128x128xf32, #tpu.memory_space<vmem_shared>>) dst(%arg8 : memref<128x128xf32, #tpu.memory_space<vmem>>)
      tpu.yield
    }) : () -> ()
    "tpu.region"() ({
      %run_scoped3A = tpu.sem_alloc : memref<!tpu.dma_semaphore, #tpu.memory_space<semaphore_mem>>
      %dma_start3A_61 = arith.constant 0 : i32
      %dma_start3A_62 = tpu.memref_slice %arg5[%arg0, %add3A_60, %dma_start3A_61] : memref<2x10240x128xf32, #tpu.memory_space<hbm>> -> memref<1x128x128xf32, #tpu.memory_space<hbm>>
      %dma_start3A_63 = tpu.memref_squeeze %dma_start3A_62 : memref<1x128x128xf32, #tpu.memory_space<hbm>> -> memref<128x128xf32, #tpu.memory_space<hbm>>
      %dma_start3A_64 = arith.constant 0 : i32
      %dma_start3A_65 = tpu.memref_slice %arg5[%arg0, %add3A_60, %dma_start3A_64] : memref<2x10240x128xf32, #tpu.memory_space<hbm>> -> memref<1x128x128xf32, #tpu.memory_space<hbm>>
      %dma_start3A_66 = tpu.memref_squeeze %dma_start3A_65 : memref<1x128x128xf32, #tpu.memory_space<hbm>> -> memref<128x128xf32, #tpu.memory_space<hbm>>
      tpu.enqueue_dma source(%arg8 : memref<128x128xf32, #tpu.memory_space<vmem>>) target(%dma_start3A_66 : memref<128x128xf32, #tpu.memory_space<hbm>>) target_semaphore(%run_scoped3A : memref<!tpu.dma_semaphore, #tpu.memory_space<semaphore_mem>>)
      %dma_wait3A = arith.constant 0 : i32
      %dma_wait3A_67 = tpu.memref_slice %arg5[%arg0, %add3A_60, %dma_wait3A] : memref<2x10240x128xf32, #tpu.memory_space<hbm>> -> memref<1x128x128xf32, #tpu.memory_space<hbm>>
      %dma_wait3A_68 = tpu.memref_squeeze %dma_wait3A_67 : memref<1x128x128xf32, #tpu.memory_space<hbm>> -> memref<128x128xf32, #tpu.memory_space<hbm>>
      %dma_wait3A_69 = arith.constant 0 : i32
      %dma_wait3A_70 = tpu.memref_slice %arg5[%arg0, %add3A_60, %dma_wait3A_69] : memref<2x10240x128xf32, #tpu.memory_space<hbm>> -> memref<1x128x128xf32, #tpu.memory_space<hbm>>
      %dma_wait3A_71 = tpu.memref_squeeze %dma_wait3A_70 : memref<1x128x128xf32, #tpu.memory_space<hbm>> -> memref<128x128xf32, #tpu.memory_space<hbm>>
      tpu.wait_dma2 semaphore(%run_scoped3A : memref<!tpu.dma_semaphore, #tpu.memory_space<semaphore_mem>>) src(%arg8 : memref<128x128xf32, #tpu.memory_space<vmem>>) dst(%dma_wait3A_71 : memref<128x128xf32, #tpu.memory_space<hbm>>)
      tpu.yield
    }) : () -> ()
    return
  }
}

#map = affine_map<(d0, d1) -> (0, 0)>
#map1 = affine_map<(d0, d1) -> (0, 0, 0, 0)>
#map2 = affine_map<(d0, d1) -> (0, 0, 0)>
module attributes {stable_mosaic.version = 14 : i64} {
  func.func @_sc_agg(%arg0: i32, %arg1: i32, %arg2: memref<10240x128xf32, #tpu.memory_space<hbm>>, %arg3: memref<32x80x2x128xi32, #tpu.memory_space<hbm>>, %arg4: memref<128x128xf32, #tpu.memory_space<hbm>>, %arg5: memref<2x10240x128xf32, #tpu.memory_space<hbm>>, %arg6: memref<4x2x128xi32, #tpu.memory_space<vmem>>, %arg7: memref<128x128xf32, #tpu.memory_space<vmem>>, %arg8: memref<128x128xf32, #tpu.memory_space<vmem>>, %arg9: memref<10240x128xf32, #tpu.memory_space<vmem_shared>>, %arg10: memref<!tpu.dma_semaphore, #tpu.memory_space<semaphore_mem>>, %arg11: memref<!tpu.dma_semaphore, #tpu.memory_space<semaphore_mem>>, %arg12: memref<!tpu.dma_semaphore, #tpu.memory_space<semaphore_mem>>) attributes {dimension_semantics = [#tpu.dimension_semantics<core_parallel>, #tpu.dimension_semantics<subcore_parallel>], iteration_bounds = array<i64: 2, 16>, scalar_prefetch = 0 : i64, scratch_operands = 7 : i64, tpu.core_type = #tpu.core_type<sc_vector_subcore>, window_params = [{transform_indices = #map}, {transform_indices = #map1}, {transform_indices = #map}, {transform_indices = #map2}]} {
    %mul3A = arith.constant 16 : i32
    %mul3A_0 = arith.muli %arg0, %mul3A : i32
    %add3A = arith.addi %mul3A_0, %arg1 : i32
    "tpu.region"() ({
      %run_scoped3A = tpu.sem_alloc : memref<!tpu.dma_semaphore, #tpu.memory_space<semaphore_mem>>
      tpu.enqueue_dma source(%arg4 : memref<128x128xf32, #tpu.memory_space<hbm>>) target(%arg7 : memref<128x128xf32, #tpu.memory_space<vmem>>) target_semaphore(%run_scoped3A : memref<!tpu.dma_semaphore, #tpu.memory_space<semaphore_mem>>)
      tpu.wait_dma2 semaphore(%run_scoped3A : memref<!tpu.dma_semaphore, #tpu.memory_space<semaphore_mem>>) src(%arg4 : memref<128x128xf32, #tpu.memory_space<hbm>>) dst(%arg7 : memref<128x128xf32, #tpu.memory_space<vmem>>)
      tpu.yield
    }) : () -> ()
    %mul3A_1 = arith.constant 640 : i32
    %mul3A_2 = arith.muli %arg1, %mul3A_1 : i32
    %add3A_3 = arith.constant 0 : i32
    %add3A_4 = arith.addi %mul3A_2, %add3A_3 : i32
    "tpu.region"() ({
      %run_scoped3A = tpu.sem_alloc : memref<!tpu.dma_semaphore, #tpu.memory_space<semaphore_mem>>
      %dma_start3A_144 = arith.constant 0 : i32
      %dma_start3A_145 = tpu.memref_slice %arg9[%add3A_4, %dma_start3A_144] : memref<10240x128xf32, #tpu.memory_space<vmem_shared>> -> memref<128x128xf32, #tpu.memory_space<vmem_shared>>
      %dma_start3A_146 = arith.constant 0 : i32
      %dma_start3A_147 = tpu.memref_slice %arg9[%add3A_4, %dma_start3A_146] : memref<10240x128xf32, #tpu.memory_space<vmem_shared>> -> memref<128x128xf32, #tpu.memory_space<vmem_shared>>
      tpu.enqueue_dma source(%arg7 : memref<128x128xf32, #tpu.memory_space<vmem>>) target(%dma_start3A_147 : memref<128x128xf32, #tpu.memory_space<vmem_shared>>) target_semaphore(%run_scoped3A : memref<!tpu.dma_semaphore, #tpu.memory_space<semaphore_mem>>)
      %dma_wait3A_148 = arith.constant 0 : i32
      %dma_wait3A_149 = tpu.memref_slice %arg9[%add3A_4, %dma_wait3A_148] : memref<10240x128xf32, #tpu.memory_space<vmem_shared>> -> memref<128x128xf32, #tpu.memory_space<vmem_shared>>
      %dma_wait3A_150 = arith.constant 0 : i32
      %dma_wait3A_151 = tpu.memref_slice %arg9[%add3A_4, %dma_wait3A_150] : memref<10240x128xf32, #tpu.memory_space<vmem_shared>> -> memref<128x128xf32, #tpu.memory_space<vmem_shared>>
      tpu.wait_dma2 semaphore(%run_scoped3A : memref<!tpu.dma_semaphore, #tpu.memory_space<semaphore_mem>>) src(%arg7 : memref<128x128xf32, #tpu.memory_space<vmem>>) dst(%dma_wait3A_151 : memref<128x128xf32, #tpu.memory_space<vmem_shared>>)
      tpu.yield
    }) : () -> ()
    %mul3A_5 = arith.constant 640 : i32
    %mul3A_6 = arith.muli %arg1, %mul3A_5 : i32
    %add3A_7 = arith.constant 128 : i32
    %add3A_8 = arith.addi %mul3A_6, %add3A_7 : i32
    "tpu.region"() ({
      %run_scoped3A = tpu.sem_alloc : memref<!tpu.dma_semaphore, #tpu.memory_space<semaphore_mem>>
      %dma_start3A_144 = arith.constant 0 : i32
      %dma_start3A_145 = tpu.memref_slice %arg9[%add3A_8, %dma_start3A_144] : memref<10240x128xf32, #tpu.memory_space<vmem_shared>> -> memref<128x128xf32, #tpu.memory_space<vmem_shared>>
      %dma_start3A_146 = arith.constant 0 : i32
      %dma_start3A_147 = tpu.memref_slice %arg9[%add3A_8, %dma_start3A_146] : memref<10240x128xf32, #tpu.memory_space<vmem_shared>> -> memref<128x128xf32, #tpu.memory_space<vmem_shared>>
      tpu.enqueue_dma source(%arg7 : memref<128x128xf32, #tpu.memory_space<vmem>>) target(%dma_start3A_147 : memref<128x128xf32, #tpu.memory_space<vmem_shared>>) target_semaphore(%run_scoped3A : memref<!tpu.dma_semaphore, #tpu.memory_space<semaphore_mem>>)
      %dma_wait3A_148 = arith.constant 0 : i32
      %dma_wait3A_149 = tpu.memref_slice %arg9[%add3A_8, %dma_wait3A_148] : memref<10240x128xf32, #tpu.memory_space<vmem_shared>> -> memref<128x128xf32, #tpu.memory_space<vmem_shared>>
      %dma_wait3A_150 = arith.constant 0 : i32
      %dma_wait3A_151 = tpu.memref_slice %arg9[%add3A_8, %dma_wait3A_150] : memref<10240x128xf32, #tpu.memory_space<vmem_shared>> -> memref<128x128xf32, #tpu.memory_space<vmem_shared>>
      tpu.wait_dma2 semaphore(%run_scoped3A : memref<!tpu.dma_semaphore, #tpu.memory_space<semaphore_mem>>) src(%arg7 : memref<128x128xf32, #tpu.memory_space<vmem>>) dst(%dma_wait3A_151 : memref<128x128xf32, #tpu.memory_space<vmem_shared>>)
      tpu.yield
    }) : () -> ()
    %mul3A_9 = arith.constant 640 : i32
    %mul3A_10 = arith.muli %arg1, %mul3A_9 : i32
    %add3A_11 = arith.constant 256 : i32
    %add3A_12 = arith.addi %mul3A_10, %add3A_11 : i32
    "tpu.region"() ({
      %run_scoped3A = tpu.sem_alloc : memref<!tpu.dma_semaphore, #tpu.memory_space<semaphore_mem>>
      %dma_start3A_144 = arith.constant 0 : i32
      %dma_start3A_145 = tpu.memref_slice %arg9[%add3A_12, %dma_start3A_144] : memref<10240x128xf32, #tpu.memory_space<vmem_shared>> -> memref<128x128xf32, #tpu.memory_space<vmem_shared>>
      %dma_start3A_146 = arith.constant 0 : i32
      %dma_start3A_147 = tpu.memref_slice %arg9[%add3A_12, %dma_start3A_146] : memref<10240x128xf32, #tpu.memory_space<vmem_shared>> -> memref<128x128xf32, #tpu.memory_space<vmem_shared>>
      tpu.enqueue_dma source(%arg7 : memref<128x128xf32, #tpu.memory_space<vmem>>) target(%dma_start3A_147 : memref<128x128xf32, #tpu.memory_space<vmem_shared>>) target_semaphore(%run_scoped3A : memref<!tpu.dma_semaphore, #tpu.memory_space<semaphore_mem>>)
      %dma_wait3A_148 = arith.constant 0 : i32
      %dma_wait3A_149 = tpu.memref_slice %arg9[%add3A_12, %dma_wait3A_148] : memref<10240x128xf32, #tpu.memory_space<vmem_shared>> -> memref<128x128xf32, #tpu.memory_space<vmem_shared>>
      %dma_wait3A_150 = arith.constant 0 : i32
      %dma_wait3A_151 = tpu.memref_slice %arg9[%add3A_12, %dma_wait3A_150] : memref<10240x128xf32, #tpu.memory_space<vmem_shared>> -> memref<128x128xf32, #tpu.memory_space<vmem_shared>>
      tpu.wait_dma2 semaphore(%run_scoped3A : memref<!tpu.dma_semaphore, #tpu.memory_space<semaphore_mem>>) src(%arg7 : memref<128x128xf32, #tpu.memory_space<vmem>>) dst(%dma_wait3A_151 : memref<128x128xf32, #tpu.memory_space<vmem_shared>>)
      tpu.yield
    }) : () -> ()
    %mul3A_13 = arith.constant 640 : i32
    %mul3A_14 = arith.muli %arg1, %mul3A_13 : i32
    %add3A_15 = arith.constant 384 : i32
    %add3A_16 = arith.addi %mul3A_14, %add3A_15 : i32
    "tpu.region"() ({
      %run_scoped3A = tpu.sem_alloc : memref<!tpu.dma_semaphore, #tpu.memory_space<semaphore_mem>>
      %dma_start3A_144 = arith.constant 0 : i32
      %dma_start3A_145 = tpu.memref_slice %arg9[%add3A_16, %dma_start3A_144] : memref<10240x128xf32, #tpu.memory_space<vmem_shared>> -> memref<128x128xf32, #tpu.memory_space<vmem_shared>>
      %dma_start3A_146 = arith.constant 0 : i32
      %dma_start3A_147 = tpu.memref_slice %arg9[%add3A_16, %dma_start3A_146] : memref<10240x128xf32, #tpu.memory_space<vmem_shared>> -> memref<128x128xf32, #tpu.memory_space<vmem_shared>>
      tpu.enqueue_dma source(%arg7 : memref<128x128xf32, #tpu.memory_space<vmem>>) target(%dma_start3A_147 : memref<128x128xf32, #tpu.memory_space<vmem_shared>>) target_semaphore(%run_scoped3A : memref<!tpu.dma_semaphore, #tpu.memory_space<semaphore_mem>>)
      %dma_wait3A_148 = arith.constant 0 : i32
      %dma_wait3A_149 = tpu.memref_slice %arg9[%add3A_16, %dma_wait3A_148] : memref<10240x128xf32, #tpu.memory_space<vmem_shared>> -> memref<128x128xf32, #tpu.memory_space<vmem_shared>>
      %dma_wait3A_150 = arith.constant 0 : i32
      %dma_wait3A_151 = tpu.memref_slice %arg9[%add3A_16, %dma_wait3A_150] : memref<10240x128xf32, #tpu.memory_space<vmem_shared>> -> memref<128x128xf32, #tpu.memory_space<vmem_shared>>
      tpu.wait_dma2 semaphore(%run_scoped3A : memref<!tpu.dma_semaphore, #tpu.memory_space<semaphore_mem>>) src(%arg7 : memref<128x128xf32, #tpu.memory_space<vmem>>) dst(%dma_wait3A_151 : memref<128x128xf32, #tpu.memory_space<vmem_shared>>)
      tpu.yield
    }) : () -> ()
    %mul3A_17 = arith.constant 640 : i32
    %mul3A_18 = arith.muli %arg1, %mul3A_17 : i32
    %add3A_19 = arith.constant 512 : i32
    %add3A_20 = arith.addi %mul3A_18, %add3A_19 : i32
    "tpu.region"() ({
      %run_scoped3A = tpu.sem_alloc : memref<!tpu.dma_semaphore, #tpu.memory_space<semaphore_mem>>
      %dma_start3A_144 = arith.constant 0 : i32
      %dma_start3A_145 = tpu.memref_slice %arg9[%add3A_20, %dma_start3A_144] : memref<10240x128xf32, #tpu.memory_space<vmem_shared>> -> memref<128x128xf32, #tpu.memory_space<vmem_shared>>
      %dma_start3A_146 = arith.constant 0 : i32
      %dma_start3A_147 = tpu.memref_slice %arg9[%add3A_20, %dma_start3A_146] : memref<10240x128xf32, #tpu.memory_space<vmem_shared>> -> memref<128x128xf32, #tpu.memory_space<vmem_shared>>
      tpu.enqueue_dma source(%arg7 : memref<128x128xf32, #tpu.memory_space<vmem>>) target(%dma_start3A_147 : memref<128x128xf32, #tpu.memory_space<vmem_shared>>) target_semaphore(%run_scoped3A : memref<!tpu.dma_semaphore, #tpu.memory_space<semaphore_mem>>)
      %dma_wait3A_148 = arith.constant 0 : i32
      %dma_wait3A_149 = tpu.memref_slice %arg9[%add3A_20, %dma_wait3A_148] : memref<10240x128xf32, #tpu.memory_space<vmem_shared>> -> memref<128x128xf32, #tpu.memory_space<vmem_shared>>
      %dma_wait3A_150 = arith.constant 0 : i32
      %dma_wait3A_151 = tpu.memref_slice %arg9[%add3A_20, %dma_wait3A_150] : memref<10240x128xf32, #tpu.memory_space<vmem_shared>> -> memref<128x128xf32, #tpu.memory_space<vmem_shared>>
      tpu.wait_dma2 semaphore(%run_scoped3A : memref<!tpu.dma_semaphore, #tpu.memory_space<semaphore_mem>>) src(%arg7 : memref<128x128xf32, #tpu.memory_space<vmem>>) dst(%dma_wait3A_151 : memref<128x128xf32, #tpu.memory_space<vmem_shared>>)
      tpu.yield
    }) : () -> ()
    %barrier3A = arith.constant 0 : index
    tpu.barrier barrier_id(%barrier3A)
    %dma_start3A = arith.constant 0 : i32
    %dma_start3A_21 = arith.constant 0 : i32
    %dma_start3A_22 = arith.constant 0 : i32
    %dma_start3A_23 = arith.constant 0 : i32
    %dma_start3A_24 = tpu.memref_slice %arg6[%dma_start3A_21, %dma_start3A_22, %dma_start3A_23] : memref<4x2x128xi32, #tpu.memory_space<vmem>> -> memref<1x2x128xi32, #tpu.memory_space<vmem>>
    %dma_start3A_25 = tpu.memref_squeeze %dma_start3A_24 : memref<1x2x128xi32, #tpu.memory_space<vmem>> -> memref<2x128xi32, #tpu.memory_space<vmem>>
    %dma_start3A_26 = arith.constant 0 : i32
    %dma_start3A_27 = arith.constant 0 : i32
    %dma_start3A_28 = tpu.memref_slice %arg3[%add3A, %dma_start3A, %dma_start3A_26, %dma_start3A_27] : memref<32x80x2x128xi32, #tpu.memory_space<hbm>> -> memref<1x1x2x128xi32, #tpu.memory_space<hbm>>
    %dma_start3A_29 = tpu.memref_squeeze %dma_start3A_28 : memref<1x1x2x128xi32, #tpu.memory_space<hbm>> -> memref<2x128xi32, #tpu.memory_space<hbm>>
    %dma_start3A_30 = arith.constant 0 : i32
    %dma_start3A_31 = arith.constant 0 : i32
    %dma_start3A_32 = tpu.memref_slice %arg6[%dma_start3A_21, %dma_start3A_30, %dma_start3A_31] : memref<4x2x128xi32, #tpu.memory_space<vmem>> -> memref<1x2x128xi32, #tpu.memory_space<vmem>>
    %dma_start3A_33 = tpu.memref_squeeze %dma_start3A_32 : memref<1x2x128xi32, #tpu.memory_space<vmem>> -> memref<2x128xi32, #tpu.memory_space<vmem>>
    %dma_start3A_34 = arith.constant 0 : i32
    %dma_start3A_35 = arith.constant 0 : i32
    %dma_start3A_36 = tpu.memref_slice %arg3[%add3A, %dma_start3A, %dma_start3A_34, %dma_start3A_35] : memref<32x80x2x128xi32, #tpu.memory_space<hbm>> -> memref<1x1x2x128xi32, #tpu.memory_space<hbm>>
    %dma_start3A_37 = tpu.memref_squeeze %dma_start3A_36 : memref<1x1x2x128xi32, #tpu.memory_space<hbm>> -> memref<2x128xi32, #tpu.memory_space<hbm>>
    tpu.enqueue_dma source(%dma_start3A_37 : memref<2x128xi32, #tpu.memory_space<hbm>>) target(%dma_start3A_33 : memref<2x128xi32, #tpu.memory_space<vmem>>) target_semaphore(%arg12 : memref<!tpu.dma_semaphore, #tpu.memory_space<semaphore_mem>>)
    %dma_start3A_38 = arith.constant 1 : i32
    %dma_start3A_39 = arith.constant 1 : i32
    %dma_start3A_40 = arith.constant 0 : i32
    %dma_start3A_41 = arith.constant 0 : i32
    %dma_start3A_42 = tpu.memref_slice %arg6[%dma_start3A_39, %dma_start3A_40, %dma_start3A_41] : memref<4x2x128xi32, #tpu.memory_space<vmem>> -> memref<1x2x128xi32, #tpu.memory_space<vmem>>
    %dma_start3A_43 = tpu.memref_squeeze %dma_start3A_42 : memref<1x2x128xi32, #tpu.memory_space<vmem>> -> memref<2x128xi32, #tpu.memory_space<vmem>>
    %dma_start3A_44 = arith.constant 0 : i32
    %dma_start3A_45 = arith.constant 0 : i32
    %dma_start3A_46 = tpu.memref_slice %arg3[%add3A, %dma_start3A_38, %dma_start3A_44, %dma_start3A_45] : memref<32x80x2x128xi32, #tpu.memory_space<hbm>> -> memref<1x1x2x128xi32, #tpu.memory_space<hbm>>
    %dma_start3A_47 = tpu.memref_squeeze %dma_start3A_46 : memref<1x1x2x128xi32, #tpu.memory_space<hbm>> -> memref<2x128xi32, #tpu.memory_space<hbm>>
    %dma_start3A_48 = arith.constant 0 : i32
    %dma_start3A_49 = arith.constant 0 : i32
    %dma_start3A_50 = tpu.memref_slice %arg6[%dma_start3A_39, %dma_start3A_48, %dma_start3A_49] : memref<4x2x128xi32, #tpu.memory_space<vmem>> -> memref<1x2x128xi32, #tpu.memory_space<vmem>>
    %dma_start3A_51 = tpu.memref_squeeze %dma_start3A_50 : memref<1x2x128xi32, #tpu.memory_space<vmem>> -> memref<2x128xi32, #tpu.memory_space<vmem>>
    %dma_start3A_52 = arith.constant 0 : i32
    %dma_start3A_53 = arith.constant 0 : i32
    %dma_start3A_54 = tpu.memref_slice %arg3[%add3A, %dma_start3A_38, %dma_start3A_52, %dma_start3A_53] : memref<32x80x2x128xi32, #tpu.memory_space<hbm>> -> memref<1x1x2x128xi32, #tpu.memory_space<hbm>>
    %dma_start3A_55 = tpu.memref_squeeze %dma_start3A_54 : memref<1x1x2x128xi32, #tpu.memory_space<hbm>> -> memref<2x128xi32, #tpu.memory_space<hbm>>
    tpu.enqueue_dma source(%dma_start3A_55 : memref<2x128xi32, #tpu.memory_space<hbm>>) target(%dma_start3A_51 : memref<2x128xi32, #tpu.memory_space<vmem>>) target_semaphore(%arg12 : memref<!tpu.dma_semaphore, #tpu.memory_space<semaphore_mem>>)
    %dma_start3A_56 = arith.constant 2 : i32
    %dma_start3A_57 = arith.constant 2 : i32
    %dma_start3A_58 = arith.constant 0 : i32
    %dma_start3A_59 = arith.constant 0 : i32
    %dma_start3A_60 = tpu.memref_slice %arg6[%dma_start3A_57, %dma_start3A_58, %dma_start3A_59] : memref<4x2x128xi32, #tpu.memory_space<vmem>> -> memref<1x2x128xi32, #tpu.memory_space<vmem>>
    %dma_start3A_61 = tpu.memref_squeeze %dma_start3A_60 : memref<1x2x128xi32, #tpu.memory_space<vmem>> -> memref<2x128xi32, #tpu.memory_space<vmem>>
    %dma_start3A_62 = arith.constant 0 : i32
    %dma_start3A_63 = arith.constant 0 : i32
    %dma_start3A_64 = tpu.memref_slice %arg3[%add3A, %dma_start3A_56, %dma_start3A_62, %dma_start3A_63] : memref<32x80x2x128xi32, #tpu.memory_space<hbm>> -> memref<1x1x2x128xi32, #tpu.memory_space<hbm>>
    %dma_start3A_65 = tpu.memref_squeeze %dma_start3A_64 : memref<1x1x2x128xi32, #tpu.memory_space<hbm>> -> memref<2x128xi32, #tpu.memory_space<hbm>>
    %dma_start3A_66 = arith.constant 0 : i32
    %dma_start3A_67 = arith.constant 0 : i32
    %dma_start3A_68 = tpu.memref_slice %arg6[%dma_start3A_57, %dma_start3A_66, %dma_start3A_67] : memref<4x2x128xi32, #tpu.memory_space<vmem>> -> memref<1x2x128xi32, #tpu.memory_space<vmem>>
    %dma_start3A_69 = tpu.memref_squeeze %dma_start3A_68 : memref<1x2x128xi32, #tpu.memory_space<vmem>> -> memref<2x128xi32, #tpu.memory_space<vmem>>
    %dma_start3A_70 = arith.constant 0 : i32
    %dma_start3A_71 = arith.constant 0 : i32
    %dma_start3A_72 = tpu.memref_slice %arg3[%add3A, %dma_start3A_56, %dma_start3A_70, %dma_start3A_71] : memref<32x80x2x128xi32, #tpu.memory_space<hbm>> -> memref<1x1x2x128xi32, #tpu.memory_space<hbm>>
    %dma_start3A_73 = tpu.memref_squeeze %dma_start3A_72 : memref<1x1x2x128xi32, #tpu.memory_space<hbm>> -> memref<2x128xi32, #tpu.memory_space<hbm>>
    tpu.enqueue_dma source(%dma_start3A_73 : memref<2x128xi32, #tpu.memory_space<hbm>>) target(%dma_start3A_69 : memref<2x128xi32, #tpu.memory_space<vmem>>) target_semaphore(%arg12 : memref<!tpu.dma_semaphore, #tpu.memory_space<semaphore_mem>>)
    %dma_start3A_74 = arith.constant 3 : i32
    %dma_start3A_75 = arith.constant 3 : i32
    %dma_start3A_76 = arith.constant 0 : i32
    %dma_start3A_77 = arith.constant 0 : i32
    %dma_start3A_78 = tpu.memref_slice %arg6[%dma_start3A_75, %dma_start3A_76, %dma_start3A_77] : memref<4x2x128xi32, #tpu.memory_space<vmem>> -> memref<1x2x128xi32, #tpu.memory_space<vmem>>
    %dma_start3A_79 = tpu.memref_squeeze %dma_start3A_78 : memref<1x2x128xi32, #tpu.memory_space<vmem>> -> memref<2x128xi32, #tpu.memory_space<vmem>>
    %dma_start3A_80 = arith.constant 0 : i32
    %dma_start3A_81 = arith.constant 0 : i32
    %dma_start3A_82 = tpu.memref_slice %arg3[%add3A, %dma_start3A_74, %dma_start3A_80, %dma_start3A_81] : memref<32x80x2x128xi32, #tpu.memory_space<hbm>> -> memref<1x1x2x128xi32, #tpu.memory_space<hbm>>
    %dma_start3A_83 = tpu.memref_squeeze %dma_start3A_82 : memref<1x1x2x128xi32, #tpu.memory_space<hbm>> -> memref<2x128xi32, #tpu.memory_space<hbm>>
    %dma_start3A_84 = arith.constant 0 : i32
    %dma_start3A_85 = arith.constant 0 : i32
    %dma_start3A_86 = tpu.memref_slice %arg6[%dma_start3A_75, %dma_start3A_84, %dma_start3A_85] : memref<4x2x128xi32, #tpu.memory_space<vmem>> -> memref<1x2x128xi32, #tpu.memory_space<vmem>>
    %dma_start3A_87 = tpu.memref_squeeze %dma_start3A_86 : memref<1x2x128xi32, #tpu.memory_space<vmem>> -> memref<2x128xi32, #tpu.memory_space<vmem>>
    %dma_start3A_88 = arith.constant 0 : i32
    %dma_start3A_89 = arith.constant 0 : i32
    %dma_start3A_90 = tpu.memref_slice %arg3[%add3A, %dma_start3A_74, %dma_start3A_88, %dma_start3A_89] : memref<32x80x2x128xi32, #tpu.memory_space<hbm>> -> memref<1x1x2x128xi32, #tpu.memory_space<hbm>>
    %dma_start3A_91 = tpu.memref_squeeze %dma_start3A_90 : memref<1x1x2x128xi32, #tpu.memory_space<hbm>> -> memref<2x128xi32, #tpu.memory_space<hbm>>
    tpu.enqueue_dma source(%dma_start3A_91 : memref<2x128xi32, #tpu.memory_space<hbm>>) target(%dma_start3A_87 : memref<2x128xi32, #tpu.memory_space<vmem>>) target_semaphore(%arg12 : memref<!tpu.dma_semaphore, #tpu.memory_space<semaphore_mem>>)
    %dma_wait3A = arith.constant 0 : i32
    %dma_wait3A_92 = arith.constant 0 : i32
    %dma_wait3A_93 = arith.constant 0 : i32
    %dma_wait3A_94 = arith.constant 0 : i32
    %dma_wait3A_95 = tpu.memref_slice %arg6[%dma_wait3A_92, %dma_wait3A_93, %dma_wait3A_94] : memref<4x2x128xi32, #tpu.memory_space<vmem>> -> memref<1x2x128xi32, #tpu.memory_space<vmem>>
    %dma_wait3A_96 = tpu.memref_squeeze %dma_wait3A_95 : memref<1x2x128xi32, #tpu.memory_space<vmem>> -> memref<2x128xi32, #tpu.memory_space<vmem>>
    %dma_wait3A_97 = arith.constant 0 : i32
    %dma_wait3A_98 = arith.constant 0 : i32
    %dma_wait3A_99 = tpu.memref_slice %arg3[%add3A, %dma_wait3A, %dma_wait3A_97, %dma_wait3A_98] : memref<32x80x2x128xi32, #tpu.memory_space<hbm>> -> memref<1x1x2x128xi32, #tpu.memory_space<hbm>>
    %dma_wait3A_100 = tpu.memref_squeeze %dma_wait3A_99 : memref<1x1x2x128xi32, #tpu.memory_space<hbm>> -> memref<2x128xi32, #tpu.memory_space<hbm>>
    %dma_wait3A_101 = arith.constant 0 : i32
    %dma_wait3A_102 = arith.constant 0 : i32
    %dma_wait3A_103 = tpu.memref_slice %arg6[%dma_wait3A_92, %dma_wait3A_101, %dma_wait3A_102] : memref<4x2x128xi32, #tpu.memory_space<vmem>> -> memref<1x2x128xi32, #tpu.memory_space<vmem>>
    %dma_wait3A_104 = tpu.memref_squeeze %dma_wait3A_103 : memref<1x2x128xi32, #tpu.memory_space<vmem>> -> memref<2x128xi32, #tpu.memory_space<vmem>>
    %dma_wait3A_105 = arith.constant 0 : i32
    %dma_wait3A_106 = arith.constant 0 : i32
    %dma_wait3A_107 = tpu.memref_slice %arg3[%add3A, %dma_wait3A, %dma_wait3A_105, %dma_wait3A_106] : memref<32x80x2x128xi32, #tpu.memory_space<hbm>> -> memref<1x1x2x128xi32, #tpu.memory_space<hbm>>
    %dma_wait3A_108 = tpu.memref_squeeze %dma_wait3A_107 : memref<1x1x2x128xi32, #tpu.memory_space<hbm>> -> memref<2x128xi32, #tpu.memory_space<hbm>>
    tpu.wait_dma2 semaphore(%arg12 : memref<!tpu.dma_semaphore, #tpu.memory_space<semaphore_mem>>) src(%dma_wait3A_108 : memref<2x128xi32, #tpu.memory_space<hbm>>) dst(%dma_wait3A_104 : memref<2x128xi32, #tpu.memory_space<vmem>>)
    %dma_start3A_109 = arith.constant 0 : i32
    %dma_start3A_110 = arith.constant 0 : i32
    %dma_start3A_111 = arith.constant 0 : i32
    %dma_start3A_112 = tpu.memref_slice %arg6[%dma_start3A_109, %dma_start3A_110, %dma_start3A_111] : memref<4x2x128xi32, #tpu.memory_space<vmem>> -> memref<1x1x128xi32, #tpu.memory_space<vmem>>
    %dma_start3A_113 = tpu.memref_squeeze %dma_start3A_112 : memref<1x1x128xi32, #tpu.memory_space<vmem>> -> memref<128xi32, #tpu.memory_space<vmem>>
    %dma_start3A_114 = arith.constant 0 : i32
    %dma_start3A_115 = arith.constant 0 : i32
    %dma_start3A_116 = tpu.memref_slice %arg2[%dma_start3A_114, %dma_start3A_115] : memref<10240x128xf32, #tpu.memory_space<hbm>> -> memref<10240x128xf32, #tpu.memory_space<hbm>>
    tpu.enqueue_indirect_dma source(%dma_start3A_116 : memref<10240x128xf32, #tpu.memory_space<hbm>>) target(%arg7 : memref<128x128xf32, #tpu.memory_space<vmem>>) offsets(%dma_start3A_113 : memref<128xi32, #tpu.memory_space<vmem>>) semaphore(%arg10 : memref<!tpu.dma_semaphore, #tpu.memory_space<semaphore_mem>>)
    %scan3A = arith.constant 0 : i32
    %scan3A_117 = arith.constant 0 : i32
    %scan3A_118 = arith.constant 20 : i32
    %scan3A_119 = arith.addi %scan3A_117, %scan3A_118 : i32
    %scan3A_120 = arith.constant 1 : i32
    %scan3A_121 = scf.for %scan3A_144 = %scan3A_117 to %scan3A_119 step %scan3A_120 iter_args(%scan3A_145 = %scan3A) -> (i32)  : i32 {
      %mul3A_146 = arith.constant 4 : i32
      %mul3A_147 = arith.muli %mul3A_146, %scan3A_144 : i32
      %lt3A = arith.constant 19 : i32
      %lt3A_148 = arith.cmpi slt, %scan3A_144, %lt3A : i32
      %add3A_149 = arith.constant 1 : i32
      %add3A_150 = arith.addi %mul3A_147, %add3A_149 : i32
      %dma_wait3A_151 = arith.constant 1 : i32
      %dma_wait3A_152 = arith.constant 0 : i32
      %dma_wait3A_153 = arith.constant 0 : i32
      %dma_wait3A_154 = tpu.memref_slice %arg6[%dma_wait3A_151, %dma_wait3A_152, %dma_wait3A_153] : memref<4x2x128xi32, #tpu.memory_space<vmem>> -> memref<1x2x128xi32, #tpu.memory_space<vmem>>
      %dma_wait3A_155 = tpu.memref_squeeze %dma_wait3A_154 : memref<1x2x128xi32, #tpu.memory_space<vmem>> -> memref<2x128xi32, #tpu.memory_space<vmem>>
      %dma_wait3A_156 = arith.constant 0 : i32
      %dma_wait3A_157 = arith.constant 0 : i32
      %dma_wait3A_158 = tpu.memref_slice %arg3[%add3A, %add3A_150, %dma_wait3A_156, %dma_wait3A_157] : memref<32x80x2x128xi32, #tpu.memory_space<hbm>> -> memref<1x1x2x128xi32, #tpu.memory_space<hbm>>
      %dma_wait3A_159 = tpu.memref_squeeze %dma_wait3A_158 : memref<1x1x2x128xi32, #tpu.memory_space<hbm>> -> memref<2x128xi32, #tpu.memory_space<hbm>>
      %dma_wait3A_160 = arith.constant 0 : i32
      %dma_wait3A_161 = arith.constant 0 : i32
      %dma_wait3A_162 = tpu.memref_slice %arg6[%dma_wait3A_151, %dma_wait3A_160, %dma_wait3A_161] : memref<4x2x128xi32, #tpu.memory_space<vmem>> -> memref<1x2x128xi32, #tpu.memory_space<vmem>>
      %dma_wait3A_163 = tpu.memref_squeeze %dma_wait3A_162 : memref<1x2x128xi32, #tpu.memory_space<vmem>> -> memref<2x128xi32, #tpu.memory_space<vmem>>
      %dma_wait3A_164 = arith.constant 0 : i32
      %dma_wait3A_165 = arith.constant 0 : i32
      %dma_wait3A_166 = tpu.memref_slice %arg3[%add3A, %add3A_150, %dma_wait3A_164, %dma_wait3A_165] : memref<32x80x2x128xi32, #tpu.memory_space<hbm>> -> memref<1x1x2x128xi32, #tpu.memory_space<hbm>>
      %dma_wait3A_167 = tpu.memref_squeeze %dma_wait3A_166 : memref<1x1x2x128xi32, #tpu.memory_space<hbm>> -> memref<2x128xi32, #tpu.memory_space<hbm>>
      tpu.wait_dma2 semaphore(%arg12 : memref<!tpu.dma_semaphore, #tpu.memory_space<semaphore_mem>>) src(%dma_wait3A_167 : memref<2x128xi32, #tpu.memory_space<hbm>>) dst(%dma_wait3A_163 : memref<2x128xi32, #tpu.memory_space<vmem>>)
      %dma_start3A_168 = arith.constant 1 : i32
      %dma_start3A_169 = arith.constant 0 : i32
      %dma_start3A_170 = arith.constant 0 : i32
      %dma_start3A_171 = tpu.memref_slice %arg6[%dma_start3A_168, %dma_start3A_169, %dma_start3A_170] : memref<4x2x128xi32, #tpu.memory_space<vmem>> -> memref<1x1x128xi32, #tpu.memory_space<vmem>>
      %dma_start3A_172 = tpu.memref_squeeze %dma_start3A_171 : memref<1x1x128xi32, #tpu.memory_space<vmem>> -> memref<128xi32, #tpu.memory_space<vmem>>
      %dma_start3A_173 = arith.constant 0 : i32
      %dma_start3A_174 = arith.constant 0 : i32
      %dma_start3A_175 = tpu.memref_slice %arg2[%dma_start3A_173, %dma_start3A_174] : memref<10240x128xf32, #tpu.memory_space<hbm>> -> memref<10240x128xf32, #tpu.memory_space<hbm>>
      tpu.enqueue_indirect_dma source(%dma_start3A_175 : memref<10240x128xf32, #tpu.memory_space<hbm>>) target(%arg8 : memref<128x128xf32, #tpu.memory_space<vmem>>) offsets(%dma_start3A_172 : memref<128xi32, #tpu.memory_space<vmem>>) semaphore(%arg11 : memref<!tpu.dma_semaphore, #tpu.memory_space<semaphore_mem>>)
      %dma_wait3A_176 = arith.constant 0 : i32
      %dma_wait3A_177 = arith.constant 0 : i32
      %dma_wait3A_178 = arith.constant 0 : i32
      %dma_wait3A_179 = tpu.memref_slice %arg6[%dma_wait3A_176, %dma_wait3A_177, %dma_wait3A_178] : memref<4x2x128xi32, #tpu.memory_space<vmem>> -> memref<1x1x128xi32, #tpu.memory_space<vmem>>
      %dma_wait3A_180 = tpu.memref_squeeze %dma_wait3A_179 : memref<1x1x128xi32, #tpu.memory_space<vmem>> -> memref<128xi32, #tpu.memory_space<vmem>>
      %dma_wait3A_181 = arith.constant 0 : i32
      %dma_wait3A_182 = arith.constant 0 : i32
      %dma_wait3A_183 = tpu.memref_slice %arg2[%dma_wait3A_181, %dma_wait3A_182] : memref<10240x128xf32, #tpu.memory_space<hbm>> -> memref<10240x128xf32, #tpu.memory_space<hbm>>
      tpu.wait_indirect_dma semaphore(%arg10 : memref<!tpu.dma_semaphore, #tpu.memory_space<semaphore_mem>>) src(%dma_wait3A_183 : memref<10240x128xf32, #tpu.memory_space<hbm>>) dst(%arg7 : memref<128x128xf32, #tpu.memory_space<vmem>>)
      %run_scoped3A = arith.constant 0 : i32
      %run_scoped3A_184 = arith.constant 1 : i32
      "tpu.region"() ({
        %run_scoped3A_280 = tpu.sem_alloc : memref<!tpu.dma_semaphore, #tpu.memory_space<semaphore_mem>>
        %dma_start3A_281 = arith.constant 0 : i32
        %dma_start3A_282 = tpu.memref_slice %arg6[%run_scoped3A, %run_scoped3A_184, %dma_start3A_281] : memref<4x2x128xi32, #tpu.memory_space<vmem>> -> memref<1x1x128xi32, #tpu.memory_space<vmem>>
        %dma_start3A_283 = tpu.memref_squeeze %dma_start3A_282 : memref<1x1x128xi32, #tpu.memory_space<vmem>> -> memref<128xi32, #tpu.memory_space<vmem>>
        %dma_start3A_284 = arith.constant 0 : i32
        %dma_start3A_285 = arith.constant 0 : i32
        %dma_start3A_286 = tpu.memref_slice %arg9[%dma_start3A_284, %dma_start3A_285] : memref<10240x128xf32, #tpu.memory_space<vmem_shared>> -> memref<10240x128xf32, #tpu.memory_space<vmem_shared>>
        tpu.enqueue_indirect_dma source(%arg7 : memref<128x128xf32, #tpu.memory_space<vmem>>) target(%dma_start3A_286 : memref<10240x128xf32, #tpu.memory_space<vmem_shared>>) offsets(%dma_start3A_283 : memref<128xi32, #tpu.memory_space<vmem>>) semaphore(%run_scoped3A_280 : memref<!tpu.dma_semaphore, #tpu.memory_space<semaphore_mem>>) {add = true}
        %dma_wait3A_287 = arith.constant 0 : i32
        %dma_wait3A_288 = tpu.memref_slice %arg6[%run_scoped3A, %run_scoped3A_184, %dma_wait3A_287] : memref<4x2x128xi32, #tpu.memory_space<vmem>> -> memref<1x1x128xi32, #tpu.memory_space<vmem>>
        %dma_wait3A_289 = tpu.memref_squeeze %dma_wait3A_288 : memref<1x1x128xi32, #tpu.memory_space<vmem>> -> memref<128xi32, #tpu.memory_space<vmem>>
        %dma_wait3A_290 = arith.constant 0 : i32
        %dma_wait3A_291 = arith.constant 0 : i32
        %dma_wait3A_292 = tpu.memref_slice %arg9[%dma_wait3A_290, %dma_wait3A_291] : memref<10240x128xf32, #tpu.memory_space<vmem_shared>> -> memref<10240x128xf32, #tpu.memory_space<vmem_shared>>
        tpu.wait_indirect_dma semaphore(%run_scoped3A_280 : memref<!tpu.dma_semaphore, #tpu.memory_space<semaphore_mem>>) src(%arg7 : memref<128x128xf32, #tpu.memory_space<vmem>>) dst(%dma_wait3A_292 : memref<10240x128xf32, #tpu.memory_space<vmem_shared>>)
        tpu.yield
      }) : () -> ()
      %convert_element_type3A = arith.extui %lt3A_148 : i1 to i32
      %cond3A = arith.constant 0 : i32
      %cond3A_185 = arith.cmpi ne, %convert_element_type3A, %cond3A : i32
      scf.if %cond3A_185 {
        %add3A_280 = arith.constant 4 : i32
        %add3A_281 = arith.addi %mul3A_147, %add3A_280 : i32
        %dma_start3A_282 = arith.constant 0 : i32
        %dma_start3A_283 = arith.constant 0 : i32
        %dma_start3A_284 = arith.constant 0 : i32
        %dma_start3A_285 = tpu.memref_slice %arg6[%dma_start3A_282, %dma_start3A_283, %dma_start3A_284] : memref<4x2x128xi32, #tpu.memory_space<vmem>> -> memref<1x2x128xi32, #tpu.memory_space<vmem>>
        %dma_start3A_286 = tpu.memref_squeeze %dma_start3A_285 : memref<1x2x128xi32, #tpu.memory_space<vmem>> -> memref<2x128xi32, #tpu.memory_space<vmem>>
        %dma_start3A_287 = arith.constant 0 : i32
        %dma_start3A_288 = arith.constant 0 : i32
        %dma_start3A_289 = tpu.memref_slice %arg3[%add3A, %add3A_281, %dma_start3A_287, %dma_start3A_288] : memref<32x80x2x128xi32, #tpu.memory_space<hbm>> -> memref<1x1x2x128xi32, #tpu.memory_space<hbm>>
        %dma_start3A_290 = tpu.memref_squeeze %dma_start3A_289 : memref<1x1x2x128xi32, #tpu.memory_space<hbm>> -> memref<2x128xi32, #tpu.memory_space<hbm>>
        %dma_start3A_291 = arith.constant 0 : i32
        %dma_start3A_292 = arith.constant 0 : i32
        %dma_start3A_293 = tpu.memref_slice %arg6[%dma_start3A_282, %dma_start3A_291, %dma_start3A_292] : memref<4x2x128xi32, #tpu.memory_space<vmem>> -> memref<1x2x128xi32, #tpu.memory_space<vmem>>
        %dma_start3A_294 = tpu.memref_squeeze %dma_start3A_293 : memref<1x2x128xi32, #tpu.memory_space<vmem>> -> memref<2x128xi32, #tpu.memory_space<vmem>>
        %dma_start3A_295 = arith.constant 0 : i32
        %dma_start3A_296 = arith.constant 0 : i32
        %dma_start3A_297 = tpu.memref_slice %arg3[%add3A, %add3A_281, %dma_start3A_295, %dma_start3A_296] : memref<32x80x2x128xi32, #tpu.memory_space<hbm>> -> memref<1x1x2x128xi32, #tpu.memory_space<hbm>>
        %dma_start3A_298 = tpu.memref_squeeze %dma_start3A_297 : memref<1x1x2x128xi32, #tpu.memory_space<hbm>> -> memref<2x128xi32, #tpu.memory_space<hbm>>
        tpu.enqueue_dma source(%dma_start3A_298 : memref<2x128xi32, #tpu.memory_space<hbm>>) target(%dma_start3A_294 : memref<2x128xi32, #tpu.memory_space<vmem>>) target_semaphore(%arg12 : memref<!tpu.dma_semaphore, #tpu.memory_space<semaphore_mem>>)
      } else {
      }
      %add3A_186 = arith.constant 2 : i32
      %add3A_187 = arith.addi %mul3A_147, %add3A_186 : i32
      %dma_wait3A_188 = arith.constant 2 : i32
      %dma_wait3A_189 = arith.constant 0 : i32
      %dma_wait3A_190 = arith.constant 0 : i32
      %dma_wait3A_191 = tpu.memref_slice %arg6[%dma_wait3A_188, %dma_wait3A_189, %dma_wait3A_190] : memref<4x2x128xi32, #tpu.memory_space<vmem>> -> memref<1x2x128xi32, #tpu.memory_space<vmem>>
      %dma_wait3A_192 = tpu.memref_squeeze %dma_wait3A_191 : memref<1x2x128xi32, #tpu.memory_space<vmem>> -> memref<2x128xi32, #tpu.memory_space<vmem>>
      %dma_wait3A_193 = arith.constant 0 : i32
      %dma_wait3A_194 = arith.constant 0 : i32
      %dma_wait3A_195 = tpu.memref_slice %arg3[%add3A, %add3A_187, %dma_wait3A_193, %dma_wait3A_194] : memref<32x80x2x128xi32, #tpu.memory_space<hbm>> -> memref<1x1x2x128xi32, #tpu.memory_space<hbm>>
      %dma_wait3A_196 = tpu.memref_squeeze %dma_wait3A_195 : memref<1x1x2x128xi32, #tpu.memory_space<hbm>> -> memref<2x128xi32, #tpu.memory_space<hbm>>
      %dma_wait3A_197 = arith.constant 0 : i32
      %dma_wait3A_198 = arith.constant 0 : i32
      %dma_wait3A_199 = tpu.memref_slice %arg6[%dma_wait3A_188, %dma_wait3A_197, %dma_wait3A_198] : memref<4x2x128xi32, #tpu.memory_space<vmem>> -> memref<1x2x128xi32, #tpu.memory_space<vmem>>
      %dma_wait3A_200 = tpu.memref_squeeze %dma_wait3A_199 : memref<1x2x128xi32, #tpu.memory_space<vmem>> -> memref<2x128xi32, #tpu.memory_space<vmem>>
      %dma_wait3A_201 = arith.constant 0 : i32
      %dma_wait3A_202 = arith.constant 0 : i32
      %dma_wait3A_203 = tpu.memref_slice %arg3[%add3A, %add3A_187, %dma_wait3A_201, %dma_wait3A_202] : memref<32x80x2x128xi32, #tpu.memory_space<hbm>> -> memref<1x1x2x128xi32, #tpu.memory_space<hbm>>
      %dma_wait3A_204 = tpu.memref_squeeze %dma_wait3A_203 : memref<1x1x2x128xi32, #tpu.memory_space<hbm>> -> memref<2x128xi32, #tpu.memory_space<hbm>>
      tpu.wait_dma2 semaphore(%arg12 : memref<!tpu.dma_semaphore, #tpu.memory_space<semaphore_mem>>) src(%dma_wait3A_204 : memref<2x128xi32, #tpu.memory_space<hbm>>) dst(%dma_wait3A_200 : memref<2x128xi32, #tpu.memory_space<vmem>>)
      %dma_start3A_205 = arith.constant 2 : i32
      %dma_start3A_206 = arith.constant 0 : i32
      %dma_start3A_207 = arith.constant 0 : i32
      %dma_start3A_208 = tpu.memref_slice %arg6[%dma_start3A_205, %dma_start3A_206, %dma_start3A_207] : memref<4x2x128xi32, #tpu.memory_space<vmem>> -> memref<1x1x128xi32, #tpu.memory_space<vmem>>
      %dma_start3A_209 = tpu.memref_squeeze %dma_start3A_208 : memref<1x1x128xi32, #tpu.memory_space<vmem>> -> memref<128xi32, #tpu.memory_space<vmem>>
      %dma_start3A_210 = arith.constant 0 : i32
      %dma_start3A_211 = arith.constant 0 : i32
      %dma_start3A_212 = tpu.memref_slice %arg2[%dma_start3A_210, %dma_start3A_211] : memref<10240x128xf32, #tpu.memory_space<hbm>> -> memref<10240x128xf32, #tpu.memory_space<hbm>>
      tpu.enqueue_indirect_dma source(%dma_start3A_212 : memref<10240x128xf32, #tpu.memory_space<hbm>>) target(%arg7 : memref<128x128xf32, #tpu.memory_space<vmem>>) offsets(%dma_start3A_209 : memref<128xi32, #tpu.memory_space<vmem>>) semaphore(%arg10 : memref<!tpu.dma_semaphore, #tpu.memory_space<semaphore_mem>>)
      %dma_wait3A_213 = arith.constant 1 : i32
      %dma_wait3A_214 = arith.constant 0 : i32
      %dma_wait3A_215 = arith.constant 0 : i32
      %dma_wait3A_216 = tpu.memref_slice %arg6[%dma_wait3A_213, %dma_wait3A_214, %dma_wait3A_215] : memref<4x2x128xi32, #tpu.memory_space<vmem>> -> memref<1x1x128xi32, #tpu.memory_space<vmem>>
      %dma_wait3A_217 = tpu.memref_squeeze %dma_wait3A_216 : memref<1x1x128xi32, #tpu.memory_space<vmem>> -> memref<128xi32, #tpu.memory_space<vmem>>
      %dma_wait3A_218 = arith.constant 0 : i32
      %dma_wait3A_219 = arith.constant 0 : i32
      %dma_wait3A_220 = tpu.memref_slice %arg2[%dma_wait3A_218, %dma_wait3A_219] : memref<10240x128xf32, #tpu.memory_space<hbm>> -> memref<10240x128xf32, #tpu.memory_space<hbm>>
      tpu.wait_indirect_dma semaphore(%arg11 : memref<!tpu.dma_semaphore, #tpu.memory_space<semaphore_mem>>) src(%dma_wait3A_220 : memref<10240x128xf32, #tpu.memory_space<hbm>>) dst(%arg8 : memref<128x128xf32, #tpu.memory_space<vmem>>)
      %run_scoped3A_221 = arith.constant 1 : i32
      %run_scoped3A_222 = arith.constant 1 : i32
      "tpu.region"() ({
        %run_scoped3A_280 = tpu.sem_alloc : memref<!tpu.dma_semaphore, #tpu.memory_space<semaphore_mem>>
        %dma_start3A_281 = arith.constant 0 : i32
        %dma_start3A_282 = tpu.memref_slice %arg6[%run_scoped3A_221, %run_scoped3A_222, %dma_start3A_281] : memref<4x2x128xi32, #tpu.memory_space<vmem>> -> memref<1x1x128xi32, #tpu.memory_space<vmem>>
        %dma_start3A_283 = tpu.memref_squeeze %dma_start3A_282 : memref<1x1x128xi32, #tpu.memory_space<vmem>> -> memref<128xi32, #tpu.memory_space<vmem>>
        %dma_start3A_284 = arith.constant 0 : i32
        %dma_start3A_285 = arith.constant 0 : i32
        %dma_start3A_286 = tpu.memref_slice %arg9[%dma_start3A_284, %dma_start3A_285] : memref<10240x128xf32, #tpu.memory_space<vmem_shared>> -> memref<10240x128xf32, #tpu.memory_space<vmem_shared>>
        tpu.enqueue_indirect_dma source(%arg8 : memref<128x128xf32, #tpu.memory_space<vmem>>) target(%dma_start3A_286 : memref<10240x128xf32, #tpu.memory_space<vmem_shared>>) offsets(%dma_start3A_283 : memref<128xi32, #tpu.memory_space<vmem>>) semaphore(%run_scoped3A_280 : memref<!tpu.dma_semaphore, #tpu.memory_space<semaphore_mem>>) {add = true}
        %dma_wait3A_287 = arith.constant 0 : i32
        %dma_wait3A_288 = tpu.memref_slice %arg6[%run_scoped3A_221, %run_scoped3A_222, %dma_wait3A_287] : memref<4x2x128xi32, #tpu.memory_space<vmem>> -> memref<1x1x128xi32, #tpu.memory_space<vmem>>
        %dma_wait3A_289 = tpu.memref_squeeze %dma_wait3A_288 : memref<1x1x128xi32, #tpu.memory_space<vmem>> -> memref<128xi32, #tpu.memory_space<vmem>>
        %dma_wait3A_290 = arith.constant 0 : i32
        %dma_wait3A_291 = arith.constant 0 : i32
        %dma_wait3A_292 = tpu.memref_slice %arg9[%dma_wait3A_290, %dma_wait3A_291] : memref<10240x128xf32, #tpu.memory_space<vmem_shared>> -> memref<10240x128xf32, #tpu.memory_space<vmem_shared>>
        tpu.wait_indirect_dma semaphore(%run_scoped3A_280 : memref<!tpu.dma_semaphore, #tpu.memory_space<semaphore_mem>>) src(%arg8 : memref<128x128xf32, #tpu.memory_space<vmem>>) dst(%dma_wait3A_292 : memref<10240x128xf32, #tpu.memory_space<vmem_shared>>)
        tpu.yield
      }) : () -> ()
      %convert_element_type3A_223 = arith.extui %lt3A_148 : i1 to i32
      %cond3A_224 = arith.constant 0 : i32
      %cond3A_225 = arith.cmpi ne, %convert_element_type3A_223, %cond3A_224 : i32
      scf.if %cond3A_225 {
        %add3A_280 = arith.constant 5 : i32
        %add3A_281 = arith.addi %mul3A_147, %add3A_280 : i32
        %dma_start3A_282 = arith.constant 1 : i32
        %dma_start3A_283 = arith.constant 0 : i32
        %dma_start3A_284 = arith.constant 0 : i32
        %dma_start3A_285 = tpu.memref_slice %arg6[%dma_start3A_282, %dma_start3A_283, %dma_start3A_284] : memref<4x2x128xi32, #tpu.memory_space<vmem>> -> memref<1x2x128xi32, #tpu.memory_space<vmem>>
        %dma_start3A_286 = tpu.memref_squeeze %dma_start3A_285 : memref<1x2x128xi32, #tpu.memory_space<vmem>> -> memref<2x128xi32, #tpu.memory_space<vmem>>
        %dma_start3A_287 = arith.constant 0 : i32
        %dma_start3A_288 = arith.constant 0 : i32
        %dma_start3A_289 = tpu.memref_slice %arg3[%add3A, %add3A_281, %dma_start3A_287, %dma_start3A_288] : memref<32x80x2x128xi32, #tpu.memory_space<hbm>> -> memref<1x1x2x128xi32, #tpu.memory_space<hbm>>
        %dma_start3A_290 = tpu.memref_squeeze %dma_start3A_289 : memref<1x1x2x128xi32, #tpu.memory_space<hbm>> -> memref<2x128xi32, #tpu.memory_space<hbm>>
        %dma_start3A_291 = arith.constant 0 : i32
        %dma_start3A_292 = arith.constant 0 : i32
        %dma_start3A_293 = tpu.memref_slice %arg6[%dma_start3A_282, %dma_start3A_291, %dma_start3A_292] : memref<4x2x128xi32, #tpu.memory_space<vmem>> -> memref<1x2x128xi32, #tpu.memory_space<vmem>>
        %dma_start3A_294 = tpu.memref_squeeze %dma_start3A_293 : memref<1x2x128xi32, #tpu.memory_space<vmem>> -> memref<2x128xi32, #tpu.memory_space<vmem>>
        %dma_start3A_295 = arith.constant 0 : i32
        %dma_start3A_296 = arith.constant 0 : i32
        %dma_start3A_297 = tpu.memref_slice %arg3[%add3A, %add3A_281, %dma_start3A_295, %dma_start3A_296] : memref<32x80x2x128xi32, #tpu.memory_space<hbm>> -> memref<1x1x2x128xi32, #tpu.memory_space<hbm>>
        %dma_start3A_298 = tpu.memref_squeeze %dma_start3A_297 : memref<1x1x2x128xi32, #tpu.memory_space<hbm>> -> memref<2x128xi32, #tpu.memory_space<hbm>>
        tpu.enqueue_dma source(%dma_start3A_298 : memref<2x128xi32, #tpu.memory_space<hbm>>) target(%dma_start3A_294 : memref<2x128xi32, #tpu.memory_space<vmem>>) target_semaphore(%arg12 : memref<!tpu.dma_semaphore, #tpu.memory_space<semaphore_mem>>)
      } else {
      }
      %add3A_226 = arith.constant 3 : i32
      %add3A_227 = arith.addi %mul3A_147, %add3A_226 : i32
      %dma_wait3A_228 = arith.constant 3 : i32
      %dma_wait3A_229 = arith.constant 0 : i32
      %dma_wait3A_230 = arith.constant 0 : i32
      %dma_wait3A_231 = tpu.memref_slice %arg6[%dma_wait3A_228, %dma_wait3A_229, %dma_wait3A_230] : memref<4x2x128xi32, #tpu.memory_space<vmem>> -> memref<1x2x128xi32, #tpu.memory_space<vmem>>
      %dma_wait3A_232 = tpu.memref_squeeze %dma_wait3A_231 : memref<1x2x128xi32, #tpu.memory_space<vmem>> -> memref<2x128xi32, #tpu.memory_space<vmem>>
      %dma_wait3A_233 = arith.constant 0 : i32
      %dma_wait3A_234 = arith.constant 0 : i32
      %dma_wait3A_235 = tpu.memref_slice %arg3[%add3A, %add3A_227, %dma_wait3A_233, %dma_wait3A_234] : memref<32x80x2x128xi32, #tpu.memory_space<hbm>> -> memref<1x1x2x128xi32, #tpu.memory_space<hbm>>
      %dma_wait3A_236 = tpu.memref_squeeze %dma_wait3A_235 : memref<1x1x2x128xi32, #tpu.memory_space<hbm>> -> memref<2x128xi32, #tpu.memory_space<hbm>>
      %dma_wait3A_237 = arith.constant 0 : i32
      %dma_wait3A_238 = arith.constant 0 : i32
      %dma_wait3A_239 = tpu.memref_slice %arg6[%dma_wait3A_228, %dma_wait3A_237, %dma_wait3A_238] : memref<4x2x128xi32, #tpu.memory_space<vmem>> -> memref<1x2x128xi32, #tpu.memory_space<vmem>>
      %dma_wait3A_240 = tpu.memref_squeeze %dma_wait3A_239 : memref<1x2x128xi32, #tpu.memory_space<vmem>> -> memref<2x128xi32, #tpu.memory_space<vmem>>
      %dma_wait3A_241 = arith.constant 0 : i32
      %dma_wait3A_242 = arith.constant 0 : i32
      %dma_wait3A_243 = tpu.memref_slice %arg3[%add3A, %add3A_227, %dma_wait3A_241, %dma_wait3A_242] : memref<32x80x2x128xi32, #tpu.memory_space<hbm>> -> memref<1x1x2x128xi32, #tpu.memory_space<hbm>>
      %dma_wait3A_244 = tpu.memref_squeeze %dma_wait3A_243 : memref<1x1x2x128xi32, #tpu.memory_space<hbm>> -> memref<2x128xi32, #tpu.memory_space<hbm>>
      tpu.wait_dma2 semaphore(%arg12 : memref<!tpu.dma_semaphore, #tpu.memory_space<semaphore_mem>>) src(%dma_wait3A_244 : memref<2x128xi32, #tpu.memory_space<hbm>>) dst(%dma_wait3A_240 : memref<2x128xi32, #tpu.memory_space<vmem>>)
      %dma_start3A_245 = arith.constant 3 : i32
      %dma_start3A_246 = arith.constant 0 : i32
      %dma_start3A_247 = arith.constant 0 : i32
      %dma_start3A_248 = tpu.memref_slice %arg6[%dma_start3A_245, %dma_start3A_246, %dma_start3A_247] : memref<4x2x128xi32, #tpu.memory_space<vmem>> -> memref<1x1x128xi32, #tpu.memory_space<vmem>>
      %dma_start3A_249 = tpu.memref_squeeze %dma_start3A_248 : memref<1x1x128xi32, #tpu.memory_space<vmem>> -> memref<128xi32, #tpu.memory_space<vmem>>
      %dma_start3A_250 = arith.constant 0 : i32
      %dma_start3A_251 = arith.constant 0 : i32
      %dma_start3A_252 = tpu.memref_slice %arg2[%dma_start3A_250, %dma_start3A_251] : memref<10240x128xf32, #tpu.memory_space<hbm>> -> memref<10240x128xf32, #tpu.memory_space<hbm>>
      tpu.enqueue_indirect_dma source(%dma_start3A_252 : memref<10240x128xf32, #tpu.memory_space<hbm>>) target(%arg8 : memref<128x128xf32, #tpu.memory_space<vmem>>) offsets(%dma_start3A_249 : memref<128xi32, #tpu.memory_space<vmem>>) semaphore(%arg11 : memref<!tpu.dma_semaphore, #tpu.memory_space<semaphore_mem>>)
      %dma_wait3A_253 = arith.constant 2 : i32
      %dma_wait3A_254 = arith.constant 0 : i32
      %dma_wait3A_255 = arith.constant 0 : i32
      %dma_wait3A_256 = tpu.memref_slice %arg6[%dma_wait3A_253, %dma_wait3A_254, %dma_wait3A_255] : memref<4x2x128xi32, #tpu.memory_space<vmem>> -> memref<1x1x128xi32, #tpu.memory_space<vmem>>
      %dma_wait3A_257 = tpu.memref_squeeze %dma_wait3A_256 : memref<1x1x128xi32, #tpu.memory_space<vmem>> -> memref<128xi32, #tpu.memory_space<vmem>>
      %dma_wait3A_258 = arith.constant 0 : i32
      %dma_wait3A_259 = arith.constant 0 : i32
      %dma_wait3A_260 = tpu.memref_slice %arg2[%dma_wait3A_258, %dma_wait3A_259] : memref<10240x128xf32, #tpu.memory_space<hbm>> -> memref<10240x128xf32, #tpu.memory_space<hbm>>
      tpu.wait_indirect_dma semaphore(%arg10 : memref<!tpu.dma_semaphore, #tpu.memory_space<semaphore_mem>>) src(%dma_wait3A_260 : memref<10240x128xf32, #tpu.memory_space<hbm>>) dst(%arg7 : memref<128x128xf32, #tpu.memory_space<vmem>>)
      %run_scoped3A_261 = arith.constant 2 : i32
      %run_scoped3A_262 = arith.constant 1 : i32
      "tpu.region"() ({
        %run_scoped3A_280 = tpu.sem_alloc : memref<!tpu.dma_semaphore, #tpu.memory_space<semaphore_mem>>
        %dma_start3A_281 = arith.constant 0 : i32
        %dma_start3A_282 = tpu.memref_slice %arg6[%run_scoped3A_261, %run_scoped3A_262, %dma_start3A_281] : memref<4x2x128xi32, #tpu.memory_space<vmem>> -> memref<1x1x128xi32, #tpu.memory_space<vmem>>
        %dma_start3A_283 = tpu.memref_squeeze %dma_start3A_282 : memref<1x1x128xi32, #tpu.memory_space<vmem>> -> memref<128xi32, #tpu.memory_space<vmem>>
        %dma_start3A_284 = arith.constant 0 : i32
        %dma_start3A_285 = arith.constant 0 : i32
        %dma_start3A_286 = tpu.memref_slice %arg9[%dma_start3A_284, %dma_start3A_285] : memref<10240x128xf32, #tpu.memory_space<vmem_shared>> -> memref<10240x128xf32, #tpu.memory_space<vmem_shared>>
        tpu.enqueue_indirect_dma source(%arg7 : memref<128x128xf32, #tpu.memory_space<vmem>>) target(%dma_start3A_286 : memref<10240x128xf32, #tpu.memory_space<vmem_shared>>) offsets(%dma_start3A_283 : memref<128xi32, #tpu.memory_space<vmem>>) semaphore(%run_scoped3A_280 : memref<!tpu.dma_semaphore, #tpu.memory_space<semaphore_mem>>) {add = true}
        %dma_wait3A_287 = arith.constant 0 : i32
        %dma_wait3A_288 = tpu.memref_slice %arg6[%run_scoped3A_261, %run_scoped3A_262, %dma_wait3A_287] : memref<4x2x128xi32, #tpu.memory_space<vmem>> -> memref<1x1x128xi32, #tpu.memory_space<vmem>>
        %dma_wait3A_289 = tpu.memref_squeeze %dma_wait3A_288 : memref<1x1x128xi32, #tpu.memory_space<vmem>> -> memref<128xi32, #tpu.memory_space<vmem>>
        %dma_wait3A_290 = arith.constant 0 : i32
        %dma_wait3A_291 = arith.constant 0 : i32
        %dma_wait3A_292 = tpu.memref_slice %arg9[%dma_wait3A_290, %dma_wait3A_291] : memref<10240x128xf32, #tpu.memory_space<vmem_shared>> -> memref<10240x128xf32, #tpu.memory_space<vmem_shared>>
        tpu.wait_indirect_dma semaphore(%run_scoped3A_280 : memref<!tpu.dma_semaphore, #tpu.memory_space<semaphore_mem>>) src(%arg7 : memref<128x128xf32, #tpu.memory_space<vmem>>) dst(%dma_wait3A_292 : memref<10240x128xf32, #tpu.memory_space<vmem_shared>>)
        tpu.yield
      }) : () -> ()
      %convert_element_type3A_263 = arith.extui %lt3A_148 : i1 to i32
      %cond3A_264 = arith.constant 0 : i32
      %cond3A_265 = arith.cmpi ne, %convert_element_type3A_263, %cond3A_264 : i32
      scf.if %cond3A_265 {
        %add3A_280 = arith.constant 6 : i32
        %add3A_281 = arith.addi %mul3A_147, %add3A_280 : i32
        %dma_start3A_282 = arith.constant 2 : i32
        %dma_start3A_283 = arith.constant 0 : i32
        %dma_start3A_284 = arith.constant 0 : i32
        %dma_start3A_285 = tpu.memref_slice %arg6[%dma_start3A_282, %dma_start3A_283, %dma_start3A_284] : memref<4x2x128xi32, #tpu.memory_space<vmem>> -> memref<1x2x128xi32, #tpu.memory_space<vmem>>
        %dma_start3A_286 = tpu.memref_squeeze %dma_start3A_285 : memref<1x2x128xi32, #tpu.memory_space<vmem>> -> memref<2x128xi32, #tpu.memory_space<vmem>>
        %dma_start3A_287 = arith.constant 0 : i32
        %dma_start3A_288 = arith.constant 0 : i32
        %dma_start3A_289 = tpu.memref_slice %arg3[%add3A, %add3A_281, %dma_start3A_287, %dma_start3A_288] : memref<32x80x2x128xi32, #tpu.memory_space<hbm>> -> memref<1x1x2x128xi32, #tpu.memory_space<hbm>>
        %dma_start3A_290 = tpu.memref_squeeze %dma_start3A_289 : memref<1x1x2x128xi32, #tpu.memory_space<hbm>> -> memref<2x128xi32, #tpu.memory_space<hbm>>
        %dma_start3A_291 = arith.constant 0 : i32
        %dma_start3A_292 = arith.constant 0 : i32
        %dma_start3A_293 = tpu.memref_slice %arg6[%dma_start3A_282, %dma_start3A_291, %dma_start3A_292] : memref<4x2x128xi32, #tpu.memory_space<vmem>> -> memref<1x2x128xi32, #tpu.memory_space<vmem>>
        %dma_start3A_294 = tpu.memref_squeeze %dma_start3A_293 : memref<1x2x128xi32, #tpu.memory_space<vmem>> -> memref<2x128xi32, #tpu.memory_space<vmem>>
        %dma_start3A_295 = arith.constant 0 : i32
        %dma_start3A_296 = arith.constant 0 : i32
        %dma_start3A_297 = tpu.memref_slice %arg3[%add3A, %add3A_281, %dma_start3A_295, %dma_start3A_296] : memref<32x80x2x128xi32, #tpu.memory_space<hbm>> -> memref<1x1x2x128xi32, #tpu.memory_space<hbm>>
        %dma_start3A_298 = tpu.memref_squeeze %dma_start3A_297 : memref<1x1x2x128xi32, #tpu.memory_space<hbm>> -> memref<2x128xi32, #tpu.memory_space<hbm>>
        tpu.enqueue_dma source(%dma_start3A_298 : memref<2x128xi32, #tpu.memory_space<hbm>>) target(%dma_start3A_294 : memref<2x128xi32, #tpu.memory_space<vmem>>) target_semaphore(%arg12 : memref<!tpu.dma_semaphore, #tpu.memory_space<semaphore_mem>>)
        %add3A_299 = arith.constant 4 : i32
        %add3A_300 = arith.addi %mul3A_147, %add3A_299 : i32
        %dma_wait3A_301 = arith.constant 0 : i32
        %dma_wait3A_302 = arith.constant 0 : i32
        %dma_wait3A_303 = arith.constant 0 : i32
        %dma_wait3A_304 = tpu.memref_slice %arg6[%dma_wait3A_301, %dma_wait3A_302, %dma_wait3A_303] : memref<4x2x128xi32, #tpu.memory_space<vmem>> -> memref<1x2x128xi32, #tpu.memory_space<vmem>>
        %dma_wait3A_305 = tpu.memref_squeeze %dma_wait3A_304 : memref<1x2x128xi32, #tpu.memory_space<vmem>> -> memref<2x128xi32, #tpu.memory_space<vmem>>
        %dma_wait3A_306 = arith.constant 0 : i32
        %dma_wait3A_307 = arith.constant 0 : i32
        %dma_wait3A_308 = tpu.memref_slice %arg3[%add3A, %add3A_300, %dma_wait3A_306, %dma_wait3A_307] : memref<32x80x2x128xi32, #tpu.memory_space<hbm>> -> memref<1x1x2x128xi32, #tpu.memory_space<hbm>>
        %dma_wait3A_309 = tpu.memref_squeeze %dma_wait3A_308 : memref<1x1x2x128xi32, #tpu.memory_space<hbm>> -> memref<2x128xi32, #tpu.memory_space<hbm>>
        %dma_wait3A_310 = arith.constant 0 : i32
        %dma_wait3A_311 = arith.constant 0 : i32
        %dma_wait3A_312 = tpu.memref_slice %arg6[%dma_wait3A_301, %dma_wait3A_310, %dma_wait3A_311] : memref<4x2x128xi32, #tpu.memory_space<vmem>> -> memref<1x2x128xi32, #tpu.memory_space<vmem>>
        %dma_wait3A_313 = tpu.memref_squeeze %dma_wait3A_312 : memref<1x2x128xi32, #tpu.memory_space<vmem>> -> memref<2x128xi32, #tpu.memory_space<vmem>>
        %dma_wait3A_314 = arith.constant 0 : i32
        %dma_wait3A_315 = arith.constant 0 : i32
        %dma_wait3A_316 = tpu.memref_slice %arg3[%add3A, %add3A_300, %dma_wait3A_314, %dma_wait3A_315] : memref<32x80x2x128xi32, #tpu.memory_space<hbm>> -> memref<1x1x2x128xi32, #tpu.memory_space<hbm>>
        %dma_wait3A_317 = tpu.memref_squeeze %dma_wait3A_316 : memref<1x1x2x128xi32, #tpu.memory_space<hbm>> -> memref<2x128xi32, #tpu.memory_space<hbm>>
        tpu.wait_dma2 semaphore(%arg12 : memref<!tpu.dma_semaphore, #tpu.memory_space<semaphore_mem>>) src(%dma_wait3A_317 : memref<2x128xi32, #tpu.memory_space<hbm>>) dst(%dma_wait3A_313 : memref<2x128xi32, #tpu.memory_space<vmem>>)
        %dma_start3A_318 = arith.constant 0 : i32
        %dma_start3A_319 = arith.constant 0 : i32
        %dma_start3A_320 = arith.constant 0 : i32
        %dma_start3A_321 = tpu.memref_slice %arg6[%dma_start3A_318, %dma_start3A_319, %dma_start3A_320] : memref<4x2x128xi32, #tpu.memory_space<vmem>> -> memref<1x1x128xi32, #tpu.memory_space<vmem>>
        %dma_start3A_322 = tpu.memref_squeeze %dma_start3A_321 : memref<1x1x128xi32, #tpu.memory_space<vmem>> -> memref<128xi32, #tpu.memory_space<vmem>>
        %dma_start3A_323 = arith.constant 0 : i32
        %dma_start3A_324 = arith.constant 0 : i32
        %dma_start3A_325 = tpu.memref_slice %arg2[%dma_start3A_323, %dma_start3A_324] : memref<10240x128xf32, #tpu.memory_space<hbm>> -> memref<10240x128xf32, #tpu.memory_space<hbm>>
        tpu.enqueue_indirect_dma source(%dma_start3A_325 : memref<10240x128xf32, #tpu.memory_space<hbm>>) target(%arg7 : memref<128x128xf32, #tpu.memory_space<vmem>>) offsets(%dma_start3A_322 : memref<128xi32, #tpu.memory_space<vmem>>) semaphore(%arg10 : memref<!tpu.dma_semaphore, #tpu.memory_space<semaphore_mem>>)
      } else {
      }
      %dma_wait3A_266 = arith.constant 3 : i32
      %dma_wait3A_267 = arith.constant 0 : i32
      %dma_wait3A_268 = arith.constant 0 : i32
      %dma_wait3A_269 = tpu.memref_slice %arg6[%dma_wait3A_266, %dma_wait3A_267, %dma_wait3A_268] : memref<4x2x128xi32, #tpu.memory_space<vmem>> -> memref<1x1x128xi32, #tpu.memory_space<vmem>>
      %dma_wait3A_270 = tpu.memref_squeeze %dma_wait3A_269 : memref<1x1x128xi32, #tpu.memory_space<vmem>> -> memref<128xi32, #tpu.memory_space<vmem>>
      %dma_wait3A_271 = arith.constant 0 : i32
      %dma_wait3A_272 = arith.constant 0 : i32
      %dma_wait3A_273 = tpu.memref_slice %arg2[%dma_wait3A_271, %dma_wait3A_272] : memref<10240x128xf32, #tpu.memory_space<hbm>> -> memref<10240x128xf32, #tpu.memory_space<hbm>>
      tpu.wait_indirect_dma semaphore(%arg11 : memref<!tpu.dma_semaphore, #tpu.memory_space<semaphore_mem>>) src(%dma_wait3A_273 : memref<10240x128xf32, #tpu.memory_space<hbm>>) dst(%arg8 : memref<128x128xf32, #tpu.memory_space<vmem>>)
      %run_scoped3A_274 = arith.constant 3 : i32
      %run_scoped3A_275 = arith.constant 1 : i32
      "tpu.region"() ({
        %run_scoped3A_280 = tpu.sem_alloc : memref<!tpu.dma_semaphore, #tpu.memory_space<semaphore_mem>>
        %dma_start3A_281 = arith.constant 0 : i32
        %dma_start3A_282 = tpu.memref_slice %arg6[%run_scoped3A_274, %run_scoped3A_275, %dma_start3A_281] : memref<4x2x128xi32, #tpu.memory_space<vmem>> -> memref<1x1x128xi32, #tpu.memory_space<vmem>>
        %dma_start3A_283 = tpu.memref_squeeze %dma_start3A_282 : memref<1x1x128xi32, #tpu.memory_space<vmem>> -> memref<128xi32, #tpu.memory_space<vmem>>
        %dma_start3A_284 = arith.constant 0 : i32
        %dma_start3A_285 = arith.constant 0 : i32
        %dma_start3A_286 = tpu.memref_slice %arg9[%dma_start3A_284, %dma_start3A_285] : memref<10240x128xf32, #tpu.memory_space<vmem_shared>> -> memref<10240x128xf32, #tpu.memory_space<vmem_shared>>
        tpu.enqueue_indirect_dma source(%arg8 : memref<128x128xf32, #tpu.memory_space<vmem>>) target(%dma_start3A_286 : memref<10240x128xf32, #tpu.memory_space<vmem_shared>>) offsets(%dma_start3A_283 : memref<128xi32, #tpu.memory_space<vmem>>) semaphore(%run_scoped3A_280 : memref<!tpu.dma_semaphore, #tpu.memory_space<semaphore_mem>>) {add = true}
        %dma_wait3A_287 = arith.constant 0 : i32
        %dma_wait3A_288 = tpu.memref_slice %arg6[%run_scoped3A_274, %run_scoped3A_275, %dma_wait3A_287] : memref<4x2x128xi32, #tpu.memory_space<vmem>> -> memref<1x1x128xi32, #tpu.memory_space<vmem>>
        %dma_wait3A_289 = tpu.memref_squeeze %dma_wait3A_288 : memref<1x1x128xi32, #tpu.memory_space<vmem>> -> memref<128xi32, #tpu.memory_space<vmem>>
        %dma_wait3A_290 = arith.constant 0 : i32
        %dma_wait3A_291 = arith.constant 0 : i32
        %dma_wait3A_292 = tpu.memref_slice %arg9[%dma_wait3A_290, %dma_wait3A_291] : memref<10240x128xf32, #tpu.memory_space<vmem_shared>> -> memref<10240x128xf32, #tpu.memory_space<vmem_shared>>
        tpu.wait_indirect_dma semaphore(%run_scoped3A_280 : memref<!tpu.dma_semaphore, #tpu.memory_space<semaphore_mem>>) src(%arg8 : memref<128x128xf32, #tpu.memory_space<vmem>>) dst(%dma_wait3A_292 : memref<10240x128xf32, #tpu.memory_space<vmem_shared>>)
        tpu.yield
      }) : () -> ()
      %convert_element_type3A_276 = arith.extui %lt3A_148 : i1 to i32
      %cond3A_277 = arith.constant 0 : i32
      %cond3A_278 = arith.cmpi ne, %convert_element_type3A_276, %cond3A_277 : i32
      scf.if %cond3A_278 {
        %add3A_280 = arith.constant 7 : i32
        %add3A_281 = arith.addi %mul3A_147, %add3A_280 : i32
        %dma_start3A_282 = arith.constant 3 : i32
        %dma_start3A_283 = arith.constant 0 : i32
        %dma_start3A_284 = arith.constant 0 : i32
        %dma_start3A_285 = tpu.memref_slice %arg6[%dma_start3A_282, %dma_start3A_283, %dma_start3A_284] : memref<4x2x128xi32, #tpu.memory_space<vmem>> -> memref<1x2x128xi32, #tpu.memory_space<vmem>>
        %dma_start3A_286 = tpu.memref_squeeze %dma_start3A_285 : memref<1x2x128xi32, #tpu.memory_space<vmem>> -> memref<2x128xi32, #tpu.memory_space<vmem>>
        %dma_start3A_287 = arith.constant 0 : i32
        %dma_start3A_288 = arith.constant 0 : i32
        %dma_start3A_289 = tpu.memref_slice %arg3[%add3A, %add3A_281, %dma_start3A_287, %dma_start3A_288] : memref<32x80x2x128xi32, #tpu.memory_space<hbm>> -> memref<1x1x2x128xi32, #tpu.memory_space<hbm>>
        %dma_start3A_290 = tpu.memref_squeeze %dma_start3A_289 : memref<1x1x2x128xi32, #tpu.memory_space<hbm>> -> memref<2x128xi32, #tpu.memory_space<hbm>>
        %dma_start3A_291 = arith.constant 0 : i32
        %dma_start3A_292 = arith.constant 0 : i32
        %dma_start3A_293 = tpu.memref_slice %arg6[%dma_start3A_282, %dma_start3A_291, %dma_start3A_292] : memref<4x2x128xi32, #tpu.memory_space<vmem>> -> memref<1x2x128xi32, #tpu.memory_space<vmem>>
        %dma_start3A_294 = tpu.memref_squeeze %dma_start3A_293 : memref<1x2x128xi32, #tpu.memory_space<vmem>> -> memref<2x128xi32, #tpu.memory_space<vmem>>
        %dma_start3A_295 = arith.constant 0 : i32
        %dma_start3A_296 = arith.constant 0 : i32
        %dma_start3A_297 = tpu.memref_slice %arg3[%add3A, %add3A_281, %dma_start3A_295, %dma_start3A_296] : memref<32x80x2x128xi32, #tpu.memory_space<hbm>> -> memref<1x1x2x128xi32, #tpu.memory_space<hbm>>
        %dma_start3A_298 = tpu.memref_squeeze %dma_start3A_297 : memref<1x1x2x128xi32, #tpu.memory_space<hbm>> -> memref<2x128xi32, #tpu.memory_space<hbm>>
        tpu.enqueue_dma source(%dma_start3A_298 : memref<2x128xi32, #tpu.memory_space<hbm>>) target(%dma_start3A_294 : memref<2x128xi32, #tpu.memory_space<vmem>>) target_semaphore(%arg12 : memref<!tpu.dma_semaphore, #tpu.memory_space<semaphore_mem>>)
      } else {
      }
      %scan3A_279 = arith.constant 0 : i32
      scf.yield %scan3A_279 : i32
    }
    %scan3A_122 = arith.constant 20 : i32
    %barrier3A_123 = arith.constant 0 : index
    tpu.barrier barrier_id(%barrier3A_123)
    %mul3A_124 = arith.constant 640 : i32
    %mul3A_125 = arith.muli %arg1, %mul3A_124 : i32
    %add3A_126 = arith.constant 0 : i32
    %add3A_127 = arith.addi %mul3A_125, %add3A_126 : i32
    "tpu.region"() ({
      %run_scoped3A = tpu.sem_alloc : memref<!tpu.dma_semaphore, #tpu.memory_space<semaphore_mem>>
      %dma_start3A_144 = arith.constant 0 : i32
      %dma_start3A_145 = tpu.memref_slice %arg9[%add3A_127, %dma_start3A_144] : memref<10240x128xf32, #tpu.memory_space<vmem_shared>> -> memref<128x128xf32, #tpu.memory_space<vmem_shared>>
      %dma_start3A_146 = arith.constant 0 : i32
      %dma_start3A_147 = tpu.memref_slice %arg9[%add3A_127, %dma_start3A_146] : memref<10240x128xf32, #tpu.memory_space<vmem_shared>> -> memref<128x128xf32, #tpu.memory_space<vmem_shared>>
      tpu.enqueue_dma source(%dma_start3A_147 : memref<128x128xf32, #tpu.memory_space<vmem_shared>>) target(%arg7 : memref<128x128xf32, #tpu.memory_space<vmem>>) target_semaphore(%run_scoped3A : memref<!tpu.dma_semaphore, #tpu.memory_space<semaphore_mem>>)
      %dma_wait3A_148 = arith.constant 0 : i32
      %dma_wait3A_149 = tpu.memref_slice %arg9[%add3A_127, %dma_wait3A_148] : memref<10240x128xf32, #tpu.memory_space<vmem_shared>> -> memref<128x128xf32, #tpu.memory_space<vmem_shared>>
      %dma_wait3A_150 = arith.constant 0 : i32
      %dma_wait3A_151 = tpu.memref_slice %arg9[%add3A_127, %dma_wait3A_150] : memref<10240x128xf32, #tpu.memory_space<vmem_shared>> -> memref<128x128xf32, #tpu.memory_space<vmem_shared>>
      tpu.wait_dma2 semaphore(%run_scoped3A : memref<!tpu.dma_semaphore, #tpu.memory_space<semaphore_mem>>) src(%dma_wait3A_151 : memref<128x128xf32, #tpu.memory_space<vmem_shared>>) dst(%arg7 : memref<128x128xf32, #tpu.memory_space<vmem>>)
      tpu.yield
    }) : () -> ()
    "tpu.region"() ({
      %run_scoped3A = tpu.sem_alloc : memref<!tpu.dma_semaphore, #tpu.memory_space<semaphore_mem>>
      %dma_start3A_144 = arith.constant 0 : i32
      %dma_start3A_145 = tpu.memref_slice %arg5[%arg0, %add3A_127, %dma_start3A_144] : memref<2x10240x128xf32, #tpu.memory_space<hbm>> -> memref<1x128x128xf32, #tpu.memory_space<hbm>>
      %dma_start3A_146 = tpu.memref_squeeze %dma_start3A_145 : memref<1x128x128xf32, #tpu.memory_space<hbm>> -> memref<128x128xf32, #tpu.memory_space<hbm>>
      %dma_start3A_147 = arith.constant 0 : i32
      %dma_start3A_148 = tpu.memref_slice %arg5[%arg0, %add3A_127, %dma_start3A_147] : memref<2x10240x128xf32, #tpu.memory_space<hbm>> -> memref<1x128x128xf32, #tpu.memory_space<hbm>>
      %dma_start3A_149 = tpu.memref_squeeze %dma_start3A_148 : memref<1x128x128xf32, #tpu.memory_space<hbm>> -> memref<128x128xf32, #tpu.memory_space<hbm>>
      tpu.enqueue_dma source(%arg7 : memref<128x128xf32, #tpu.memory_space<vmem>>) target(%dma_start3A_149 : memref<128x128xf32, #tpu.memory_space<hbm>>) target_semaphore(%run_scoped3A : memref<!tpu.dma_semaphore, #tpu.memory_space<semaphore_mem>>)
      %dma_wait3A_150 = arith.constant 0 : i32
      %dma_wait3A_151 = tpu.memref_slice %arg5[%arg0, %add3A_127, %dma_wait3A_150] : memref<2x10240x128xf32, #tpu.memory_space<hbm>> -> memref<1x128x128xf32, #tpu.memory_space<hbm>>
      %dma_wait3A_152 = tpu.memref_squeeze %dma_wait3A_151 : memref<1x128x128xf32, #tpu.memory_space<hbm>> -> memref<128x128xf32, #tpu.memory_space<hbm>>
      %dma_wait3A_153 = arith.constant 0 : i32
      %dma_wait3A_154 = tpu.memref_slice %arg5[%arg0, %add3A_127, %dma_wait3A_153] : memref<2x10240x128xf32, #tpu.memory_space<hbm>> -> memref<1x128x128xf32, #tpu.memory_space<hbm>>
      %dma_wait3A_155 = tpu.memref_squeeze %dma_wait3A_154 : memref<1x128x128xf32, #tpu.memory_space<hbm>> -> memref<128x128xf32, #tpu.memory_space<hbm>>
      tpu.wait_dma2 semaphore(%run_scoped3A : memref<!tpu.dma_semaphore, #tpu.memory_space<semaphore_mem>>) src(%arg7 : memref<128x128xf32, #tpu.memory_space<vmem>>) dst(%dma_wait3A_155 : memref<128x128xf32, #tpu.memory_space<hbm>>)
      tpu.yield
    }) : () -> ()
    %mul3A_128 = arith.constant 640 : i32
    %mul3A_129 = arith.muli %arg1, %mul3A_128 : i32
    %add3A_130 = arith.constant 128 : i32
    %add3A_131 = arith.addi %mul3A_129, %add3A_130 : i32
    "tpu.region"() ({
      %run_scoped3A = tpu.sem_alloc : memref<!tpu.dma_semaphore, #tpu.memory_space<semaphore_mem>>
      %dma_start3A_144 = arith.constant 0 : i32
      %dma_start3A_145 = tpu.memref_slice %arg9[%add3A_131, %dma_start3A_144] : memref<10240x128xf32, #tpu.memory_space<vmem_shared>> -> memref<128x128xf32, #tpu.memory_space<vmem_shared>>
      %dma_start3A_146 = arith.constant 0 : i32
      %dma_start3A_147 = tpu.memref_slice %arg9[%add3A_131, %dma_start3A_146] : memref<10240x128xf32, #tpu.memory_space<vmem_shared>> -> memref<128x128xf32, #tpu.memory_space<vmem_shared>>
      tpu.enqueue_dma source(%dma_start3A_147 : memref<128x128xf32, #tpu.memory_space<vmem_shared>>) target(%arg7 : memref<128x128xf32, #tpu.memory_space<vmem>>) target_semaphore(%run_scoped3A : memref<!tpu.dma_semaphore, #tpu.memory_space<semaphore_mem>>)
      %dma_wait3A_148 = arith.constant 0 : i32
      %dma_wait3A_149 = tpu.memref_slice %arg9[%add3A_131, %dma_wait3A_148] : memref<10240x128xf32, #tpu.memory_space<vmem_shared>> -> memref<128x128xf32, #tpu.memory_space<vmem_shared>>
      %dma_wait3A_150 = arith.constant 0 : i32
      %dma_wait3A_151 = tpu.memref_slice %arg9[%add3A_131, %dma_wait3A_150] : memref<10240x128xf32, #tpu.memory_space<vmem_shared>> -> memref<128x128xf32, #tpu.memory_space<vmem_shared>>
      tpu.wait_dma2 semaphore(%run_scoped3A : memref<!tpu.dma_semaphore, #tpu.memory_space<semaphore_mem>>) src(%dma_wait3A_151 : memref<128x128xf32, #tpu.memory_space<vmem_shared>>) dst(%arg7 : memref<128x128xf32, #tpu.memory_space<vmem>>)
      tpu.yield
    }) : () -> ()
    "tpu.region"() ({
      %run_scoped3A = tpu.sem_alloc : memref<!tpu.dma_semaphore, #tpu.memory_space<semaphore_mem>>
      %dma_start3A_144 = arith.constant 0 : i32
      %dma_start3A_145 = tpu.memref_slice %arg5[%arg0, %add3A_131, %dma_start3A_144] : memref<2x10240x128xf32, #tpu.memory_space<hbm>> -> memref<1x128x128xf32, #tpu.memory_space<hbm>>
      %dma_start3A_146 = tpu.memref_squeeze %dma_start3A_145 : memref<1x128x128xf32, #tpu.memory_space<hbm>> -> memref<128x128xf32, #tpu.memory_space<hbm>>
      %dma_start3A_147 = arith.constant 0 : i32
      %dma_start3A_148 = tpu.memref_slice %arg5[%arg0, %add3A_131, %dma_start3A_147] : memref<2x10240x128xf32, #tpu.memory_space<hbm>> -> memref<1x128x128xf32, #tpu.memory_space<hbm>>
      %dma_start3A_149 = tpu.memref_squeeze %dma_start3A_148 : memref<1x128x128xf32, #tpu.memory_space<hbm>> -> memref<128x128xf32, #tpu.memory_space<hbm>>
      tpu.enqueue_dma source(%arg7 : memref<128x128xf32, #tpu.memory_space<vmem>>) target(%dma_start3A_149 : memref<128x128xf32, #tpu.memory_space<hbm>>) target_semaphore(%run_scoped3A : memref<!tpu.dma_semaphore, #tpu.memory_space<semaphore_mem>>)
      %dma_wait3A_150 = arith.constant 0 : i32
      %dma_wait3A_151 = tpu.memref_slice %arg5[%arg0, %add3A_131, %dma_wait3A_150] : memref<2x10240x128xf32, #tpu.memory_space<hbm>> -> memref<1x128x128xf32, #tpu.memory_space<hbm>>
      %dma_wait3A_152 = tpu.memref_squeeze %dma_wait3A_151 : memref<1x128x128xf32, #tpu.memory_space<hbm>> -> memref<128x128xf32, #tpu.memory_space<hbm>>
      %dma_wait3A_153 = arith.constant 0 : i32
      %dma_wait3A_154 = tpu.memref_slice %arg5[%arg0, %add3A_131, %dma_wait3A_153] : memref<2x10240x128xf32, #tpu.memory_space<hbm>> -> memref<1x128x128xf32, #tpu.memory_space<hbm>>
      %dma_wait3A_155 = tpu.memref_squeeze %dma_wait3A_154 : memref<1x128x128xf32, #tpu.memory_space<hbm>> -> memref<128x128xf32, #tpu.memory_space<hbm>>
      tpu.wait_dma2 semaphore(%run_scoped3A : memref<!tpu.dma_semaphore, #tpu.memory_space<semaphore_mem>>) src(%arg7 : memref<128x128xf32, #tpu.memory_space<vmem>>) dst(%dma_wait3A_155 : memref<128x128xf32, #tpu.memory_space<hbm>>)
      tpu.yield
    }) : () -> ()
    %mul3A_132 = arith.constant 640 : i32
    %mul3A_133 = arith.muli %arg1, %mul3A_132 : i32
    %add3A_134 = arith.constant 256 : i32
    %add3A_135 = arith.addi %mul3A_133, %add3A_134 : i32
    "tpu.region"() ({
      %run_scoped3A = tpu.sem_alloc : memref<!tpu.dma_semaphore, #tpu.memory_space<semaphore_mem>>
      %dma_start3A_144 = arith.constant 0 : i32
      %dma_start3A_145 = tpu.memref_slice %arg9[%add3A_135, %dma_start3A_144] : memref<10240x128xf32, #tpu.memory_space<vmem_shared>> -> memref<128x128xf32, #tpu.memory_space<vmem_shared>>
      %dma_start3A_146 = arith.constant 0 : i32
      %dma_start3A_147 = tpu.memref_slice %arg9[%add3A_135, %dma_start3A_146] : memref<10240x128xf32, #tpu.memory_space<vmem_shared>> -> memref<128x128xf32, #tpu.memory_space<vmem_shared>>
      tpu.enqueue_dma source(%dma_start3A_147 : memref<128x128xf32, #tpu.memory_space<vmem_shared>>) target(%arg7 : memref<128x128xf32, #tpu.memory_space<vmem>>) target_semaphore(%run_scoped3A : memref<!tpu.dma_semaphore, #tpu.memory_space<semaphore_mem>>)
      %dma_wait3A_148 = arith.constant 0 : i32
      %dma_wait3A_149 = tpu.memref_slice %arg9[%add3A_135, %dma_wait3A_148] : memref<10240x128xf32, #tpu.memory_space<vmem_shared>> -> memref<128x128xf32, #tpu.memory_space<vmem_shared>>
      %dma_wait3A_150 = arith.constant 0 : i32
      %dma_wait3A_151 = tpu.memref_slice %arg9[%add3A_135, %dma_wait3A_150] : memref<10240x128xf32, #tpu.memory_space<vmem_shared>> -> memref<128x128xf32, #tpu.memory_space<vmem_shared>>
      tpu.wait_dma2 semaphore(%run_scoped3A : memref<!tpu.dma_semaphore, #tpu.memory_space<semaphore_mem>>) src(%dma_wait3A_151 : memref<128x128xf32, #tpu.memory_space<vmem_shared>>) dst(%arg7 : memref<128x128xf32, #tpu.memory_space<vmem>>)
      tpu.yield
    }) : () -> ()
    "tpu.region"() ({
      %run_scoped3A = tpu.sem_alloc : memref<!tpu.dma_semaphore, #tpu.memory_space<semaphore_mem>>
      %dma_start3A_144 = arith.constant 0 : i32
      %dma_start3A_145 = tpu.memref_slice %arg5[%arg0, %add3A_135, %dma_start3A_144] : memref<2x10240x128xf32, #tpu.memory_space<hbm>> -> memref<1x128x128xf32, #tpu.memory_space<hbm>>
      %dma_start3A_146 = tpu.memref_squeeze %dma_start3A_145 : memref<1x128x128xf32, #tpu.memory_space<hbm>> -> memref<128x128xf32, #tpu.memory_space<hbm>>
      %dma_start3A_147 = arith.constant 0 : i32
      %dma_start3A_148 = tpu.memref_slice %arg5[%arg0, %add3A_135, %dma_start3A_147] : memref<2x10240x128xf32, #tpu.memory_space<hbm>> -> memref<1x128x128xf32, #tpu.memory_space<hbm>>
      %dma_start3A_149 = tpu.memref_squeeze %dma_start3A_148 : memref<1x128x128xf32, #tpu.memory_space<hbm>> -> memref<128x128xf32, #tpu.memory_space<hbm>>
      tpu.enqueue_dma source(%arg7 : memref<128x128xf32, #tpu.memory_space<vmem>>) target(%dma_start3A_149 : memref<128x128xf32, #tpu.memory_space<hbm>>) target_semaphore(%run_scoped3A : memref<!tpu.dma_semaphore, #tpu.memory_space<semaphore_mem>>)
      %dma_wait3A_150 = arith.constant 0 : i32
      %dma_wait3A_151 = tpu.memref_slice %arg5[%arg0, %add3A_135, %dma_wait3A_150] : memref<2x10240x128xf32, #tpu.memory_space<hbm>> -> memref<1x128x128xf32, #tpu.memory_space<hbm>>
      %dma_wait3A_152 = tpu.memref_squeeze %dma_wait3A_151 : memref<1x128x128xf32, #tpu.memory_space<hbm>> -> memref<128x128xf32, #tpu.memory_space<hbm>>
      %dma_wait3A_153 = arith.constant 0 : i32
      %dma_wait3A_154 = tpu.memref_slice %arg5[%arg0, %add3A_135, %dma_wait3A_153] : memref<2x10240x128xf32, #tpu.memory_space<hbm>> -> memref<1x128x128xf32, #tpu.memory_space<hbm>>
      %dma_wait3A_155 = tpu.memref_squeeze %dma_wait3A_154 : memref<1x128x128xf32, #tpu.memory_space<hbm>> -> memref<128x128xf32, #tpu.memory_space<hbm>>
      tpu.wait_dma2 semaphore(%run_scoped3A : memref<!tpu.dma_semaphore, #tpu.memory_space<semaphore_mem>>) src(%arg7 : memref<128x128xf32, #tpu.memory_space<vmem>>) dst(%dma_wait3A_155 : memref<128x128xf32, #tpu.memory_space<hbm>>)
      tpu.yield
    }) : () -> ()
    %mul3A_136 = arith.constant 640 : i32
    %mul3A_137 = arith.muli %arg1, %mul3A_136 : i32
    %add3A_138 = arith.constant 384 : i32
    %add3A_139 = arith.addi %mul3A_137, %add3A_138 : i32
    "tpu.region"() ({
      %run_scoped3A = tpu.sem_alloc : memref<!tpu.dma_semaphore, #tpu.memory_space<semaphore_mem>>
      %dma_start3A_144 = arith.constant 0 : i32
      %dma_start3A_145 = tpu.memref_slice %arg9[%add3A_139, %dma_start3A_144] : memref<10240x128xf32, #tpu.memory_space<vmem_shared>> -> memref<128x128xf32, #tpu.memory_space<vmem_shared>>
      %dma_start3A_146 = arith.constant 0 : i32
      %dma_start3A_147 = tpu.memref_slice %arg9[%add3A_139, %dma_start3A_146] : memref<10240x128xf32, #tpu.memory_space<vmem_shared>> -> memref<128x128xf32, #tpu.memory_space<vmem_shared>>
      tpu.enqueue_dma source(%dma_start3A_147 : memref<128x128xf32, #tpu.memory_space<vmem_shared>>) target(%arg7 : memref<128x128xf32, #tpu.memory_space<vmem>>) target_semaphore(%run_scoped3A : memref<!tpu.dma_semaphore, #tpu.memory_space<semaphore_mem>>)
      %dma_wait3A_148 = arith.constant 0 : i32
      %dma_wait3A_149 = tpu.memref_slice %arg9[%add3A_139, %dma_wait3A_148] : memref<10240x128xf32, #tpu.memory_space<vmem_shared>> -> memref<128x128xf32, #tpu.memory_space<vmem_shared>>
      %dma_wait3A_150 = arith.constant 0 : i32
      %dma_wait3A_151 = tpu.memref_slice %arg9[%add3A_139, %dma_wait3A_150] : memref<10240x128xf32, #tpu.memory_space<vmem_shared>> -> memref<128x128xf32, #tpu.memory_space<vmem_shared>>
      tpu.wait_dma2 semaphore(%run_scoped3A : memref<!tpu.dma_semaphore, #tpu.memory_space<semaphore_mem>>) src(%dma_wait3A_151 : memref<128x128xf32, #tpu.memory_space<vmem_shared>>) dst(%arg7 : memref<128x128xf32, #tpu.memory_space<vmem>>)
      tpu.yield
    }) : () -> ()
    "tpu.region"() ({
      %run_scoped3A = tpu.sem_alloc : memref<!tpu.dma_semaphore, #tpu.memory_space<semaphore_mem>>
      %dma_start3A_144 = arith.constant 0 : i32
      %dma_start3A_145 = tpu.memref_slice %arg5[%arg0, %add3A_139, %dma_start3A_144] : memref<2x10240x128xf32, #tpu.memory_space<hbm>> -> memref<1x128x128xf32, #tpu.memory_space<hbm>>
      %dma_start3A_146 = tpu.memref_squeeze %dma_start3A_145 : memref<1x128x128xf32, #tpu.memory_space<hbm>> -> memref<128x128xf32, #tpu.memory_space<hbm>>
      %dma_start3A_147 = arith.constant 0 : i32
      %dma_start3A_148 = tpu.memref_slice %arg5[%arg0, %add3A_139, %dma_start3A_147] : memref<2x10240x128xf32, #tpu.memory_space<hbm>> -> memref<1x128x128xf32, #tpu.memory_space<hbm>>
      %dma_start3A_149 = tpu.memref_squeeze %dma_start3A_148 : memref<1x128x128xf32, #tpu.memory_space<hbm>> -> memref<128x128xf32, #tpu.memory_space<hbm>>
      tpu.enqueue_dma source(%arg7 : memref<128x128xf32, #tpu.memory_space<vmem>>) target(%dma_start3A_149 : memref<128x128xf32, #tpu.memory_space<hbm>>) target_semaphore(%run_scoped3A : memref<!tpu.dma_semaphore, #tpu.memory_space<semaphore_mem>>)
      %dma_wait3A_150 = arith.constant 0 : i32
      %dma_wait3A_151 = tpu.memref_slice %arg5[%arg0, %add3A_139, %dma_wait3A_150] : memref<2x10240x128xf32, #tpu.memory_space<hbm>> -> memref<1x128x128xf32, #tpu.memory_space<hbm>>
      %dma_wait3A_152 = tpu.memref_squeeze %dma_wait3A_151 : memref<1x128x128xf32, #tpu.memory_space<hbm>> -> memref<128x128xf32, #tpu.memory_space<hbm>>
      %dma_wait3A_153 = arith.constant 0 : i32
      %dma_wait3A_154 = tpu.memref_slice %arg5[%arg0, %add3A_139, %dma_wait3A_153] : memref<2x10240x128xf32, #tpu.memory_space<hbm>> -> memref<1x128x128xf32, #tpu.memory_space<hbm>>
      %dma_wait3A_155 = tpu.memref_squeeze %dma_wait3A_154 : memref<1x128x128xf32, #tpu.memory_space<hbm>> -> memref<128x128xf32, #tpu.memory_space<hbm>>
      tpu.wait_dma2 semaphore(%run_scoped3A : memref<!tpu.dma_semaphore, #tpu.memory_space<semaphore_mem>>) src(%arg7 : memref<128x128xf32, #tpu.memory_space<vmem>>) dst(%dma_wait3A_155 : memref<128x128xf32, #tpu.memory_space<hbm>>)
      tpu.yield
    }) : () -> ()
    %mul3A_140 = arith.constant 640 : i32
    %mul3A_141 = arith.muli %arg1, %mul3A_140 : i32
    %add3A_142 = arith.constant 512 : i32
    %add3A_143 = arith.addi %mul3A_141, %add3A_142 : i32
    "tpu.region"() ({
      %run_scoped3A = tpu.sem_alloc : memref<!tpu.dma_semaphore, #tpu.memory_space<semaphore_mem>>
      %dma_start3A_144 = arith.constant 0 : i32
      %dma_start3A_145 = tpu.memref_slice %arg9[%add3A_143, %dma_start3A_144] : memref<10240x128xf32, #tpu.memory_space<vmem_shared>> -> memref<128x128xf32, #tpu.memory_space<vmem_shared>>
      %dma_start3A_146 = arith.constant 0 : i32
      %dma_start3A_147 = tpu.memref_slice %arg9[%add3A_143, %dma_start3A_146] : memref<10240x128xf32, #tpu.memory_space<vmem_shared>> -> memref<128x128xf32, #tpu.memory_space<vmem_shared>>
      tpu.enqueue_dma source(%dma_start3A_147 : memref<128x128xf32, #tpu.memory_space<vmem_shared>>) target(%arg7 : memref<128x128xf32, #tpu.memory_space<vmem>>) target_semaphore(%run_scoped3A : memref<!tpu.dma_semaphore, #tpu.memory_space<semaphore_mem>>)
      %dma_wait3A_148 = arith.constant 0 : i32
      %dma_wait3A_149 = tpu.memref_slice %arg9[%add3A_143, %dma_wait3A_148] : memref<10240x128xf32, #tpu.memory_space<vmem_shared>> -> memref<128x128xf32, #tpu.memory_space<vmem_shared>>
      %dma_wait3A_150 = arith.constant 0 : i32
      %dma_wait3A_151 = tpu.memref_slice %arg9[%add3A_143, %dma_wait3A_150] : memref<10240x128xf32, #tpu.memory_space<vmem_shared>> -> memref<128x128xf32, #tpu.memory_space<vmem_shared>>
      tpu.wait_dma2 semaphore(%run_scoped3A : memref<!tpu.dma_semaphore, #tpu.memory_space<semaphore_mem>>) src(%dma_wait3A_151 : memref<128x128xf32, #tpu.memory_space<vmem_shared>>) dst(%arg7 : memref<128x128xf32, #tpu.memory_space<vmem>>)
      tpu.yield
    }) : () -> ()
    "tpu.region"() ({
      %run_scoped3A = tpu.sem_alloc : memref<!tpu.dma_semaphore, #tpu.memory_space<semaphore_mem>>
      %dma_start3A_144 = arith.constant 0 : i32
      %dma_start3A_145 = tpu.memref_slice %arg5[%arg0, %add3A_143, %dma_start3A_144] : memref<2x10240x128xf32, #tpu.memory_space<hbm>> -> memref<1x128x128xf32, #tpu.memory_space<hbm>>
      %dma_start3A_146 = tpu.memref_squeeze %dma_start3A_145 : memref<1x128x128xf32, #tpu.memory_space<hbm>> -> memref<128x128xf32, #tpu.memory_space<hbm>>
      %dma_start3A_147 = arith.constant 0 : i32
      %dma_start3A_148 = tpu.memref_slice %arg5[%arg0, %add3A_143, %dma_start3A_147] : memref<2x10240x128xf32, #tpu.memory_space<hbm>> -> memref<1x128x128xf32, #tpu.memory_space<hbm>>
      %dma_start3A_149 = tpu.memref_squeeze %dma_start3A_148 : memref<1x128x128xf32, #tpu.memory_space<hbm>> -> memref<128x128xf32, #tpu.memory_space<hbm>>
      tpu.enqueue_dma source(%arg7 : memref<128x128xf32, #tpu.memory_space<vmem>>) target(%dma_start3A_149 : memref<128x128xf32, #tpu.memory_space<hbm>>) target_semaphore(%run_scoped3A : memref<!tpu.dma_semaphore, #tpu.memory_space<semaphore_mem>>)
      %dma_wait3A_150 = arith.constant 0 : i32
      %dma_wait3A_151 = tpu.memref_slice %arg5[%arg0, %add3A_143, %dma_wait3A_150] : memref<2x10240x128xf32, #tpu.memory_space<hbm>> -> memref<1x128x128xf32, #tpu.memory_space<hbm>>
      %dma_wait3A_152 = tpu.memref_squeeze %dma_wait3A_151 : memref<1x128x128xf32, #tpu.memory_space<hbm>> -> memref<128x128xf32, #tpu.memory_space<hbm>>
      %dma_wait3A_153 = arith.constant 0 : i32
      %dma_wait3A_154 = tpu.memref_slice %arg5[%arg0, %add3A_143, %dma_wait3A_153] : memref<2x10240x128xf32, #tpu.memory_space<hbm>> -> memref<1x128x128xf32, #tpu.memory_space<hbm>>
      %dma_wait3A_155 = tpu.memref_squeeze %dma_wait3A_154 : memref<1x128x128xf32, #tpu.memory_space<hbm>> -> memref<128x128xf32, #tpu.memory_space<hbm>>
      tpu.wait_dma2 semaphore(%run_scoped3A : memref<!tpu.dma_semaphore, #tpu.memory_space<semaphore_mem>>) src(%arg7 : memref<128x128xf32, #tpu.memory_space<vmem>>) dst(%dma_wait3A_155 : memref<128x128xf32, #tpu.memory_space<hbm>>)
      tpu.yield
    }) : () -> ()
    return
  }
}

#map = affine_map<(d0, d1) -> (0, 0)>
#map1 = affine_map<(d0, d1) -> (0, 0, 0, 0)>
#map2 = affine_map<(d0, d1) -> (0, 0, 0)>
module attributes {stable_mosaic.version = 14 : i64} {
  func.func @_sc_agg(%arg0: i32, %arg1: i32, %arg2: memref<10240x128xf32, #tpu.memory_space<hbm>>, %arg3: memref<32x80x2x128xi32, #tpu.memory_space<hbm>>, %arg4: memref<128x128xf32, #tpu.memory_space<hbm>>, %arg5: memref<2x10240x128xf32, #tpu.memory_space<hbm>>, %arg6: memref<4x2x128xi32, #tpu.memory_space<vmem>>, %arg7: memref<128x128xf32, #tpu.memory_space<vmem>>, %arg8: memref<128x128xf32, #tpu.memory_space<vmem>>, %arg9: memref<10240x128xf32, #tpu.memory_space<vmem_shared>>, %arg10: memref<!tpu.dma_semaphore, #tpu.memory_space<semaphore_mem>>, %arg11: memref<!tpu.dma_semaphore, #tpu.memory_space<semaphore_mem>>, %arg12: memref<!tpu.dma_semaphore, #tpu.memory_space<semaphore_mem>>) attributes {dimension_semantics = [#tpu.dimension_semantics<core_parallel>, #tpu.dimension_semantics<subcore_parallel>], iteration_bounds = array<i64: 2, 16>, scalar_prefetch = 0 : i64, scratch_operands = 7 : i64, tpu.core_type = #tpu.core_type<sc_vector_subcore>, window_params = [{transform_indices = #map}, {transform_indices = #map1}, {transform_indices = #map}, {transform_indices = #map2}]} {
    %mul3A = arith.constant 16 : i32
    %mul3A_0 = arith.muli %arg0, %mul3A : i32
    %add3A = arith.addi %mul3A_0, %arg1 : i32
    "tpu.region"() ({
      %run_scoped3A = tpu.sem_alloc : memref<!tpu.dma_semaphore, #tpu.memory_space<semaphore_mem>>
      tpu.enqueue_dma source(%arg4 : memref<128x128xf32, #tpu.memory_space<hbm>>) target(%arg7 : memref<128x128xf32, #tpu.memory_space<vmem>>) target_semaphore(%run_scoped3A : memref<!tpu.dma_semaphore, #tpu.memory_space<semaphore_mem>>)
      tpu.wait_dma2 semaphore(%run_scoped3A : memref<!tpu.dma_semaphore, #tpu.memory_space<semaphore_mem>>) src(%arg4 : memref<128x128xf32, #tpu.memory_space<hbm>>) dst(%arg7 : memref<128x128xf32, #tpu.memory_space<vmem>>)
      tpu.yield
    }) : () -> ()
    %mul3A_1 = arith.constant 640 : i32
    %mul3A_2 = arith.muli %arg1, %mul3A_1 : i32
    %add3A_3 = arith.constant 0 : i32
    %add3A_4 = arith.addi %mul3A_2, %add3A_3 : i32
    "tpu.region"() ({
      %run_scoped3A = tpu.sem_alloc : memref<!tpu.dma_semaphore, #tpu.memory_space<semaphore_mem>>
      %dma_start3A_144 = arith.constant 0 : i32
      %dma_start3A_145 = tpu.memref_slice %arg9[%add3A_4, %dma_start3A_144] : memref<10240x128xf32, #tpu.memory_space<vmem_shared>> -> memref<128x128xf32, #tpu.memory_space<vmem_shared>>
      %dma_start3A_146 = arith.constant 0 : i32
      %dma_start3A_147 = tpu.memref_slice %arg9[%add3A_4, %dma_start3A_146] : memref<10240x128xf32, #tpu.memory_space<vmem_shared>> -> memref<128x128xf32, #tpu.memory_space<vmem_shared>>
      tpu.enqueue_dma source(%arg7 : memref<128x128xf32, #tpu.memory_space<vmem>>) target(%dma_start3A_147 : memref<128x128xf32, #tpu.memory_space<vmem_shared>>) target_semaphore(%run_scoped3A : memref<!tpu.dma_semaphore, #tpu.memory_space<semaphore_mem>>)
      %dma_wait3A_148 = arith.constant 0 : i32
      %dma_wait3A_149 = tpu.memref_slice %arg9[%add3A_4, %dma_wait3A_148] : memref<10240x128xf32, #tpu.memory_space<vmem_shared>> -> memref<128x128xf32, #tpu.memory_space<vmem_shared>>
      %dma_wait3A_150 = arith.constant 0 : i32
      %dma_wait3A_151 = tpu.memref_slice %arg9[%add3A_4, %dma_wait3A_150] : memref<10240x128xf32, #tpu.memory_space<vmem_shared>> -> memref<128x128xf32, #tpu.memory_space<vmem_shared>>
      tpu.wait_dma2 semaphore(%run_scoped3A : memref<!tpu.dma_semaphore, #tpu.memory_space<semaphore_mem>>) src(%arg7 : memref<128x128xf32, #tpu.memory_space<vmem>>) dst(%dma_wait3A_151 : memref<128x128xf32, #tpu.memory_space<vmem_shared>>)
      tpu.yield
    }) : () -> ()
    %mul3A_5 = arith.constant 640 : i32
    %mul3A_6 = arith.muli %arg1, %mul3A_5 : i32
    %add3A_7 = arith.constant 128 : i32
    %add3A_8 = arith.addi %mul3A_6, %add3A_7 : i32
    "tpu.region"() ({
      %run_scoped3A = tpu.sem_alloc : memref<!tpu.dma_semaphore, #tpu.memory_space<semaphore_mem>>
      %dma_start3A_144 = arith.constant 0 : i32
      %dma_start3A_145 = tpu.memref_slice %arg9[%add3A_8, %dma_start3A_144] : memref<10240x128xf32, #tpu.memory_space<vmem_shared>> -> memref<128x128xf32, #tpu.memory_space<vmem_shared>>
      %dma_start3A_146 = arith.constant 0 : i32
      %dma_start3A_147 = tpu.memref_slice %arg9[%add3A_8, %dma_start3A_146] : memref<10240x128xf32, #tpu.memory_space<vmem_shared>> -> memref<128x128xf32, #tpu.memory_space<vmem_shared>>
      tpu.enqueue_dma source(%arg7 : memref<128x128xf32, #tpu.memory_space<vmem>>) target(%dma_start3A_147 : memref<128x128xf32, #tpu.memory_space<vmem_shared>>) target_semaphore(%run_scoped3A : memref<!tpu.dma_semaphore, #tpu.memory_space<semaphore_mem>>)
      %dma_wait3A_148 = arith.constant 0 : i32
      %dma_wait3A_149 = tpu.memref_slice %arg9[%add3A_8, %dma_wait3A_148] : memref<10240x128xf32, #tpu.memory_space<vmem_shared>> -> memref<128x128xf32, #tpu.memory_space<vmem_shared>>
      %dma_wait3A_150 = arith.constant 0 : i32
      %dma_wait3A_151 = tpu.memref_slice %arg9[%add3A_8, %dma_wait3A_150] : memref<10240x128xf32, #tpu.memory_space<vmem_shared>> -> memref<128x128xf32, #tpu.memory_space<vmem_shared>>
      tpu.wait_dma2 semaphore(%run_scoped3A : memref<!tpu.dma_semaphore, #tpu.memory_space<semaphore_mem>>) src(%arg7 : memref<128x128xf32, #tpu.memory_space<vmem>>) dst(%dma_wait3A_151 : memref<128x128xf32, #tpu.memory_space<vmem_shared>>)
      tpu.yield
    }) : () -> ()
    %mul3A_9 = arith.constant 640 : i32
    %mul3A_10 = arith.muli %arg1, %mul3A_9 : i32
    %add3A_11 = arith.constant 256 : i32
    %add3A_12 = arith.addi %mul3A_10, %add3A_11 : i32
    "tpu.region"() ({
      %run_scoped3A = tpu.sem_alloc : memref<!tpu.dma_semaphore, #tpu.memory_space<semaphore_mem>>
      %dma_start3A_144 = arith.constant 0 : i32
      %dma_start3A_145 = tpu.memref_slice %arg9[%add3A_12, %dma_start3A_144] : memref<10240x128xf32, #tpu.memory_space<vmem_shared>> -> memref<128x128xf32, #tpu.memory_space<vmem_shared>>
      %dma_start3A_146 = arith.constant 0 : i32
      %dma_start3A_147 = tpu.memref_slice %arg9[%add3A_12, %dma_start3A_146] : memref<10240x128xf32, #tpu.memory_space<vmem_shared>> -> memref<128x128xf32, #tpu.memory_space<vmem_shared>>
      tpu.enqueue_dma source(%arg7 : memref<128x128xf32, #tpu.memory_space<vmem>>) target(%dma_start3A_147 : memref<128x128xf32, #tpu.memory_space<vmem_shared>>) target_semaphore(%run_scoped3A : memref<!tpu.dma_semaphore, #tpu.memory_space<semaphore_mem>>)
      %dma_wait3A_148 = arith.constant 0 : i32
      %dma_wait3A_149 = tpu.memref_slice %arg9[%add3A_12, %dma_wait3A_148] : memref<10240x128xf32, #tpu.memory_space<vmem_shared>> -> memref<128x128xf32, #tpu.memory_space<vmem_shared>>
      %dma_wait3A_150 = arith.constant 0 : i32
      %dma_wait3A_151 = tpu.memref_slice %arg9[%add3A_12, %dma_wait3A_150] : memref<10240x128xf32, #tpu.memory_space<vmem_shared>> -> memref<128x128xf32, #tpu.memory_space<vmem_shared>>
      tpu.wait_dma2 semaphore(%run_scoped3A : memref<!tpu.dma_semaphore, #tpu.memory_space<semaphore_mem>>) src(%arg7 : memref<128x128xf32, #tpu.memory_space<vmem>>) dst(%dma_wait3A_151 : memref<128x128xf32, #tpu.memory_space<vmem_shared>>)
      tpu.yield
    }) : () -> ()
    %mul3A_13 = arith.constant 640 : i32
    %mul3A_14 = arith.muli %arg1, %mul3A_13 : i32
    %add3A_15 = arith.constant 384 : i32
    %add3A_16 = arith.addi %mul3A_14, %add3A_15 : i32
    "tpu.region"() ({
      %run_scoped3A = tpu.sem_alloc : memref<!tpu.dma_semaphore, #tpu.memory_space<semaphore_mem>>
      %dma_start3A_144 = arith.constant 0 : i32
      %dma_start3A_145 = tpu.memref_slice %arg9[%add3A_16, %dma_start3A_144] : memref<10240x128xf32, #tpu.memory_space<vmem_shared>> -> memref<128x128xf32, #tpu.memory_space<vmem_shared>>
      %dma_start3A_146 = arith.constant 0 : i32
      %dma_start3A_147 = tpu.memref_slice %arg9[%add3A_16, %dma_start3A_146] : memref<10240x128xf32, #tpu.memory_space<vmem_shared>> -> memref<128x128xf32, #tpu.memory_space<vmem_shared>>
      tpu.enqueue_dma source(%arg7 : memref<128x128xf32, #tpu.memory_space<vmem>>) target(%dma_start3A_147 : memref<128x128xf32, #tpu.memory_space<vmem_shared>>) target_semaphore(%run_scoped3A : memref<!tpu.dma_semaphore, #tpu.memory_space<semaphore_mem>>)
      %dma_wait3A_148 = arith.constant 0 : i32
      %dma_wait3A_149 = tpu.memref_slice %arg9[%add3A_16, %dma_wait3A_148] : memref<10240x128xf32, #tpu.memory_space<vmem_shared>> -> memref<128x128xf32, #tpu.memory_space<vmem_shared>>
      %dma_wait3A_150 = arith.constant 0 : i32
      %dma_wait3A_151 = tpu.memref_slice %arg9[%add3A_16, %dma_wait3A_150] : memref<10240x128xf32, #tpu.memory_space<vmem_shared>> -> memref<128x128xf32, #tpu.memory_space<vmem_shared>>
      tpu.wait_dma2 semaphore(%run_scoped3A : memref<!tpu.dma_semaphore, #tpu.memory_space<semaphore_mem>>) src(%arg7 : memref<128x128xf32, #tpu.memory_space<vmem>>) dst(%dma_wait3A_151 : memref<128x128xf32, #tpu.memory_space<vmem_shared>>)
      tpu.yield
    }) : () -> ()
    %mul3A_17 = arith.constant 640 : i32
    %mul3A_18 = arith.muli %arg1, %mul3A_17 : i32
    %add3A_19 = arith.constant 512 : i32
    %add3A_20 = arith.addi %mul3A_18, %add3A_19 : i32
    "tpu.region"() ({
      %run_scoped3A = tpu.sem_alloc : memref<!tpu.dma_semaphore, #tpu.memory_space<semaphore_mem>>
      %dma_start3A_144 = arith.constant 0 : i32
      %dma_start3A_145 = tpu.memref_slice %arg9[%add3A_20, %dma_start3A_144] : memref<10240x128xf32, #tpu.memory_space<vmem_shared>> -> memref<128x128xf32, #tpu.memory_space<vmem_shared>>
      %dma_start3A_146 = arith.constant 0 : i32
      %dma_start3A_147 = tpu.memref_slice %arg9[%add3A_20, %dma_start3A_146] : memref<10240x128xf32, #tpu.memory_space<vmem_shared>> -> memref<128x128xf32, #tpu.memory_space<vmem_shared>>
      tpu.enqueue_dma source(%arg7 : memref<128x128xf32, #tpu.memory_space<vmem>>) target(%dma_start3A_147 : memref<128x128xf32, #tpu.memory_space<vmem_shared>>) target_semaphore(%run_scoped3A : memref<!tpu.dma_semaphore, #tpu.memory_space<semaphore_mem>>)
      %dma_wait3A_148 = arith.constant 0 : i32
      %dma_wait3A_149 = tpu.memref_slice %arg9[%add3A_20, %dma_wait3A_148] : memref<10240x128xf32, #tpu.memory_space<vmem_shared>> -> memref<128x128xf32, #tpu.memory_space<vmem_shared>>
      %dma_wait3A_150 = arith.constant 0 : i32
      %dma_wait3A_151 = tpu.memref_slice %arg9[%add3A_20, %dma_wait3A_150] : memref<10240x128xf32, #tpu.memory_space<vmem_shared>> -> memref<128x128xf32, #tpu.memory_space<vmem_shared>>
      tpu.wait_dma2 semaphore(%run_scoped3A : memref<!tpu.dma_semaphore, #tpu.memory_space<semaphore_mem>>) src(%arg7 : memref<128x128xf32, #tpu.memory_space<vmem>>) dst(%dma_wait3A_151 : memref<128x128xf32, #tpu.memory_space<vmem_shared>>)
      tpu.yield
    }) : () -> ()
    %barrier3A = arith.constant 0 : index
    tpu.barrier barrier_id(%barrier3A)
    %dma_start3A = arith.constant 0 : i32
    %dma_start3A_21 = arith.constant 0 : i32
    %dma_start3A_22 = arith.constant 0 : i32
    %dma_start3A_23 = arith.constant 0 : i32
    %dma_start3A_24 = tpu.memref_slice %arg6[%dma_start3A_21, %dma_start3A_22, %dma_start3A_23] : memref<4x2x128xi32, #tpu.memory_space<vmem>> -> memref<1x2x128xi32, #tpu.memory_space<vmem>>
    %dma_start3A_25 = tpu.memref_squeeze %dma_start3A_24 : memref<1x2x128xi32, #tpu.memory_space<vmem>> -> memref<2x128xi32, #tpu.memory_space<vmem>>
    %dma_start3A_26 = arith.constant 0 : i32
    %dma_start3A_27 = arith.constant 0 : i32
    %dma_start3A_28 = tpu.memref_slice %arg3[%add3A, %dma_start3A, %dma_start3A_26, %dma_start3A_27] : memref<32x80x2x128xi32, #tpu.memory_space<hbm>> -> memref<1x1x2x128xi32, #tpu.memory_space<hbm>>
    %dma_start3A_29 = tpu.memref_squeeze %dma_start3A_28 : memref<1x1x2x128xi32, #tpu.memory_space<hbm>> -> memref<2x128xi32, #tpu.memory_space<hbm>>
    %dma_start3A_30 = arith.constant 0 : i32
    %dma_start3A_31 = arith.constant 0 : i32
    %dma_start3A_32 = tpu.memref_slice %arg6[%dma_start3A_21, %dma_start3A_30, %dma_start3A_31] : memref<4x2x128xi32, #tpu.memory_space<vmem>> -> memref<1x2x128xi32, #tpu.memory_space<vmem>>
    %dma_start3A_33 = tpu.memref_squeeze %dma_start3A_32 : memref<1x2x128xi32, #tpu.memory_space<vmem>> -> memref<2x128xi32, #tpu.memory_space<vmem>>
    %dma_start3A_34 = arith.constant 0 : i32
    %dma_start3A_35 = arith.constant 0 : i32
    %dma_start3A_36 = tpu.memref_slice %arg3[%add3A, %dma_start3A, %dma_start3A_34, %dma_start3A_35] : memref<32x80x2x128xi32, #tpu.memory_space<hbm>> -> memref<1x1x2x128xi32, #tpu.memory_space<hbm>>
    %dma_start3A_37 = tpu.memref_squeeze %dma_start3A_36 : memref<1x1x2x128xi32, #tpu.memory_space<hbm>> -> memref<2x128xi32, #tpu.memory_space<hbm>>
    tpu.enqueue_dma source(%dma_start3A_37 : memref<2x128xi32, #tpu.memory_space<hbm>>) target(%dma_start3A_33 : memref<2x128xi32, #tpu.memory_space<vmem>>) target_semaphore(%arg12 : memref<!tpu.dma_semaphore, #tpu.memory_space<semaphore_mem>>)
    %dma_start3A_38 = arith.constant 1 : i32
    %dma_start3A_39 = arith.constant 1 : i32
    %dma_start3A_40 = arith.constant 0 : i32
    %dma_start3A_41 = arith.constant 0 : i32
    %dma_start3A_42 = tpu.memref_slice %arg6[%dma_start3A_39, %dma_start3A_40, %dma_start3A_41] : memref<4x2x128xi32, #tpu.memory_space<vmem>> -> memref<1x2x128xi32, #tpu.memory_space<vmem>>
    %dma_start3A_43 = tpu.memref_squeeze %dma_start3A_42 : memref<1x2x128xi32, #tpu.memory_space<vmem>> -> memref<2x128xi32, #tpu.memory_space<vmem>>
    %dma_start3A_44 = arith.constant 0 : i32
    %dma_start3A_45 = arith.constant 0 : i32
    %dma_start3A_46 = tpu.memref_slice %arg3[%add3A, %dma_start3A_38, %dma_start3A_44, %dma_start3A_45] : memref<32x80x2x128xi32, #tpu.memory_space<hbm>> -> memref<1x1x2x128xi32, #tpu.memory_space<hbm>>
    %dma_start3A_47 = tpu.memref_squeeze %dma_start3A_46 : memref<1x1x2x128xi32, #tpu.memory_space<hbm>> -> memref<2x128xi32, #tpu.memory_space<hbm>>
    %dma_start3A_48 = arith.constant 0 : i32
    %dma_start3A_49 = arith.constant 0 : i32
    %dma_start3A_50 = tpu.memref_slice %arg6[%dma_start3A_39, %dma_start3A_48, %dma_start3A_49] : memref<4x2x128xi32, #tpu.memory_space<vmem>> -> memref<1x2x128xi32, #tpu.memory_space<vmem>>
    %dma_start3A_51 = tpu.memref_squeeze %dma_start3A_50 : memref<1x2x128xi32, #tpu.memory_space<vmem>> -> memref<2x128xi32, #tpu.memory_space<vmem>>
    %dma_start3A_52 = arith.constant 0 : i32
    %dma_start3A_53 = arith.constant 0 : i32
    %dma_start3A_54 = tpu.memref_slice %arg3[%add3A, %dma_start3A_38, %dma_start3A_52, %dma_start3A_53] : memref<32x80x2x128xi32, #tpu.memory_space<hbm>> -> memref<1x1x2x128xi32, #tpu.memory_space<hbm>>
    %dma_start3A_55 = tpu.memref_squeeze %dma_start3A_54 : memref<1x1x2x128xi32, #tpu.memory_space<hbm>> -> memref<2x128xi32, #tpu.memory_space<hbm>>
    tpu.enqueue_dma source(%dma_start3A_55 : memref<2x128xi32, #tpu.memory_space<hbm>>) target(%dma_start3A_51 : memref<2x128xi32, #tpu.memory_space<vmem>>) target_semaphore(%arg12 : memref<!tpu.dma_semaphore, #tpu.memory_space<semaphore_mem>>)
    %dma_start3A_56 = arith.constant 2 : i32
    %dma_start3A_57 = arith.constant 2 : i32
    %dma_start3A_58 = arith.constant 0 : i32
    %dma_start3A_59 = arith.constant 0 : i32
    %dma_start3A_60 = tpu.memref_slice %arg6[%dma_start3A_57, %dma_start3A_58, %dma_start3A_59] : memref<4x2x128xi32, #tpu.memory_space<vmem>> -> memref<1x2x128xi32, #tpu.memory_space<vmem>>
    %dma_start3A_61 = tpu.memref_squeeze %dma_start3A_60 : memref<1x2x128xi32, #tpu.memory_space<vmem>> -> memref<2x128xi32, #tpu.memory_space<vmem>>
    %dma_start3A_62 = arith.constant 0 : i32
    %dma_start3A_63 = arith.constant 0 : i32
    %dma_start3A_64 = tpu.memref_slice %arg3[%add3A, %dma_start3A_56, %dma_start3A_62, %dma_start3A_63] : memref<32x80x2x128xi32, #tpu.memory_space<hbm>> -> memref<1x1x2x128xi32, #tpu.memory_space<hbm>>
    %dma_start3A_65 = tpu.memref_squeeze %dma_start3A_64 : memref<1x1x2x128xi32, #tpu.memory_space<hbm>> -> memref<2x128xi32, #tpu.memory_space<hbm>>
    %dma_start3A_66 = arith.constant 0 : i32
    %dma_start3A_67 = arith.constant 0 : i32
    %dma_start3A_68 = tpu.memref_slice %arg6[%dma_start3A_57, %dma_start3A_66, %dma_start3A_67] : memref<4x2x128xi32, #tpu.memory_space<vmem>> -> memref<1x2x128xi32, #tpu.memory_space<vmem>>
    %dma_start3A_69 = tpu.memref_squeeze %dma_start3A_68 : memref<1x2x128xi32, #tpu.memory_space<vmem>> -> memref<2x128xi32, #tpu.memory_space<vmem>>
    %dma_start3A_70 = arith.constant 0 : i32
    %dma_start3A_71 = arith.constant 0 : i32
    %dma_start3A_72 = tpu.memref_slice %arg3[%add3A, %dma_start3A_56, %dma_start3A_70, %dma_start3A_71] : memref<32x80x2x128xi32, #tpu.memory_space<hbm>> -> memref<1x1x2x128xi32, #tpu.memory_space<hbm>>
    %dma_start3A_73 = tpu.memref_squeeze %dma_start3A_72 : memref<1x1x2x128xi32, #tpu.memory_space<hbm>> -> memref<2x128xi32, #tpu.memory_space<hbm>>
    tpu.enqueue_dma source(%dma_start3A_73 : memref<2x128xi32, #tpu.memory_space<hbm>>) target(%dma_start3A_69 : memref<2x128xi32, #tpu.memory_space<vmem>>) target_semaphore(%arg12 : memref<!tpu.dma_semaphore, #tpu.memory_space<semaphore_mem>>)
    %dma_start3A_74 = arith.constant 3 : i32
    %dma_start3A_75 = arith.constant 3 : i32
    %dma_start3A_76 = arith.constant 0 : i32
    %dma_start3A_77 = arith.constant 0 : i32
    %dma_start3A_78 = tpu.memref_slice %arg6[%dma_start3A_75, %dma_start3A_76, %dma_start3A_77] : memref<4x2x128xi32, #tpu.memory_space<vmem>> -> memref<1x2x128xi32, #tpu.memory_space<vmem>>
    %dma_start3A_79 = tpu.memref_squeeze %dma_start3A_78 : memref<1x2x128xi32, #tpu.memory_space<vmem>> -> memref<2x128xi32, #tpu.memory_space<vmem>>
    %dma_start3A_80 = arith.constant 0 : i32
    %dma_start3A_81 = arith.constant 0 : i32
    %dma_start3A_82 = tpu.memref_slice %arg3[%add3A, %dma_start3A_74, %dma_start3A_80, %dma_start3A_81] : memref<32x80x2x128xi32, #tpu.memory_space<hbm>> -> memref<1x1x2x128xi32, #tpu.memory_space<hbm>>
    %dma_start3A_83 = tpu.memref_squeeze %dma_start3A_82 : memref<1x1x2x128xi32, #tpu.memory_space<hbm>> -> memref<2x128xi32, #tpu.memory_space<hbm>>
    %dma_start3A_84 = arith.constant 0 : i32
    %dma_start3A_85 = arith.constant 0 : i32
    %dma_start3A_86 = tpu.memref_slice %arg6[%dma_start3A_75, %dma_start3A_84, %dma_start3A_85] : memref<4x2x128xi32, #tpu.memory_space<vmem>> -> memref<1x2x128xi32, #tpu.memory_space<vmem>>
    %dma_start3A_87 = tpu.memref_squeeze %dma_start3A_86 : memref<1x2x128xi32, #tpu.memory_space<vmem>> -> memref<2x128xi32, #tpu.memory_space<vmem>>
    %dma_start3A_88 = arith.constant 0 : i32
    %dma_start3A_89 = arith.constant 0 : i32
    %dma_start3A_90 = tpu.memref_slice %arg3[%add3A, %dma_start3A_74, %dma_start3A_88, %dma_start3A_89] : memref<32x80x2x128xi32, #tpu.memory_space<hbm>> -> memref<1x1x2x128xi32, #tpu.memory_space<hbm>>
    %dma_start3A_91 = tpu.memref_squeeze %dma_start3A_90 : memref<1x1x2x128xi32, #tpu.memory_space<hbm>> -> memref<2x128xi32, #tpu.memory_space<hbm>>
    tpu.enqueue_dma source(%dma_start3A_91 : memref<2x128xi32, #tpu.memory_space<hbm>>) target(%dma_start3A_87 : memref<2x128xi32, #tpu.memory_space<vmem>>) target_semaphore(%arg12 : memref<!tpu.dma_semaphore, #tpu.memory_space<semaphore_mem>>)
    %dma_wait3A = arith.constant 0 : i32
    %dma_wait3A_92 = arith.constant 0 : i32
    %dma_wait3A_93 = arith.constant 0 : i32
    %dma_wait3A_94 = arith.constant 0 : i32
    %dma_wait3A_95 = tpu.memref_slice %arg6[%dma_wait3A_92, %dma_wait3A_93, %dma_wait3A_94] : memref<4x2x128xi32, #tpu.memory_space<vmem>> -> memref<1x2x128xi32, #tpu.memory_space<vmem>>
    %dma_wait3A_96 = tpu.memref_squeeze %dma_wait3A_95 : memref<1x2x128xi32, #tpu.memory_space<vmem>> -> memref<2x128xi32, #tpu.memory_space<vmem>>
    %dma_wait3A_97 = arith.constant 0 : i32
    %dma_wait3A_98 = arith.constant 0 : i32
    %dma_wait3A_99 = tpu.memref_slice %arg3[%add3A, %dma_wait3A, %dma_wait3A_97, %dma_wait3A_98] : memref<32x80x2x128xi32, #tpu.memory_space<hbm>> -> memref<1x1x2x128xi32, #tpu.memory_space<hbm>>
    %dma_wait3A_100 = tpu.memref_squeeze %dma_wait3A_99 : memref<1x1x2x128xi32, #tpu.memory_space<hbm>> -> memref<2x128xi32, #tpu.memory_space<hbm>>
    %dma_wait3A_101 = arith.constant 0 : i32
    %dma_wait3A_102 = arith.constant 0 : i32
    %dma_wait3A_103 = tpu.memref_slice %arg6[%dma_wait3A_92, %dma_wait3A_101, %dma_wait3A_102] : memref<4x2x128xi32, #tpu.memory_space<vmem>> -> memref<1x2x128xi32, #tpu.memory_space<vmem>>
    %dma_wait3A_104 = tpu.memref_squeeze %dma_wait3A_103 : memref<1x2x128xi32, #tpu.memory_space<vmem>> -> memref<2x128xi32, #tpu.memory_space<vmem>>
    %dma_wait3A_105 = arith.constant 0 : i32
    %dma_wait3A_106 = arith.constant 0 : i32
    %dma_wait3A_107 = tpu.memref_slice %arg3[%add3A, %dma_wait3A, %dma_wait3A_105, %dma_wait3A_106] : memref<32x80x2x128xi32, #tpu.memory_space<hbm>> -> memref<1x1x2x128xi32, #tpu.memory_space<hbm>>
    %dma_wait3A_108 = tpu.memref_squeeze %dma_wait3A_107 : memref<1x1x2x128xi32, #tpu.memory_space<hbm>> -> memref<2x128xi32, #tpu.memory_space<hbm>>
    tpu.wait_dma2 semaphore(%arg12 : memref<!tpu.dma_semaphore, #tpu.memory_space<semaphore_mem>>) src(%dma_wait3A_108 : memref<2x128xi32, #tpu.memory_space<hbm>>) dst(%dma_wait3A_104 : memref<2x128xi32, #tpu.memory_space<vmem>>)
    %dma_start3A_109 = arith.constant 0 : i32
    %dma_start3A_110 = arith.constant 0 : i32
    %dma_start3A_111 = arith.constant 0 : i32
    %dma_start3A_112 = tpu.memref_slice %arg6[%dma_start3A_109, %dma_start3A_110, %dma_start3A_111] : memref<4x2x128xi32, #tpu.memory_space<vmem>> -> memref<1x1x128xi32, #tpu.memory_space<vmem>>
    %dma_start3A_113 = tpu.memref_squeeze %dma_start3A_112 : memref<1x1x128xi32, #tpu.memory_space<vmem>> -> memref<128xi32, #tpu.memory_space<vmem>>
    %dma_start3A_114 = arith.constant 0 : i32
    %dma_start3A_115 = arith.constant 0 : i32
    %dma_start3A_116 = tpu.memref_slice %arg2[%dma_start3A_114, %dma_start3A_115] : memref<10240x128xf32, #tpu.memory_space<hbm>> -> memref<10240x128xf32, #tpu.memory_space<hbm>>
    tpu.enqueue_indirect_dma source(%dma_start3A_116 : memref<10240x128xf32, #tpu.memory_space<hbm>>) target(%arg7 : memref<128x128xf32, #tpu.memory_space<vmem>>) offsets(%dma_start3A_113 : memref<128xi32, #tpu.memory_space<vmem>>) semaphore(%arg10 : memref<!tpu.dma_semaphore, #tpu.memory_space<semaphore_mem>>)
    %scan3A = arith.constant 0 : i32
    %scan3A_117 = arith.constant 0 : i32
    %scan3A_118 = arith.constant 20 : i32
    %scan3A_119 = arith.addi %scan3A_117, %scan3A_118 : i32
    %scan3A_120 = arith.constant 1 : i32
    %scan3A_121 = scf.for %scan3A_144 = %scan3A_117 to %scan3A_119 step %scan3A_120 iter_args(%scan3A_145 = %scan3A) -> (i32)  : i32 {
      %mul3A_146 = arith.constant 4 : i32
      %mul3A_147 = arith.muli %mul3A_146, %scan3A_144 : i32
      %lt3A = arith.constant 19 : i32
      %lt3A_148 = arith.cmpi slt, %scan3A_144, %lt3A : i32
      %add3A_149 = arith.constant 1 : i32
      %add3A_150 = arith.addi %mul3A_147, %add3A_149 : i32
      %dma_wait3A_151 = arith.constant 1 : i32
      %dma_wait3A_152 = arith.constant 0 : i32
      %dma_wait3A_153 = arith.constant 0 : i32
      %dma_wait3A_154 = tpu.memref_slice %arg6[%dma_wait3A_151, %dma_wait3A_152, %dma_wait3A_153] : memref<4x2x128xi32, #tpu.memory_space<vmem>> -> memref<1x2x128xi32, #tpu.memory_space<vmem>>
      %dma_wait3A_155 = tpu.memref_squeeze %dma_wait3A_154 : memref<1x2x128xi32, #tpu.memory_space<vmem>> -> memref<2x128xi32, #tpu.memory_space<vmem>>
      %dma_wait3A_156 = arith.constant 0 : i32
      %dma_wait3A_157 = arith.constant 0 : i32
      %dma_wait3A_158 = tpu.memref_slice %arg3[%add3A, %add3A_150, %dma_wait3A_156, %dma_wait3A_157] : memref<32x80x2x128xi32, #tpu.memory_space<hbm>> -> memref<1x1x2x128xi32, #tpu.memory_space<hbm>>
      %dma_wait3A_159 = tpu.memref_squeeze %dma_wait3A_158 : memref<1x1x2x128xi32, #tpu.memory_space<hbm>> -> memref<2x128xi32, #tpu.memory_space<hbm>>
      %dma_wait3A_160 = arith.constant 0 : i32
      %dma_wait3A_161 = arith.constant 0 : i32
      %dma_wait3A_162 = tpu.memref_slice %arg6[%dma_wait3A_151, %dma_wait3A_160, %dma_wait3A_161] : memref<4x2x128xi32, #tpu.memory_space<vmem>> -> memref<1x2x128xi32, #tpu.memory_space<vmem>>
      %dma_wait3A_163 = tpu.memref_squeeze %dma_wait3A_162 : memref<1x2x128xi32, #tpu.memory_space<vmem>> -> memref<2x128xi32, #tpu.memory_space<vmem>>
      %dma_wait3A_164 = arith.constant 0 : i32
      %dma_wait3A_165 = arith.constant 0 : i32
      %dma_wait3A_166 = tpu.memref_slice %arg3[%add3A, %add3A_150, %dma_wait3A_164, %dma_wait3A_165] : memref<32x80x2x128xi32, #tpu.memory_space<hbm>> -> memref<1x1x2x128xi32, #tpu.memory_space<hbm>>
      %dma_wait3A_167 = tpu.memref_squeeze %dma_wait3A_166 : memref<1x1x2x128xi32, #tpu.memory_space<hbm>> -> memref<2x128xi32, #tpu.memory_space<hbm>>
      tpu.wait_dma2 semaphore(%arg12 : memref<!tpu.dma_semaphore, #tpu.memory_space<semaphore_mem>>) src(%dma_wait3A_167 : memref<2x128xi32, #tpu.memory_space<hbm>>) dst(%dma_wait3A_163 : memref<2x128xi32, #tpu.memory_space<vmem>>)
      %dma_start3A_168 = arith.constant 1 : i32
      %dma_start3A_169 = arith.constant 0 : i32
      %dma_start3A_170 = arith.constant 0 : i32
      %dma_start3A_171 = tpu.memref_slice %arg6[%dma_start3A_168, %dma_start3A_169, %dma_start3A_170] : memref<4x2x128xi32, #tpu.memory_space<vmem>> -> memref<1x1x128xi32, #tpu.memory_space<vmem>>
      %dma_start3A_172 = tpu.memref_squeeze %dma_start3A_171 : memref<1x1x128xi32, #tpu.memory_space<vmem>> -> memref<128xi32, #tpu.memory_space<vmem>>
      %dma_start3A_173 = arith.constant 0 : i32
      %dma_start3A_174 = arith.constant 0 : i32
      %dma_start3A_175 = tpu.memref_slice %arg2[%dma_start3A_173, %dma_start3A_174] : memref<10240x128xf32, #tpu.memory_space<hbm>> -> memref<10240x128xf32, #tpu.memory_space<hbm>>
      tpu.enqueue_indirect_dma source(%dma_start3A_175 : memref<10240x128xf32, #tpu.memory_space<hbm>>) target(%arg8 : memref<128x128xf32, #tpu.memory_space<vmem>>) offsets(%dma_start3A_172 : memref<128xi32, #tpu.memory_space<vmem>>) semaphore(%arg11 : memref<!tpu.dma_semaphore, #tpu.memory_space<semaphore_mem>>)
      %dma_wait3A_176 = arith.constant 0 : i32
      %dma_wait3A_177 = arith.constant 0 : i32
      %dma_wait3A_178 = arith.constant 0 : i32
      %dma_wait3A_179 = tpu.memref_slice %arg6[%dma_wait3A_176, %dma_wait3A_177, %dma_wait3A_178] : memref<4x2x128xi32, #tpu.memory_space<vmem>> -> memref<1x1x128xi32, #tpu.memory_space<vmem>>
      %dma_wait3A_180 = tpu.memref_squeeze %dma_wait3A_179 : memref<1x1x128xi32, #tpu.memory_space<vmem>> -> memref<128xi32, #tpu.memory_space<vmem>>
      %dma_wait3A_181 = arith.constant 0 : i32
      %dma_wait3A_182 = arith.constant 0 : i32
      %dma_wait3A_183 = tpu.memref_slice %arg2[%dma_wait3A_181, %dma_wait3A_182] : memref<10240x128xf32, #tpu.memory_space<hbm>> -> memref<10240x128xf32, #tpu.memory_space<hbm>>
      tpu.wait_indirect_dma semaphore(%arg10 : memref<!tpu.dma_semaphore, #tpu.memory_space<semaphore_mem>>) src(%dma_wait3A_183 : memref<10240x128xf32, #tpu.memory_space<hbm>>) dst(%arg7 : memref<128x128xf32, #tpu.memory_space<vmem>>)
      %run_scoped3A = arith.constant 0 : i32
      %run_scoped3A_184 = arith.constant 1 : i32
      "tpu.region"() ({
        %run_scoped3A_280 = tpu.sem_alloc : memref<!tpu.dma_semaphore, #tpu.memory_space<semaphore_mem>>
        %dma_start3A_281 = arith.constant 0 : i32
        %dma_start3A_282 = tpu.memref_slice %arg6[%run_scoped3A, %run_scoped3A_184, %dma_start3A_281] : memref<4x2x128xi32, #tpu.memory_space<vmem>> -> memref<1x1x128xi32, #tpu.memory_space<vmem>>
        %dma_start3A_283 = tpu.memref_squeeze %dma_start3A_282 : memref<1x1x128xi32, #tpu.memory_space<vmem>> -> memref<128xi32, #tpu.memory_space<vmem>>
        %dma_start3A_284 = arith.constant 0 : i32
        %dma_start3A_285 = arith.constant 0 : i32
        %dma_start3A_286 = tpu.memref_slice %arg9[%dma_start3A_284, %dma_start3A_285] : memref<10240x128xf32, #tpu.memory_space<vmem_shared>> -> memref<10240x128xf32, #tpu.memory_space<vmem_shared>>
        tpu.enqueue_indirect_dma source(%arg7 : memref<128x128xf32, #tpu.memory_space<vmem>>) target(%dma_start3A_286 : memref<10240x128xf32, #tpu.memory_space<vmem_shared>>) offsets(%dma_start3A_283 : memref<128xi32, #tpu.memory_space<vmem>>) semaphore(%run_scoped3A_280 : memref<!tpu.dma_semaphore, #tpu.memory_space<semaphore_mem>>) {add = true}
        %dma_wait3A_287 = arith.constant 0 : i32
        %dma_wait3A_288 = tpu.memref_slice %arg6[%run_scoped3A, %run_scoped3A_184, %dma_wait3A_287] : memref<4x2x128xi32, #tpu.memory_space<vmem>> -> memref<1x1x128xi32, #tpu.memory_space<vmem>>
        %dma_wait3A_289 = tpu.memref_squeeze %dma_wait3A_288 : memref<1x1x128xi32, #tpu.memory_space<vmem>> -> memref<128xi32, #tpu.memory_space<vmem>>
        %dma_wait3A_290 = arith.constant 0 : i32
        %dma_wait3A_291 = arith.constant 0 : i32
        %dma_wait3A_292 = tpu.memref_slice %arg9[%dma_wait3A_290, %dma_wait3A_291] : memref<10240x128xf32, #tpu.memory_space<vmem_shared>> -> memref<10240x128xf32, #tpu.memory_space<vmem_shared>>
        tpu.wait_indirect_dma semaphore(%run_scoped3A_280 : memref<!tpu.dma_semaphore, #tpu.memory_space<semaphore_mem>>) src(%arg7 : memref<128x128xf32, #tpu.memory_space<vmem>>) dst(%dma_wait3A_292 : memref<10240x128xf32, #tpu.memory_space<vmem_shared>>)
        tpu.yield
      }) : () -> ()
      %convert_element_type3A = arith.extui %lt3A_148 : i1 to i32
      %cond3A = arith.constant 0 : i32
      %cond3A_185 = arith.cmpi ne, %convert_element_type3A, %cond3A : i32
      scf.if %cond3A_185 {
        %add3A_280 = arith.constant 4 : i32
        %add3A_281 = arith.addi %mul3A_147, %add3A_280 : i32
        %dma_start3A_282 = arith.constant 0 : i32
        %dma_start3A_283 = arith.constant 0 : i32
        %dma_start3A_284 = arith.constant 0 : i32
        %dma_start3A_285 = tpu.memref_slice %arg6[%dma_start3A_282, %dma_start3A_283, %dma_start3A_284] : memref<4x2x128xi32, #tpu.memory_space<vmem>> -> memref<1x2x128xi32, #tpu.memory_space<vmem>>
        %dma_start3A_286 = tpu.memref_squeeze %dma_start3A_285 : memref<1x2x128xi32, #tpu.memory_space<vmem>> -> memref<2x128xi32, #tpu.memory_space<vmem>>
        %dma_start3A_287 = arith.constant 0 : i32
        %dma_start3A_288 = arith.constant 0 : i32
        %dma_start3A_289 = tpu.memref_slice %arg3[%add3A, %add3A_281, %dma_start3A_287, %dma_start3A_288] : memref<32x80x2x128xi32, #tpu.memory_space<hbm>> -> memref<1x1x2x128xi32, #tpu.memory_space<hbm>>
        %dma_start3A_290 = tpu.memref_squeeze %dma_start3A_289 : memref<1x1x2x128xi32, #tpu.memory_space<hbm>> -> memref<2x128xi32, #tpu.memory_space<hbm>>
        %dma_start3A_291 = arith.constant 0 : i32
        %dma_start3A_292 = arith.constant 0 : i32
        %dma_start3A_293 = tpu.memref_slice %arg6[%dma_start3A_282, %dma_start3A_291, %dma_start3A_292] : memref<4x2x128xi32, #tpu.memory_space<vmem>> -> memref<1x2x128xi32, #tpu.memory_space<vmem>>
        %dma_start3A_294 = tpu.memref_squeeze %dma_start3A_293 : memref<1x2x128xi32, #tpu.memory_space<vmem>> -> memref<2x128xi32, #tpu.memory_space<vmem>>
        %dma_start3A_295 = arith.constant 0 : i32
        %dma_start3A_296 = arith.constant 0 : i32
        %dma_start3A_297 = tpu.memref_slice %arg3[%add3A, %add3A_281, %dma_start3A_295, %dma_start3A_296] : memref<32x80x2x128xi32, #tpu.memory_space<hbm>> -> memref<1x1x2x128xi32, #tpu.memory_space<hbm>>
        %dma_start3A_298 = tpu.memref_squeeze %dma_start3A_297 : memref<1x1x2x128xi32, #tpu.memory_space<hbm>> -> memref<2x128xi32, #tpu.memory_space<hbm>>
        tpu.enqueue_dma source(%dma_start3A_298 : memref<2x128xi32, #tpu.memory_space<hbm>>) target(%dma_start3A_294 : memref<2x128xi32, #tpu.memory_space<vmem>>) target_semaphore(%arg12 : memref<!tpu.dma_semaphore, #tpu.memory_space<semaphore_mem>>)
      } else {
      }
      %add3A_186 = arith.constant 2 : i32
      %add3A_187 = arith.addi %mul3A_147, %add3A_186 : i32
      %dma_wait3A_188 = arith.constant 2 : i32
      %dma_wait3A_189 = arith.constant 0 : i32
      %dma_wait3A_190 = arith.constant 0 : i32
      %dma_wait3A_191 = tpu.memref_slice %arg6[%dma_wait3A_188, %dma_wait3A_189, %dma_wait3A_190] : memref<4x2x128xi32, #tpu.memory_space<vmem>> -> memref<1x2x128xi32, #tpu.memory_space<vmem>>
      %dma_wait3A_192 = tpu.memref_squeeze %dma_wait3A_191 : memref<1x2x128xi32, #tpu.memory_space<vmem>> -> memref<2x128xi32, #tpu.memory_space<vmem>>
      %dma_wait3A_193 = arith.constant 0 : i32
      %dma_wait3A_194 = arith.constant 0 : i32
      %dma_wait3A_195 = tpu.memref_slice %arg3[%add3A, %add3A_187, %dma_wait3A_193, %dma_wait3A_194] : memref<32x80x2x128xi32, #tpu.memory_space<hbm>> -> memref<1x1x2x128xi32, #tpu.memory_space<hbm>>
      %dma_wait3A_196 = tpu.memref_squeeze %dma_wait3A_195 : memref<1x1x2x128xi32, #tpu.memory_space<hbm>> -> memref<2x128xi32, #tpu.memory_space<hbm>>
      %dma_wait3A_197 = arith.constant 0 : i32
      %dma_wait3A_198 = arith.constant 0 : i32
      %dma_wait3A_199 = tpu.memref_slice %arg6[%dma_wait3A_188, %dma_wait3A_197, %dma_wait3A_198] : memref<4x2x128xi32, #tpu.memory_space<vmem>> -> memref<1x2x128xi32, #tpu.memory_space<vmem>>
      %dma_wait3A_200 = tpu.memref_squeeze %dma_wait3A_199 : memref<1x2x128xi32, #tpu.memory_space<vmem>> -> memref<2x128xi32, #tpu.memory_space<vmem>>
      %dma_wait3A_201 = arith.constant 0 : i32
      %dma_wait3A_202 = arith.constant 0 : i32
      %dma_wait3A_203 = tpu.memref_slice %arg3[%add3A, %add3A_187, %dma_wait3A_201, %dma_wait3A_202] : memref<32x80x2x128xi32, #tpu.memory_space<hbm>> -> memref<1x1x2x128xi32, #tpu.memory_space<hbm>>
      %dma_wait3A_204 = tpu.memref_squeeze %dma_wait3A_203 : memref<1x1x2x128xi32, #tpu.memory_space<hbm>> -> memref<2x128xi32, #tpu.memory_space<hbm>>
      tpu.wait_dma2 semaphore(%arg12 : memref<!tpu.dma_semaphore, #tpu.memory_space<semaphore_mem>>) src(%dma_wait3A_204 : memref<2x128xi32, #tpu.memory_space<hbm>>) dst(%dma_wait3A_200 : memref<2x128xi32, #tpu.memory_space<vmem>>)
      %dma_start3A_205 = arith.constant 2 : i32
      %dma_start3A_206 = arith.constant 0 : i32
      %dma_start3A_207 = arith.constant 0 : i32
      %dma_start3A_208 = tpu.memref_slice %arg6[%dma_start3A_205, %dma_start3A_206, %dma_start3A_207] : memref<4x2x128xi32, #tpu.memory_space<vmem>> -> memref<1x1x128xi32, #tpu.memory_space<vmem>>
      %dma_start3A_209 = tpu.memref_squeeze %dma_start3A_208 : memref<1x1x128xi32, #tpu.memory_space<vmem>> -> memref<128xi32, #tpu.memory_space<vmem>>
      %dma_start3A_210 = arith.constant 0 : i32
      %dma_start3A_211 = arith.constant 0 : i32
      %dma_start3A_212 = tpu.memref_slice %arg2[%dma_start3A_210, %dma_start3A_211] : memref<10240x128xf32, #tpu.memory_space<hbm>> -> memref<10240x128xf32, #tpu.memory_space<hbm>>
      tpu.enqueue_indirect_dma source(%dma_start3A_212 : memref<10240x128xf32, #tpu.memory_space<hbm>>) target(%arg7 : memref<128x128xf32, #tpu.memory_space<vmem>>) offsets(%dma_start3A_209 : memref<128xi32, #tpu.memory_space<vmem>>) semaphore(%arg10 : memref<!tpu.dma_semaphore, #tpu.memory_space<semaphore_mem>>)
      %dma_wait3A_213 = arith.constant 1 : i32
      %dma_wait3A_214 = arith.constant 0 : i32
      %dma_wait3A_215 = arith.constant 0 : i32
      %dma_wait3A_216 = tpu.memref_slice %arg6[%dma_wait3A_213, %dma_wait3A_214, %dma_wait3A_215] : memref<4x2x128xi32, #tpu.memory_space<vmem>> -> memref<1x1x128xi32, #tpu.memory_space<vmem>>
      %dma_wait3A_217 = tpu.memref_squeeze %dma_wait3A_216 : memref<1x1x128xi32, #tpu.memory_space<vmem>> -> memref<128xi32, #tpu.memory_space<vmem>>
      %dma_wait3A_218 = arith.constant 0 : i32
      %dma_wait3A_219 = arith.constant 0 : i32
      %dma_wait3A_220 = tpu.memref_slice %arg2[%dma_wait3A_218, %dma_wait3A_219] : memref<10240x128xf32, #tpu.memory_space<hbm>> -> memref<10240x128xf32, #tpu.memory_space<hbm>>
      tpu.wait_indirect_dma semaphore(%arg11 : memref<!tpu.dma_semaphore, #tpu.memory_space<semaphore_mem>>) src(%dma_wait3A_220 : memref<10240x128xf32, #tpu.memory_space<hbm>>) dst(%arg8 : memref<128x128xf32, #tpu.memory_space<vmem>>)
      %run_scoped3A_221 = arith.constant 1 : i32
      %run_scoped3A_222 = arith.constant 1 : i32
      "tpu.region"() ({
        %run_scoped3A_280 = tpu.sem_alloc : memref<!tpu.dma_semaphore, #tpu.memory_space<semaphore_mem>>
        %dma_start3A_281 = arith.constant 0 : i32
        %dma_start3A_282 = tpu.memref_slice %arg6[%run_scoped3A_221, %run_scoped3A_222, %dma_start3A_281] : memref<4x2x128xi32, #tpu.memory_space<vmem>> -> memref<1x1x128xi32, #tpu.memory_space<vmem>>
        %dma_start3A_283 = tpu.memref_squeeze %dma_start3A_282 : memref<1x1x128xi32, #tpu.memory_space<vmem>> -> memref<128xi32, #tpu.memory_space<vmem>>
        %dma_start3A_284 = arith.constant 0 : i32
        %dma_start3A_285 = arith.constant 0 : i32
        %dma_start3A_286 = tpu.memref_slice %arg9[%dma_start3A_284, %dma_start3A_285] : memref<10240x128xf32, #tpu.memory_space<vmem_shared>> -> memref<10240x128xf32, #tpu.memory_space<vmem_shared>>
        tpu.enqueue_indirect_dma source(%arg8 : memref<128x128xf32, #tpu.memory_space<vmem>>) target(%dma_start3A_286 : memref<10240x128xf32, #tpu.memory_space<vmem_shared>>) offsets(%dma_start3A_283 : memref<128xi32, #tpu.memory_space<vmem>>) semaphore(%run_scoped3A_280 : memref<!tpu.dma_semaphore, #tpu.memory_space<semaphore_mem>>) {add = true}
        %dma_wait3A_287 = arith.constant 0 : i32
        %dma_wait3A_288 = tpu.memref_slice %arg6[%run_scoped3A_221, %run_scoped3A_222, %dma_wait3A_287] : memref<4x2x128xi32, #tpu.memory_space<vmem>> -> memref<1x1x128xi32, #tpu.memory_space<vmem>>
        %dma_wait3A_289 = tpu.memref_squeeze %dma_wait3A_288 : memref<1x1x128xi32, #tpu.memory_space<vmem>> -> memref<128xi32, #tpu.memory_space<vmem>>
        %dma_wait3A_290 = arith.constant 0 : i32
        %dma_wait3A_291 = arith.constant 0 : i32
        %dma_wait3A_292 = tpu.memref_slice %arg9[%dma_wait3A_290, %dma_wait3A_291] : memref<10240x128xf32, #tpu.memory_space<vmem_shared>> -> memref<10240x128xf32, #tpu.memory_space<vmem_shared>>
        tpu.wait_indirect_dma semaphore(%run_scoped3A_280 : memref<!tpu.dma_semaphore, #tpu.memory_space<semaphore_mem>>) src(%arg8 : memref<128x128xf32, #tpu.memory_space<vmem>>) dst(%dma_wait3A_292 : memref<10240x128xf32, #tpu.memory_space<vmem_shared>>)
        tpu.yield
      }) : () -> ()
      %convert_element_type3A_223 = arith.extui %lt3A_148 : i1 to i32
      %cond3A_224 = arith.constant 0 : i32
      %cond3A_225 = arith.cmpi ne, %convert_element_type3A_223, %cond3A_224 : i32
      scf.if %cond3A_225 {
        %add3A_280 = arith.constant 5 : i32
        %add3A_281 = arith.addi %mul3A_147, %add3A_280 : i32
        %dma_start3A_282 = arith.constant 1 : i32
        %dma_start3A_283 = arith.constant 0 : i32
        %dma_start3A_284 = arith.constant 0 : i32
        %dma_start3A_285 = tpu.memref_slice %arg6[%dma_start3A_282, %dma_start3A_283, %dma_start3A_284] : memref<4x2x128xi32, #tpu.memory_space<vmem>> -> memref<1x2x128xi32, #tpu.memory_space<vmem>>
        %dma_start3A_286 = tpu.memref_squeeze %dma_start3A_285 : memref<1x2x128xi32, #tpu.memory_space<vmem>> -> memref<2x128xi32, #tpu.memory_space<vmem>>
        %dma_start3A_287 = arith.constant 0 : i32
        %dma_start3A_288 = arith.constant 0 : i32
        %dma_start3A_289 = tpu.memref_slice %arg3[%add3A, %add3A_281, %dma_start3A_287, %dma_start3A_288] : memref<32x80x2x128xi32, #tpu.memory_space<hbm>> -> memref<1x1x2x128xi32, #tpu.memory_space<hbm>>
        %dma_start3A_290 = tpu.memref_squeeze %dma_start3A_289 : memref<1x1x2x128xi32, #tpu.memory_space<hbm>> -> memref<2x128xi32, #tpu.memory_space<hbm>>
        %dma_start3A_291 = arith.constant 0 : i32
        %dma_start3A_292 = arith.constant 0 : i32
        %dma_start3A_293 = tpu.memref_slice %arg6[%dma_start3A_282, %dma_start3A_291, %dma_start3A_292] : memref<4x2x128xi32, #tpu.memory_space<vmem>> -> memref<1x2x128xi32, #tpu.memory_space<vmem>>
        %dma_start3A_294 = tpu.memref_squeeze %dma_start3A_293 : memref<1x2x128xi32, #tpu.memory_space<vmem>> -> memref<2x128xi32, #tpu.memory_space<vmem>>
        %dma_start3A_295 = arith.constant 0 : i32
        %dma_start3A_296 = arith.constant 0 : i32
        %dma_start3A_297 = tpu.memref_slice %arg3[%add3A, %add3A_281, %dma_start3A_295, %dma_start3A_296] : memref<32x80x2x128xi32, #tpu.memory_space<hbm>> -> memref<1x1x2x128xi32, #tpu.memory_space<hbm>>
        %dma_start3A_298 = tpu.memref_squeeze %dma_start3A_297 : memref<1x1x2x128xi32, #tpu.memory_space<hbm>> -> memref<2x128xi32, #tpu.memory_space<hbm>>
        tpu.enqueue_dma source(%dma_start3A_298 : memref<2x128xi32, #tpu.memory_space<hbm>>) target(%dma_start3A_294 : memref<2x128xi32, #tpu.memory_space<vmem>>) target_semaphore(%arg12 : memref<!tpu.dma_semaphore, #tpu.memory_space<semaphore_mem>>)
      } else {
      }
      %add3A_226 = arith.constant 3 : i32
      %add3A_227 = arith.addi %mul3A_147, %add3A_226 : i32
      %dma_wait3A_228 = arith.constant 3 : i32
      %dma_wait3A_229 = arith.constant 0 : i32
      %dma_wait3A_230 = arith.constant 0 : i32
      %dma_wait3A_231 = tpu.memref_slice %arg6[%dma_wait3A_228, %dma_wait3A_229, %dma_wait3A_230] : memref<4x2x128xi32, #tpu.memory_space<vmem>> -> memref<1x2x128xi32, #tpu.memory_space<vmem>>
      %dma_wait3A_232 = tpu.memref_squeeze %dma_wait3A_231 : memref<1x2x128xi32, #tpu.memory_space<vmem>> -> memref<2x128xi32, #tpu.memory_space<vmem>>
      %dma_wait3A_233 = arith.constant 0 : i32
      %dma_wait3A_234 = arith.constant 0 : i32
      %dma_wait3A_235 = tpu.memref_slice %arg3[%add3A, %add3A_227, %dma_wait3A_233, %dma_wait3A_234] : memref<32x80x2x128xi32, #tpu.memory_space<hbm>> -> memref<1x1x2x128xi32, #tpu.memory_space<hbm>>
      %dma_wait3A_236 = tpu.memref_squeeze %dma_wait3A_235 : memref<1x1x2x128xi32, #tpu.memory_space<hbm>> -> memref<2x128xi32, #tpu.memory_space<hbm>>
      %dma_wait3A_237 = arith.constant 0 : i32
      %dma_wait3A_238 = arith.constant 0 : i32
      %dma_wait3A_239 = tpu.memref_slice %arg6[%dma_wait3A_228, %dma_wait3A_237, %dma_wait3A_238] : memref<4x2x128xi32, #tpu.memory_space<vmem>> -> memref<1x2x128xi32, #tpu.memory_space<vmem>>
      %dma_wait3A_240 = tpu.memref_squeeze %dma_wait3A_239 : memref<1x2x128xi32, #tpu.memory_space<vmem>> -> memref<2x128xi32, #tpu.memory_space<vmem>>
      %dma_wait3A_241 = arith.constant 0 : i32
      %dma_wait3A_242 = arith.constant 0 : i32
      %dma_wait3A_243 = tpu.memref_slice %arg3[%add3A, %add3A_227, %dma_wait3A_241, %dma_wait3A_242] : memref<32x80x2x128xi32, #tpu.memory_space<hbm>> -> memref<1x1x2x128xi32, #tpu.memory_space<hbm>>
      %dma_wait3A_244 = tpu.memref_squeeze %dma_wait3A_243 : memref<1x1x2x128xi32, #tpu.memory_space<hbm>> -> memref<2x128xi32, #tpu.memory_space<hbm>>
      tpu.wait_dma2 semaphore(%arg12 : memref<!tpu.dma_semaphore, #tpu.memory_space<semaphore_mem>>) src(%dma_wait3A_244 : memref<2x128xi32, #tpu.memory_space<hbm>>) dst(%dma_wait3A_240 : memref<2x128xi32, #tpu.memory_space<vmem>>)
      %dma_start3A_245 = arith.constant 3 : i32
      %dma_start3A_246 = arith.constant 0 : i32
      %dma_start3A_247 = arith.constant 0 : i32
      %dma_start3A_248 = tpu.memref_slice %arg6[%dma_start3A_245, %dma_start3A_246, %dma_start3A_247] : memref<4x2x128xi32, #tpu.memory_space<vmem>> -> memref<1x1x128xi32, #tpu.memory_space<vmem>>
      %dma_start3A_249 = tpu.memref_squeeze %dma_start3A_248 : memref<1x1x128xi32, #tpu.memory_space<vmem>> -> memref<128xi32, #tpu.memory_space<vmem>>
      %dma_start3A_250 = arith.constant 0 : i32
      %dma_start3A_251 = arith.constant 0 : i32
      %dma_start3A_252 = tpu.memref_slice %arg2[%dma_start3A_250, %dma_start3A_251] : memref<10240x128xf32, #tpu.memory_space<hbm>> -> memref<10240x128xf32, #tpu.memory_space<hbm>>
      tpu.enqueue_indirect_dma source(%dma_start3A_252 : memref<10240x128xf32, #tpu.memory_space<hbm>>) target(%arg8 : memref<128x128xf32, #tpu.memory_space<vmem>>) offsets(%dma_start3A_249 : memref<128xi32, #tpu.memory_space<vmem>>) semaphore(%arg11 : memref<!tpu.dma_semaphore, #tpu.memory_space<semaphore_mem>>)
      %dma_wait3A_253 = arith.constant 2 : i32
      %dma_wait3A_254 = arith.constant 0 : i32
      %dma_wait3A_255 = arith.constant 0 : i32
      %dma_wait3A_256 = tpu.memref_slice %arg6[%dma_wait3A_253, %dma_wait3A_254, %dma_wait3A_255] : memref<4x2x128xi32, #tpu.memory_space<vmem>> -> memref<1x1x128xi32, #tpu.memory_space<vmem>>
      %dma_wait3A_257 = tpu.memref_squeeze %dma_wait3A_256 : memref<1x1x128xi32, #tpu.memory_space<vmem>> -> memref<128xi32, #tpu.memory_space<vmem>>
      %dma_wait3A_258 = arith.constant 0 : i32
      %dma_wait3A_259 = arith.constant 0 : i32
      %dma_wait3A_260 = tpu.memref_slice %arg2[%dma_wait3A_258, %dma_wait3A_259] : memref<10240x128xf32, #tpu.memory_space<hbm>> -> memref<10240x128xf32, #tpu.memory_space<hbm>>
      tpu.wait_indirect_dma semaphore(%arg10 : memref<!tpu.dma_semaphore, #tpu.memory_space<semaphore_mem>>) src(%dma_wait3A_260 : memref<10240x128xf32, #tpu.memory_space<hbm>>) dst(%arg7 : memref<128x128xf32, #tpu.memory_space<vmem>>)
      %run_scoped3A_261 = arith.constant 2 : i32
      %run_scoped3A_262 = arith.constant 1 : i32
      "tpu.region"() ({
        %run_scoped3A_280 = tpu.sem_alloc : memref<!tpu.dma_semaphore, #tpu.memory_space<semaphore_mem>>
        %dma_start3A_281 = arith.constant 0 : i32
        %dma_start3A_282 = tpu.memref_slice %arg6[%run_scoped3A_261, %run_scoped3A_262, %dma_start3A_281] : memref<4x2x128xi32, #tpu.memory_space<vmem>> -> memref<1x1x128xi32, #tpu.memory_space<vmem>>
        %dma_start3A_283 = tpu.memref_squeeze %dma_start3A_282 : memref<1x1x128xi32, #tpu.memory_space<vmem>> -> memref<128xi32, #tpu.memory_space<vmem>>
        %dma_start3A_284 = arith.constant 0 : i32
        %dma_start3A_285 = arith.constant 0 : i32
        %dma_start3A_286 = tpu.memref_slice %arg9[%dma_start3A_284, %dma_start3A_285] : memref<10240x128xf32, #tpu.memory_space<vmem_shared>> -> memref<10240x128xf32, #tpu.memory_space<vmem_shared>>
        tpu.enqueue_indirect_dma source(%arg7 : memref<128x128xf32, #tpu.memory_space<vmem>>) target(%dma_start3A_286 : memref<10240x128xf32, #tpu.memory_space<vmem_shared>>) offsets(%dma_start3A_283 : memref<128xi32, #tpu.memory_space<vmem>>) semaphore(%run_scoped3A_280 : memref<!tpu.dma_semaphore, #tpu.memory_space<semaphore_mem>>) {add = true}
        %dma_wait3A_287 = arith.constant 0 : i32
        %dma_wait3A_288 = tpu.memref_slice %arg6[%run_scoped3A_261, %run_scoped3A_262, %dma_wait3A_287] : memref<4x2x128xi32, #tpu.memory_space<vmem>> -> memref<1x1x128xi32, #tpu.memory_space<vmem>>
        %dma_wait3A_289 = tpu.memref_squeeze %dma_wait3A_288 : memref<1x1x128xi32, #tpu.memory_space<vmem>> -> memref<128xi32, #tpu.memory_space<vmem>>
        %dma_wait3A_290 = arith.constant 0 : i32
        %dma_wait3A_291 = arith.constant 0 : i32
        %dma_wait3A_292 = tpu.memref_slice %arg9[%dma_wait3A_290, %dma_wait3A_291] : memref<10240x128xf32, #tpu.memory_space<vmem_shared>> -> memref<10240x128xf32, #tpu.memory_space<vmem_shared>>
        tpu.wait_indirect_dma semaphore(%run_scoped3A_280 : memref<!tpu.dma_semaphore, #tpu.memory_space<semaphore_mem>>) src(%arg7 : memref<128x128xf32, #tpu.memory_space<vmem>>) dst(%dma_wait3A_292 : memref<10240x128xf32, #tpu.memory_space<vmem_shared>>)
        tpu.yield
      }) : () -> ()
      %convert_element_type3A_263 = arith.extui %lt3A_148 : i1 to i32
      %cond3A_264 = arith.constant 0 : i32
      %cond3A_265 = arith.cmpi ne, %convert_element_type3A_263, %cond3A_264 : i32
      scf.if %cond3A_265 {
        %add3A_280 = arith.constant 6 : i32
        %add3A_281 = arith.addi %mul3A_147, %add3A_280 : i32
        %dma_start3A_282 = arith.constant 2 : i32
        %dma_start3A_283 = arith.constant 0 : i32
        %dma_start3A_284 = arith.constant 0 : i32
        %dma_start3A_285 = tpu.memref_slice %arg6[%dma_start3A_282, %dma_start3A_283, %dma_start3A_284] : memref<4x2x128xi32, #tpu.memory_space<vmem>> -> memref<1x2x128xi32, #tpu.memory_space<vmem>>
        %dma_start3A_286 = tpu.memref_squeeze %dma_start3A_285 : memref<1x2x128xi32, #tpu.memory_space<vmem>> -> memref<2x128xi32, #tpu.memory_space<vmem>>
        %dma_start3A_287 = arith.constant 0 : i32
        %dma_start3A_288 = arith.constant 0 : i32
        %dma_start3A_289 = tpu.memref_slice %arg3[%add3A, %add3A_281, %dma_start3A_287, %dma_start3A_288] : memref<32x80x2x128xi32, #tpu.memory_space<hbm>> -> memref<1x1x2x128xi32, #tpu.memory_space<hbm>>
        %dma_start3A_290 = tpu.memref_squeeze %dma_start3A_289 : memref<1x1x2x128xi32, #tpu.memory_space<hbm>> -> memref<2x128xi32, #tpu.memory_space<hbm>>
        %dma_start3A_291 = arith.constant 0 : i32
        %dma_start3A_292 = arith.constant 0 : i32
        %dma_start3A_293 = tpu.memref_slice %arg6[%dma_start3A_282, %dma_start3A_291, %dma_start3A_292] : memref<4x2x128xi32, #tpu.memory_space<vmem>> -> memref<1x2x128xi32, #tpu.memory_space<vmem>>
        %dma_start3A_294 = tpu.memref_squeeze %dma_start3A_293 : memref<1x2x128xi32, #tpu.memory_space<vmem>> -> memref<2x128xi32, #tpu.memory_space<vmem>>
        %dma_start3A_295 = arith.constant 0 : i32
        %dma_start3A_296 = arith.constant 0 : i32
        %dma_start3A_297 = tpu.memref_slice %arg3[%add3A, %add3A_281, %dma_start3A_295, %dma_start3A_296] : memref<32x80x2x128xi32, #tpu.memory_space<hbm>> -> memref<1x1x2x128xi32, #tpu.memory_space<hbm>>
        %dma_start3A_298 = tpu.memref_squeeze %dma_start3A_297 : memref<1x1x2x128xi32, #tpu.memory_space<hbm>> -> memref<2x128xi32, #tpu.memory_space<hbm>>
        tpu.enqueue_dma source(%dma_start3A_298 : memref<2x128xi32, #tpu.memory_space<hbm>>) target(%dma_start3A_294 : memref<2x128xi32, #tpu.memory_space<vmem>>) target_semaphore(%arg12 : memref<!tpu.dma_semaphore, #tpu.memory_space<semaphore_mem>>)
        %add3A_299 = arith.constant 4 : i32
        %add3A_300 = arith.addi %mul3A_147, %add3A_299 : i32
        %dma_wait3A_301 = arith.constant 0 : i32
        %dma_wait3A_302 = arith.constant 0 : i32
        %dma_wait3A_303 = arith.constant 0 : i32
        %dma_wait3A_304 = tpu.memref_slice %arg6[%dma_wait3A_301, %dma_wait3A_302, %dma_wait3A_303] : memref<4x2x128xi32, #tpu.memory_space<vmem>> -> memref<1x2x128xi32, #tpu.memory_space<vmem>>
        %dma_wait3A_305 = tpu.memref_squeeze %dma_wait3A_304 : memref<1x2x128xi32, #tpu.memory_space<vmem>> -> memref<2x128xi32, #tpu.memory_space<vmem>>
        %dma_wait3A_306 = arith.constant 0 : i32
        %dma_wait3A_307 = arith.constant 0 : i32
        %dma_wait3A_308 = tpu.memref_slice %arg3[%add3A, %add3A_300, %dma_wait3A_306, %dma_wait3A_307] : memref<32x80x2x128xi32, #tpu.memory_space<hbm>> -> memref<1x1x2x128xi32, #tpu.memory_space<hbm>>
        %dma_wait3A_309 = tpu.memref_squeeze %dma_wait3A_308 : memref<1x1x2x128xi32, #tpu.memory_space<hbm>> -> memref<2x128xi32, #tpu.memory_space<hbm>>
        %dma_wait3A_310 = arith.constant 0 : i32
        %dma_wait3A_311 = arith.constant 0 : i32
        %dma_wait3A_312 = tpu.memref_slice %arg6[%dma_wait3A_301, %dma_wait3A_310, %dma_wait3A_311] : memref<4x2x128xi32, #tpu.memory_space<vmem>> -> memref<1x2x128xi32, #tpu.memory_space<vmem>>
        %dma_wait3A_313 = tpu.memref_squeeze %dma_wait3A_312 : memref<1x2x128xi32, #tpu.memory_space<vmem>> -> memref<2x128xi32, #tpu.memory_space<vmem>>
        %dma_wait3A_314 = arith.constant 0 : i32
        %dma_wait3A_315 = arith.constant 0 : i32
        %dma_wait3A_316 = tpu.memref_slice %arg3[%add3A, %add3A_300, %dma_wait3A_314, %dma_wait3A_315] : memref<32x80x2x128xi32, #tpu.memory_space<hbm>> -> memref<1x1x2x128xi32, #tpu.memory_space<hbm>>
        %dma_wait3A_317 = tpu.memref_squeeze %dma_wait3A_316 : memref<1x1x2x128xi32, #tpu.memory_space<hbm>> -> memref<2x128xi32, #tpu.memory_space<hbm>>
        tpu.wait_dma2 semaphore(%arg12 : memref<!tpu.dma_semaphore, #tpu.memory_space<semaphore_mem>>) src(%dma_wait3A_317 : memref<2x128xi32, #tpu.memory_space<hbm>>) dst(%dma_wait3A_313 : memref<2x128xi32, #tpu.memory_space<vmem>>)
        %dma_start3A_318 = arith.constant 0 : i32
        %dma_start3A_319 = arith.constant 0 : i32
        %dma_start3A_320 = arith.constant 0 : i32
        %dma_start3A_321 = tpu.memref_slice %arg6[%dma_start3A_318, %dma_start3A_319, %dma_start3A_320] : memref<4x2x128xi32, #tpu.memory_space<vmem>> -> memref<1x1x128xi32, #tpu.memory_space<vmem>>
        %dma_start3A_322 = tpu.memref_squeeze %dma_start3A_321 : memref<1x1x128xi32, #tpu.memory_space<vmem>> -> memref<128xi32, #tpu.memory_space<vmem>>
        %dma_start3A_323 = arith.constant 0 : i32
        %dma_start3A_324 = arith.constant 0 : i32
        %dma_start3A_325 = tpu.memref_slice %arg2[%dma_start3A_323, %dma_start3A_324] : memref<10240x128xf32, #tpu.memory_space<hbm>> -> memref<10240x128xf32, #tpu.memory_space<hbm>>
        tpu.enqueue_indirect_dma source(%dma_start3A_325 : memref<10240x128xf32, #tpu.memory_space<hbm>>) target(%arg7 : memref<128x128xf32, #tpu.memory_space<vmem>>) offsets(%dma_start3A_322 : memref<128xi32, #tpu.memory_space<vmem>>) semaphore(%arg10 : memref<!tpu.dma_semaphore, #tpu.memory_space<semaphore_mem>>)
      } else {
      }
      %dma_wait3A_266 = arith.constant 3 : i32
      %dma_wait3A_267 = arith.constant 0 : i32
      %dma_wait3A_268 = arith.constant 0 : i32
      %dma_wait3A_269 = tpu.memref_slice %arg6[%dma_wait3A_266, %dma_wait3A_267, %dma_wait3A_268] : memref<4x2x128xi32, #tpu.memory_space<vmem>> -> memref<1x1x128xi32, #tpu.memory_space<vmem>>
      %dma_wait3A_270 = tpu.memref_squeeze %dma_wait3A_269 : memref<1x1x128xi32, #tpu.memory_space<vmem>> -> memref<128xi32, #tpu.memory_space<vmem>>
      %dma_wait3A_271 = arith.constant 0 : i32
      %dma_wait3A_272 = arith.constant 0 : i32
      %dma_wait3A_273 = tpu.memref_slice %arg2[%dma_wait3A_271, %dma_wait3A_272] : memref<10240x128xf32, #tpu.memory_space<hbm>> -> memref<10240x128xf32, #tpu.memory_space<hbm>>
      tpu.wait_indirect_dma semaphore(%arg11 : memref<!tpu.dma_semaphore, #tpu.memory_space<semaphore_mem>>) src(%dma_wait3A_273 : memref<10240x128xf32, #tpu.memory_space<hbm>>) dst(%arg8 : memref<128x128xf32, #tpu.memory_space<vmem>>)
      %run_scoped3A_274 = arith.constant 3 : i32
      %run_scoped3A_275 = arith.constant 1 : i32
      "tpu.region"() ({
        %run_scoped3A_280 = tpu.sem_alloc : memref<!tpu.dma_semaphore, #tpu.memory_space<semaphore_mem>>
        %dma_start3A_281 = arith.constant 0 : i32
        %dma_start3A_282 = tpu.memref_slice %arg6[%run_scoped3A_274, %run_scoped3A_275, %dma_start3A_281] : memref<4x2x128xi32, #tpu.memory_space<vmem>> -> memref<1x1x128xi32, #tpu.memory_space<vmem>>
        %dma_start3A_283 = tpu.memref_squeeze %dma_start3A_282 : memref<1x1x128xi32, #tpu.memory_space<vmem>> -> memref<128xi32, #tpu.memory_space<vmem>>
        %dma_start3A_284 = arith.constant 0 : i32
        %dma_start3A_285 = arith.constant 0 : i32
        %dma_start3A_286 = tpu.memref_slice %arg9[%dma_start3A_284, %dma_start3A_285] : memref<10240x128xf32, #tpu.memory_space<vmem_shared>> -> memref<10240x128xf32, #tpu.memory_space<vmem_shared>>
        tpu.enqueue_indirect_dma source(%arg8 : memref<128x128xf32, #tpu.memory_space<vmem>>) target(%dma_start3A_286 : memref<10240x128xf32, #tpu.memory_space<vmem_shared>>) offsets(%dma_start3A_283 : memref<128xi32, #tpu.memory_space<vmem>>) semaphore(%run_scoped3A_280 : memref<!tpu.dma_semaphore, #tpu.memory_space<semaphore_mem>>) {add = true}
        %dma_wait3A_287 = arith.constant 0 : i32
        %dma_wait3A_288 = tpu.memref_slice %arg6[%run_scoped3A_274, %run_scoped3A_275, %dma_wait3A_287] : memref<4x2x128xi32, #tpu.memory_space<vmem>> -> memref<1x1x128xi32, #tpu.memory_space<vmem>>
        %dma_wait3A_289 = tpu.memref_squeeze %dma_wait3A_288 : memref<1x1x128xi32, #tpu.memory_space<vmem>> -> memref<128xi32, #tpu.memory_space<vmem>>
        %dma_wait3A_290 = arith.constant 0 : i32
        %dma_wait3A_291 = arith.constant 0 : i32
        %dma_wait3A_292 = tpu.memref_slice %arg9[%dma_wait3A_290, %dma_wait3A_291] : memref<10240x128xf32, #tpu.memory_space<vmem_shared>> -> memref<10240x128xf32, #tpu.memory_space<vmem_shared>>
        tpu.wait_indirect_dma semaphore(%run_scoped3A_280 : memref<!tpu.dma_semaphore, #tpu.memory_space<semaphore_mem>>) src(%arg8 : memref<128x128xf32, #tpu.memory_space<vmem>>) dst(%dma_wait3A_292 : memref<10240x128xf32, #tpu.memory_space<vmem_shared>>)
        tpu.yield
      }) : () -> ()
      %convert_element_type3A_276 = arith.extui %lt3A_148 : i1 to i32
      %cond3A_277 = arith.constant 0 : i32
      %cond3A_278 = arith.cmpi ne, %convert_element_type3A_276, %cond3A_277 : i32
      scf.if %cond3A_278 {
        %add3A_280 = arith.constant 7 : i32
        %add3A_281 = arith.addi %mul3A_147, %add3A_280 : i32
        %dma_start3A_282 = arith.constant 3 : i32
        %dma_start3A_283 = arith.constant 0 : i32
        %dma_start3A_284 = arith.constant 0 : i32
        %dma_start3A_285 = tpu.memref_slice %arg6[%dma_start3A_282, %dma_start3A_283, %dma_start3A_284] : memref<4x2x128xi32, #tpu.memory_space<vmem>> -> memref<1x2x128xi32, #tpu.memory_space<vmem>>
        %dma_start3A_286 = tpu.memref_squeeze %dma_start3A_285 : memref<1x2x128xi32, #tpu.memory_space<vmem>> -> memref<2x128xi32, #tpu.memory_space<vmem>>
        %dma_start3A_287 = arith.constant 0 : i32
        %dma_start3A_288 = arith.constant 0 : i32
        %dma_start3A_289 = tpu.memref_slice %arg3[%add3A, %add3A_281, %dma_start3A_287, %dma_start3A_288] : memref<32x80x2x128xi32, #tpu.memory_space<hbm>> -> memref<1x1x2x128xi32, #tpu.memory_space<hbm>>
        %dma_start3A_290 = tpu.memref_squeeze %dma_start3A_289 : memref<1x1x2x128xi32, #tpu.memory_space<hbm>> -> memref<2x128xi32, #tpu.memory_space<hbm>>
        %dma_start3A_291 = arith.constant 0 : i32
        %dma_start3A_292 = arith.constant 0 : i32
        %dma_start3A_293 = tpu.memref_slice %arg6[%dma_start3A_282, %dma_start3A_291, %dma_start3A_292] : memref<4x2x128xi32, #tpu.memory_space<vmem>> -> memref<1x2x128xi32, #tpu.memory_space<vmem>>
        %dma_start3A_294 = tpu.memref_squeeze %dma_start3A_293 : memref<1x2x128xi32, #tpu.memory_space<vmem>> -> memref<2x128xi32, #tpu.memory_space<vmem>>
        %dma_start3A_295 = arith.constant 0 : i32
        %dma_start3A_296 = arith.constant 0 : i32
        %dma_start3A_297 = tpu.memref_slice %arg3[%add3A, %add3A_281, %dma_start3A_295, %dma_start3A_296] : memref<32x80x2x128xi32, #tpu.memory_space<hbm>> -> memref<1x1x2x128xi32, #tpu.memory_space<hbm>>
        %dma_start3A_298 = tpu.memref_squeeze %dma_start3A_297 : memref<1x1x2x128xi32, #tpu.memory_space<hbm>> -> memref<2x128xi32, #tpu.memory_space<hbm>>
        tpu.enqueue_dma source(%dma_start3A_298 : memref<2x128xi32, #tpu.memory_space<hbm>>) target(%dma_start3A_294 : memref<2x128xi32, #tpu.memory_space<vmem>>) target_semaphore(%arg12 : memref<!tpu.dma_semaphore, #tpu.memory_space<semaphore_mem>>)
      } else {
      }
      %scan3A_279 = arith.constant 0 : i32
      scf.yield %scan3A_279 : i32
    }
    %scan3A_122 = arith.constant 20 : i32
    %barrier3A_123 = arith.constant 0 : index
    tpu.barrier barrier_id(%barrier3A_123)
    %mul3A_124 = arith.constant 640 : i32
    %mul3A_125 = arith.muli %arg1, %mul3A_124 : i32
    %add3A_126 = arith.constant 0 : i32
    %add3A_127 = arith.addi %mul3A_125, %add3A_126 : i32
    "tpu.region"() ({
      %run_scoped3A = tpu.sem_alloc : memref<!tpu.dma_semaphore, #tpu.memory_space<semaphore_mem>>
      %dma_start3A_144 = arith.constant 0 : i32
      %dma_start3A_145 = tpu.memref_slice %arg9[%add3A_127, %dma_start3A_144] : memref<10240x128xf32, #tpu.memory_space<vmem_shared>> -> memref<128x128xf32, #tpu.memory_space<vmem_shared>>
      %dma_start3A_146 = arith.constant 0 : i32
      %dma_start3A_147 = tpu.memref_slice %arg9[%add3A_127, %dma_start3A_146] : memref<10240x128xf32, #tpu.memory_space<vmem_shared>> -> memref<128x128xf32, #tpu.memory_space<vmem_shared>>
      tpu.enqueue_dma source(%dma_start3A_147 : memref<128x128xf32, #tpu.memory_space<vmem_shared>>) target(%arg7 : memref<128x128xf32, #tpu.memory_space<vmem>>) target_semaphore(%run_scoped3A : memref<!tpu.dma_semaphore, #tpu.memory_space<semaphore_mem>>)
      %dma_wait3A_148 = arith.constant 0 : i32
      %dma_wait3A_149 = tpu.memref_slice %arg9[%add3A_127, %dma_wait3A_148] : memref<10240x128xf32, #tpu.memory_space<vmem_shared>> -> memref<128x128xf32, #tpu.memory_space<vmem_shared>>
      %dma_wait3A_150 = arith.constant 0 : i32
      %dma_wait3A_151 = tpu.memref_slice %arg9[%add3A_127, %dma_wait3A_150] : memref<10240x128xf32, #tpu.memory_space<vmem_shared>> -> memref<128x128xf32, #tpu.memory_space<vmem_shared>>
      tpu.wait_dma2 semaphore(%run_scoped3A : memref<!tpu.dma_semaphore, #tpu.memory_space<semaphore_mem>>) src(%dma_wait3A_151 : memref<128x128xf32, #tpu.memory_space<vmem_shared>>) dst(%arg7 : memref<128x128xf32, #tpu.memory_space<vmem>>)
      tpu.yield
    }) : () -> ()
    "tpu.region"() ({
      %run_scoped3A = tpu.sem_alloc : memref<!tpu.dma_semaphore, #tpu.memory_space<semaphore_mem>>
      %dma_start3A_144 = arith.constant 0 : i32
      %dma_start3A_145 = tpu.memref_slice %arg5[%arg0, %add3A_127, %dma_start3A_144] : memref<2x10240x128xf32, #tpu.memory_space<hbm>> -> memref<1x128x128xf32, #tpu.memory_space<hbm>>
      %dma_start3A_146 = tpu.memref_squeeze %dma_start3A_145 : memref<1x128x128xf32, #tpu.memory_space<hbm>> -> memref<128x128xf32, #tpu.memory_space<hbm>>
      %dma_start3A_147 = arith.constant 0 : i32
      %dma_start3A_148 = tpu.memref_slice %arg5[%arg0, %add3A_127, %dma_start3A_147] : memref<2x10240x128xf32, #tpu.memory_space<hbm>> -> memref<1x128x128xf32, #tpu.memory_space<hbm>>
      %dma_start3A_149 = tpu.memref_squeeze %dma_start3A_148 : memref<1x128x128xf32, #tpu.memory_space<hbm>> -> memref<128x128xf32, #tpu.memory_space<hbm>>
      tpu.enqueue_dma source(%arg7 : memref<128x128xf32, #tpu.memory_space<vmem>>) target(%dma_start3A_149 : memref<128x128xf32, #tpu.memory_space<hbm>>) target_semaphore(%run_scoped3A : memref<!tpu.dma_semaphore, #tpu.memory_space<semaphore_mem>>)
      %dma_wait3A_150 = arith.constant 0 : i32
      %dma_wait3A_151 = tpu.memref_slice %arg5[%arg0, %add3A_127, %dma_wait3A_150] : memref<2x10240x128xf32, #tpu.memory_space<hbm>> -> memref<1x128x128xf32, #tpu.memory_space<hbm>>
      %dma_wait3A_152 = tpu.memref_squeeze %dma_wait3A_151 : memref<1x128x128xf32, #tpu.memory_space<hbm>> -> memref<128x128xf32, #tpu.memory_space<hbm>>
      %dma_wait3A_153 = arith.constant 0 : i32
      %dma_wait3A_154 = tpu.memref_slice %arg5[%arg0, %add3A_127, %dma_wait3A_153] : memref<2x10240x128xf32, #tpu.memory_space<hbm>> -> memref<1x128x128xf32, #tpu.memory_space<hbm>>
      %dma_wait3A_155 = tpu.memref_squeeze %dma_wait3A_154 : memref<1x128x128xf32, #tpu.memory_space<hbm>> -> memref<128x128xf32, #tpu.memory_space<hbm>>
      tpu.wait_dma2 semaphore(%run_scoped3A : memref<!tpu.dma_semaphore, #tpu.memory_space<semaphore_mem>>) src(%arg7 : memref<128x128xf32, #tpu.memory_space<vmem>>) dst(%dma_wait3A_155 : memref<128x128xf32, #tpu.memory_space<hbm>>)
      tpu.yield
    }) : () -> ()
    %mul3A_128 = arith.constant 640 : i32
    %mul3A_129 = arith.muli %arg1, %mul3A_128 : i32
    %add3A_130 = arith.constant 128 : i32
    %add3A_131 = arith.addi %mul3A_129, %add3A_130 : i32
    "tpu.region"() ({
      %run_scoped3A = tpu.sem_alloc : memref<!tpu.dma_semaphore, #tpu.memory_space<semaphore_mem>>
      %dma_start3A_144 = arith.constant 0 : i32
      %dma_start3A_145 = tpu.memref_slice %arg9[%add3A_131, %dma_start3A_144] : memref<10240x128xf32, #tpu.memory_space<vmem_shared>> -> memref<128x128xf32, #tpu.memory_space<vmem_shared>>
      %dma_start3A_146 = arith.constant 0 : i32
      %dma_start3A_147 = tpu.memref_slice %arg9[%add3A_131, %dma_start3A_146] : memref<10240x128xf32, #tpu.memory_space<vmem_shared>> -> memref<128x128xf32, #tpu.memory_space<vmem_shared>>
      tpu.enqueue_dma source(%dma_start3A_147 : memref<128x128xf32, #tpu.memory_space<vmem_shared>>) target(%arg7 : memref<128x128xf32, #tpu.memory_space<vmem>>) target_semaphore(%run_scoped3A : memref<!tpu.dma_semaphore, #tpu.memory_space<semaphore_mem>>)
      %dma_wait3A_148 = arith.constant 0 : i32
      %dma_wait3A_149 = tpu.memref_slice %arg9[%add3A_131, %dma_wait3A_148] : memref<10240x128xf32, #tpu.memory_space<vmem_shared>> -> memref<128x128xf32, #tpu.memory_space<vmem_shared>>
      %dma_wait3A_150 = arith.constant 0 : i32
      %dma_wait3A_151 = tpu.memref_slice %arg9[%add3A_131, %dma_wait3A_150] : memref<10240x128xf32, #tpu.memory_space<vmem_shared>> -> memref<128x128xf32, #tpu.memory_space<vmem_shared>>
      tpu.wait_dma2 semaphore(%run_scoped3A : memref<!tpu.dma_semaphore, #tpu.memory_space<semaphore_mem>>) src(%dma_wait3A_151 : memref<128x128xf32, #tpu.memory_space<vmem_shared>>) dst(%arg7 : memref<128x128xf32, #tpu.memory_space<vmem>>)
      tpu.yield
    }) : () -> ()
    "tpu.region"() ({
      %run_scoped3A = tpu.sem_alloc : memref<!tpu.dma_semaphore, #tpu.memory_space<semaphore_mem>>
      %dma_start3A_144 = arith.constant 0 : i32
      %dma_start3A_145 = tpu.memref_slice %arg5[%arg0, %add3A_131, %dma_start3A_144] : memref<2x10240x128xf32, #tpu.memory_space<hbm>> -> memref<1x128x128xf32, #tpu.memory_space<hbm>>
      %dma_start3A_146 = tpu.memref_squeeze %dma_start3A_145 : memref<1x128x128xf32, #tpu.memory_space<hbm>> -> memref<128x128xf32, #tpu.memory_space<hbm>>
      %dma_start3A_147 = arith.constant 0 : i32
      %dma_start3A_148 = tpu.memref_slice %arg5[%arg0, %add3A_131, %dma_start3A_147] : memref<2x10240x128xf32, #tpu.memory_space<hbm>> -> memref<1x128x128xf32, #tpu.memory_space<hbm>>
      %dma_start3A_149 = tpu.memref_squeeze %dma_start3A_148 : memref<1x128x128xf32, #tpu.memory_space<hbm>> -> memref<128x128xf32, #tpu.memory_space<hbm>>
      tpu.enqueue_dma source(%arg7 : memref<128x128xf32, #tpu.memory_space<vmem>>) target(%dma_start3A_149 : memref<128x128xf32, #tpu.memory_space<hbm>>) target_semaphore(%run_scoped3A : memref<!tpu.dma_semaphore, #tpu.memory_space<semaphore_mem>>)
      %dma_wait3A_150 = arith.constant 0 : i32
      %dma_wait3A_151 = tpu.memref_slice %arg5[%arg0, %add3A_131, %dma_wait3A_150] : memref<2x10240x128xf32, #tpu.memory_space<hbm>> -> memref<1x128x128xf32, #tpu.memory_space<hbm>>
      %dma_wait3A_152 = tpu.memref_squeeze %dma_wait3A_151 : memref<1x128x128xf32, #tpu.memory_space<hbm>> -> memref<128x128xf32, #tpu.memory_space<hbm>>
      %dma_wait3A_153 = arith.constant 0 : i32
      %dma_wait3A_154 = tpu.memref_slice %arg5[%arg0, %add3A_131, %dma_wait3A_153] : memref<2x10240x128xf32, #tpu.memory_space<hbm>> -> memref<1x128x128xf32, #tpu.memory_space<hbm>>
      %dma_wait3A_155 = tpu.memref_squeeze %dma_wait3A_154 : memref<1x128x128xf32, #tpu.memory_space<hbm>> -> memref<128x128xf32, #tpu.memory_space<hbm>>
      tpu.wait_dma2 semaphore(%run_scoped3A : memref<!tpu.dma_semaphore, #tpu.memory_space<semaphore_mem>>) src(%arg7 : memref<128x128xf32, #tpu.memory_space<vmem>>) dst(%dma_wait3A_155 : memref<128x128xf32, #tpu.memory_space<hbm>>)
      tpu.yield
    }) : () -> ()
    %mul3A_132 = arith.constant 640 : i32
    %mul3A_133 = arith.muli %arg1, %mul3A_132 : i32
    %add3A_134 = arith.constant 256 : i32
    %add3A_135 = arith.addi %mul3A_133, %add3A_134 : i32
    "tpu.region"() ({
      %run_scoped3A = tpu.sem_alloc : memref<!tpu.dma_semaphore, #tpu.memory_space<semaphore_mem>>
      %dma_start3A_144 = arith.constant 0 : i32
      %dma_start3A_145 = tpu.memref_slice %arg9[%add3A_135, %dma_start3A_144] : memref<10240x128xf32, #tpu.memory_space<vmem_shared>> -> memref<128x128xf32, #tpu.memory_space<vmem_shared>>
      %dma_start3A_146 = arith.constant 0 : i32
      %dma_start3A_147 = tpu.memref_slice %arg9[%add3A_135, %dma_start3A_146] : memref<10240x128xf32, #tpu.memory_space<vmem_shared>> -> memref<128x128xf32, #tpu.memory_space<vmem_shared>>
      tpu.enqueue_dma source(%dma_start3A_147 : memref<128x128xf32, #tpu.memory_space<vmem_shared>>) target(%arg7 : memref<128x128xf32, #tpu.memory_space<vmem>>) target_semaphore(%run_scoped3A : memref<!tpu.dma_semaphore, #tpu.memory_space<semaphore_mem>>)
      %dma_wait3A_148 = arith.constant 0 : i32
      %dma_wait3A_149 = tpu.memref_slice %arg9[%add3A_135, %dma_wait3A_148] : memref<10240x128xf32, #tpu.memory_space<vmem_shared>> -> memref<128x128xf32, #tpu.memory_space<vmem_shared>>
      %dma_wait3A_150 = arith.constant 0 : i32
      %dma_wait3A_151 = tpu.memref_slice %arg9[%add3A_135, %dma_wait3A_150] : memref<10240x128xf32, #tpu.memory_space<vmem_shared>> -> memref<128x128xf32, #tpu.memory_space<vmem_shared>>
      tpu.wait_dma2 semaphore(%run_scoped3A : memref<!tpu.dma_semaphore, #tpu.memory_space<semaphore_mem>>) src(%dma_wait3A_151 : memref<128x128xf32, #tpu.memory_space<vmem_shared>>) dst(%arg7 : memref<128x128xf32, #tpu.memory_space<vmem>>)
      tpu.yield
    }) : () -> ()
    "tpu.region"() ({
      %run_scoped3A = tpu.sem_alloc : memref<!tpu.dma_semaphore, #tpu.memory_space<semaphore_mem>>
      %dma_start3A_144 = arith.constant 0 : i32
      %dma_start3A_145 = tpu.memref_slice %arg5[%arg0, %add3A_135, %dma_start3A_144] : memref<2x10240x128xf32, #tpu.memory_space<hbm>> -> memref<1x128x128xf32, #tpu.memory_space<hbm>>
      %dma_start3A_146 = tpu.memref_squeeze %dma_start3A_145 : memref<1x128x128xf32, #tpu.memory_space<hbm>> -> memref<128x128xf32, #tpu.memory_space<hbm>>
      %dma_start3A_147 = arith.constant 0 : i32
      %dma_start3A_148 = tpu.memref_slice %arg5[%arg0, %add3A_135, %dma_start3A_147] : memref<2x10240x128xf32, #tpu.memory_space<hbm>> -> memref<1x128x128xf32, #tpu.memory_space<hbm>>
      %dma_start3A_149 = tpu.memref_squeeze %dma_start3A_148 : memref<1x128x128xf32, #tpu.memory_space<hbm>> -> memref<128x128xf32, #tpu.memory_space<hbm>>
      tpu.enqueue_dma source(%arg7 : memref<128x128xf32, #tpu.memory_space<vmem>>) target(%dma_start3A_149 : memref<128x128xf32, #tpu.memory_space<hbm>>) target_semaphore(%run_scoped3A : memref<!tpu.dma_semaphore, #tpu.memory_space<semaphore_mem>>)
      %dma_wait3A_150 = arith.constant 0 : i32
      %dma_wait3A_151 = tpu.memref_slice %arg5[%arg0, %add3A_135, %dma_wait3A_150] : memref<2x10240x128xf32, #tpu.memory_space<hbm>> -> memref<1x128x128xf32, #tpu.memory_space<hbm>>
      %dma_wait3A_152 = tpu.memref_squeeze %dma_wait3A_151 : memref<1x128x128xf32, #tpu.memory_space<hbm>> -> memref<128x128xf32, #tpu.memory_space<hbm>>
      %dma_wait3A_153 = arith.constant 0 : i32
      %dma_wait3A_154 = tpu.memref_slice %arg5[%arg0, %add3A_135, %dma_wait3A_153] : memref<2x10240x128xf32, #tpu.memory_space<hbm>> -> memref<1x128x128xf32, #tpu.memory_space<hbm>>
      %dma_wait3A_155 = tpu.memref_squeeze %dma_wait3A_154 : memref<1x128x128xf32, #tpu.memory_space<hbm>> -> memref<128x128xf32, #tpu.memory_space<hbm>>
      tpu.wait_dma2 semaphore(%run_scoped3A : memref<!tpu.dma_semaphore, #tpu.memory_space<semaphore_mem>>) src(%arg7 : memref<128x128xf32, #tpu.memory_space<vmem>>) dst(%dma_wait3A_155 : memref<128x128xf32, #tpu.memory_space<hbm>>)
      tpu.yield
    }) : () -> ()
    %mul3A_136 = arith.constant 640 : i32
    %mul3A_137 = arith.muli %arg1, %mul3A_136 : i32
    %add3A_138 = arith.constant 384 : i32
    %add3A_139 = arith.addi %mul3A_137, %add3A_138 : i32
    "tpu.region"() ({
      %run_scoped3A = tpu.sem_alloc : memref<!tpu.dma_semaphore, #tpu.memory_space<semaphore_mem>>
      %dma_start3A_144 = arith.constant 0 : i32
      %dma_start3A_145 = tpu.memref_slice %arg9[%add3A_139, %dma_start3A_144] : memref<10240x128xf32, #tpu.memory_space<vmem_shared>> -> memref<128x128xf32, #tpu.memory_space<vmem_shared>>
      %dma_start3A_146 = arith.constant 0 : i32
      %dma_start3A_147 = tpu.memref_slice %arg9[%add3A_139, %dma_start3A_146] : memref<10240x128xf32, #tpu.memory_space<vmem_shared>> -> memref<128x128xf32, #tpu.memory_space<vmem_shared>>
      tpu.enqueue_dma source(%dma_start3A_147 : memref<128x128xf32, #tpu.memory_space<vmem_shared>>) target(%arg7 : memref<128x128xf32, #tpu.memory_space<vmem>>) target_semaphore(%run_scoped3A : memref<!tpu.dma_semaphore, #tpu.memory_space<semaphore_mem>>)
      %dma_wait3A_148 = arith.constant 0 : i32
      %dma_wait3A_149 = tpu.memref_slice %arg9[%add3A_139, %dma_wait3A_148] : memref<10240x128xf32, #tpu.memory_space<vmem_shared>> -> memref<128x128xf32, #tpu.memory_space<vmem_shared>>
      %dma_wait3A_150 = arith.constant 0 : i32
      %dma_wait3A_151 = tpu.memref_slice %arg9[%add3A_139, %dma_wait3A_150] : memref<10240x128xf32, #tpu.memory_space<vmem_shared>> -> memref<128x128xf32, #tpu.memory_space<vmem_shared>>
      tpu.wait_dma2 semaphore(%run_scoped3A : memref<!tpu.dma_semaphore, #tpu.memory_space<semaphore_mem>>) src(%dma_wait3A_151 : memref<128x128xf32, #tpu.memory_space<vmem_shared>>) dst(%arg7 : memref<128x128xf32, #tpu.memory_space<vmem>>)
      tpu.yield
    }) : () -> ()
    "tpu.region"() ({
      %run_scoped3A = tpu.sem_alloc : memref<!tpu.dma_semaphore, #tpu.memory_space<semaphore_mem>>
      %dma_start3A_144 = arith.constant 0 : i32
      %dma_start3A_145 = tpu.memref_slice %arg5[%arg0, %add3A_139, %dma_start3A_144] : memref<2x10240x128xf32, #tpu.memory_space<hbm>> -> memref<1x128x128xf32, #tpu.memory_space<hbm>>
      %dma_start3A_146 = tpu.memref_squeeze %dma_start3A_145 : memref<1x128x128xf32, #tpu.memory_space<hbm>> -> memref<128x128xf32, #tpu.memory_space<hbm>>
      %dma_start3A_147 = arith.constant 0 : i32
      %dma_start3A_148 = tpu.memref_slice %arg5[%arg0, %add3A_139, %dma_start3A_147] : memref<2x10240x128xf32, #tpu.memory_space<hbm>> -> memref<1x128x128xf32, #tpu.memory_space<hbm>>
      %dma_start3A_149 = tpu.memref_squeeze %dma_start3A_148 : memref<1x128x128xf32, #tpu.memory_space<hbm>> -> memref<128x128xf32, #tpu.memory_space<hbm>>
      tpu.enqueue_dma source(%arg7 : memref<128x128xf32, #tpu.memory_space<vmem>>) target(%dma_start3A_149 : memref<128x128xf32, #tpu.memory_space<hbm>>) target_semaphore(%run_scoped3A : memref<!tpu.dma_semaphore, #tpu.memory_space<semaphore_mem>>)
      %dma_wait3A_150 = arith.constant 0 : i32
      %dma_wait3A_151 = tpu.memref_slice %arg5[%arg0, %add3A_139, %dma_wait3A_150] : memref<2x10240x128xf32, #tpu.memory_space<hbm>> -> memref<1x128x128xf32, #tpu.memory_space<hbm>>
      %dma_wait3A_152 = tpu.memref_squeeze %dma_wait3A_151 : memref<1x128x128xf32, #tpu.memory_space<hbm>> -> memref<128x128xf32, #tpu.memory_space<hbm>>
      %dma_wait3A_153 = arith.constant 0 : i32
      %dma_wait3A_154 = tpu.memref_slice %arg5[%arg0, %add3A_139, %dma_wait3A_153] : memref<2x10240x128xf32, #tpu.memory_space<hbm>> -> memref<1x128x128xf32, #tpu.memory_space<hbm>>
      %dma_wait3A_155 = tpu.memref_squeeze %dma_wait3A_154 : memref<1x128x128xf32, #tpu.memory_space<hbm>> -> memref<128x128xf32, #tpu.memory_space<hbm>>
      tpu.wait_dma2 semaphore(%run_scoped3A : memref<!tpu.dma_semaphore, #tpu.memory_space<semaphore_mem>>) src(%arg7 : memref<128x128xf32, #tpu.memory_space<vmem>>) dst(%dma_wait3A_155 : memref<128x128xf32, #tpu.memory_space<hbm>>)
      tpu.yield
    }) : () -> ()
    %mul3A_140 = arith.constant 640 : i32
    %mul3A_141 = arith.muli %arg1, %mul3A_140 : i32
    %add3A_142 = arith.constant 512 : i32
    %add3A_143 = arith.addi %mul3A_141, %add3A_142 : i32
    "tpu.region"() ({
      %run_scoped3A = tpu.sem_alloc : memref<!tpu.dma_semaphore, #tpu.memory_space<semaphore_mem>>
      %dma_start3A_144 = arith.constant 0 : i32
      %dma_start3A_145 = tpu.memref_slice %arg9[%add3A_143, %dma_start3A_144] : memref<10240x128xf32, #tpu.memory_space<vmem_shared>> -> memref<128x128xf32, #tpu.memory_space<vmem_shared>>
      %dma_start3A_146 = arith.constant 0 : i32
      %dma_start3A_147 = tpu.memref_slice %arg9[%add3A_143, %dma_start3A_146] : memref<10240x128xf32, #tpu.memory_space<vmem_shared>> -> memref<128x128xf32, #tpu.memory_space<vmem_shared>>
      tpu.enqueue_dma source(%dma_start3A_147 : memref<128x128xf32, #tpu.memory_space<vmem_shared>>) target(%arg7 : memref<128x128xf32, #tpu.memory_space<vmem>>) target_semaphore(%run_scoped3A : memref<!tpu.dma_semaphore, #tpu.memory_space<semaphore_mem>>)
      %dma_wait3A_148 = arith.constant 0 : i32
      %dma_wait3A_149 = tpu.memref_slice %arg9[%add3A_143, %dma_wait3A_148] : memref<10240x128xf32, #tpu.memory_space<vmem_shared>> -> memref<128x128xf32, #tpu.memory_space<vmem_shared>>
      %dma_wait3A_150 = arith.constant 0 : i32
      %dma_wait3A_151 = tpu.memref_slice %arg9[%add3A_143, %dma_wait3A_150] : memref<10240x128xf32, #tpu.memory_space<vmem_shared>> -> memref<128x128xf32, #tpu.memory_space<vmem_shared>>
      tpu.wait_dma2 semaphore(%run_scoped3A : memref<!tpu.dma_semaphore, #tpu.memory_space<semaphore_mem>>) src(%dma_wait3A_151 : memref<128x128xf32, #tpu.memory_space<vmem_shared>>) dst(%arg7 : memref<128x128xf32, #tpu.memory_space<vmem>>)
      tpu.yield
    }) : () -> ()
    "tpu.region"() ({
      %run_scoped3A = tpu.sem_alloc : memref<!tpu.dma_semaphore, #tpu.memory_space<semaphore_mem>>
      %dma_start3A_144 = arith.constant 0 : i32
      %dma_start3A_145 = tpu.memref_slice %arg5[%arg0, %add3A_143, %dma_start3A_144] : memref<2x10240x128xf32, #tpu.memory_space<hbm>> -> memref<1x128x128xf32, #tpu.memory_space<hbm>>
      %dma_start3A_146 = tpu.memref_squeeze %dma_start3A_145 : memref<1x128x128xf32, #tpu.memory_space<hbm>> -> memref<128x128xf32, #tpu.memory_space<hbm>>
      %dma_start3A_147 = arith.constant 0 : i32
      %dma_start3A_148 = tpu.memref_slice %arg5[%arg0, %add3A_143, %dma_start3A_147] : memref<2x10240x128xf32, #tpu.memory_space<hbm>> -> memref<1x128x128xf32, #tpu.memory_space<hbm>>
      %dma_start3A_149 = tpu.memref_squeeze %dma_start3A_148 : memref<1x128x128xf32, #tpu.memory_space<hbm>> -> memref<128x128xf32, #tpu.memory_space<hbm>>
      tpu.enqueue_dma source(%arg7 : memref<128x128xf32, #tpu.memory_space<vmem>>) target(%dma_start3A_149 : memref<128x128xf32, #tpu.memory_space<hbm>>) target_semaphore(%run_scoped3A : memref<!tpu.dma_semaphore, #tpu.memory_space<semaphore_mem>>)
      %dma_wait3A_150 = arith.constant 0 : i32
      %dma_wait3A_151 = tpu.memref_slice %arg5[%arg0, %add3A_143, %dma_wait3A_150] : memref<2x10240x128xf32, #tpu.memory_space<hbm>> -> memref<1x128x128xf32, #tpu.memory_space<hbm>>
      %dma_wait3A_152 = tpu.memref_squeeze %dma_wait3A_151 : memref<1x128x128xf32, #tpu.memory_space<hbm>> -> memref<128x128xf32, #tpu.memory_space<hbm>>
      %dma_wait3A_153 = arith.constant 0 : i32
      %dma_wait3A_154 = tpu.memref_slice %arg5[%arg0, %add3A_143, %dma_wait3A_153] : memref<2x10240x128xf32, #tpu.memory_space<hbm>> -> memref<1x128x128xf32, #tpu.memory_space<hbm>>
      %dma_wait3A_155 = tpu.memref_squeeze %dma_wait3A_154 : memref<1x128x128xf32, #tpu.memory_space<hbm>> -> memref<128x128xf32, #tpu.memory_space<hbm>>
      tpu.wait_dma2 semaphore(%run_scoped3A : memref<!tpu.dma_semaphore, #tpu.memory_space<semaphore_mem>>) src(%arg7 : memref<128x128xf32, #tpu.memory_space<vmem>>) dst(%dma_wait3A_155 : memref<128x128xf32, #tpu.memory_space<hbm>>)
      tpu.yield
    }) : () -> ()
    return
  }
}

module attributes {stable_mosaic.version = 14 : i64} {
  func.func @_tc_pro_body(%arg0: i32, %arg1: memref<2048x128xf32, #tpu.memory_space<vmem>>, %arg2: memref<128x128xf32, #tpu.memory_space<vmem>>, %arg3: memref<2048x128xf32, #tpu.memory_space<vmem>>, %arg4: memref<2048x128xf32, #tpu.memory_space<vmem>>, %arg5: memref<2048x128xf32, #tpu.memory_space<vmem>>, %arg6: memref<2048x1xf32, #tpu.memory_space<vmem>>) attributes {dimension_semantics = [#tpu.dimension_semantics<arbitrary>], iteration_bounds = array<i64: 5>, scalar_prefetch = 0 : i64, scratch_operands = 0 : i64, tpu.core_type = #tpu.core_type<tc>, window_params = [{transform_indices = @transform_0, window_bounds = array<i64: 2048, 128>}, {pipeline_mode = #tpu.pipeline_mode<synchronous>, transform_indices = @transform_1, window_bounds = array<i64: 128, 128>}, {transform_indices = @transform_2, window_bounds = array<i64: 2048, 128>}, {transform_indices = @transform_3, window_bounds = array<i64: 2048, 128>}, {transform_indices = @transform_4, window_bounds = array<i64: 2048, 128>}, {transform_indices = @transform_5, window_bounds = array<i64: 2048, 1>}]} {
    %mul3A = arith.constant 2048 : i32
    %mul3A_0 = arith.muli %arg0, %mul3A : i32
    %iota3A = tpu.iota {dimensions = array<i32: 0>} : vector<2048x1xi32>
    %add3A = vector.broadcast %mul3A_0 : i32 to vector<2048x1xi32>
    %add3A_1 = arith.addi %add3A, %iota3A : vector<2048x1xi32>
    %get3A = arith.constant 0 : index
    %get3A_2 = arith.constant 0 : index
    %get3A_3 = vector.load %arg3[%get3A, %get3A_2] : memref<2048x128xf32, #tpu.memory_space<vmem>>, vector<2048x1xf32>
    %get3A_4 = arith.constant 0 : index
    %get3A_5 = arith.constant 0 : index
    %get3A_6 = vector.load %arg4[%get3A_4, %get3A_5] : memref<2048x128xf32, #tpu.memory_space<vmem>>, vector<2048x1xf32>
    %add3A_7 = arith.addf %get3A_3, %get3A_6 : vector<2048x1xf32>
    %add3A_8 = arith.constant 1.000000e+00 : f32
    %add3A_9 = vector.broadcast %add3A_8 : f32 to vector<2048x1xf32>
    %add3A_10 = arith.addf %add3A_7, %add3A_9 : vector<2048x1xf32>
    %lt3A = arith.constant 10000 : i32
    %lt3A_11 = vector.broadcast %lt3A : i32 to vector<2048x1xi32>
    %lt3A_12 = arith.cmpi slt, %add3A_1, %lt3A_11 : vector<2048x1xi32>
    %rsqrt3A = math.rsqrt %add3A_10 : vector<2048x1xf32>
    %jit3A = arith.constant 0.000000e+00 : f32
    %broadcast_in_dim3A = vector.broadcast %jit3A : f32 to vector<2048x1xf32>
    %select_n3A = arith.select %lt3A_12, %rsqrt3A, %broadcast_in_dim3A : vector<2048x1xi1>, vector<2048x1xf32>
    %get3A_13 = arith.constant 0 : index
    %get3A_14 = arith.constant 0 : index
    %get3A_15 = vector.load %arg1[%get3A_13, %get3A_14] : memref<2048x128xf32, #tpu.memory_space<vmem>>, vector<2048x128xf32>
    %get3A_16 = arith.constant 0 : index
    %get3A_17 = arith.constant 0 : index
    %get3A_18 = vector.load %arg2[%get3A_16, %get3A_17] : memref<128x128xf32, #tpu.memory_space<vmem>>, vector<128x128xf32>
    %dot_general3A = arith.constant dense<0.000000e+00> : vector<2048x128xf32>
    %dot_general3A_19 = tpu.matmul %get3A_15, %get3A_18, %dot_general3A {dimension_numbers = #tpu.dot_dimension_numbers<[1], [0], [0], [1], [0, 0, 1, 1], [], []>, precision = #tpu.contract_precision<fp32>, transpose_lhs_hint = false} : vector<2048x128xf32>, vector<128x128xf32>, vector<2048x128xf32> -> vector<2048x128xf32>
    %mul3A_20 = vector.broadcast %select_n3A : vector<2048x1xf32> to vector<2048x128xf32>
    %mul3A_21 = arith.mulf %dot_general3A_19, %mul3A_20 : vector<2048x128xf32>
    %swap3A = arith.constant 0 : index
    %swap3A_22 = arith.constant 0 : index
    %swap3A_23 = vector.load %arg5[%swap3A, %swap3A_22] : memref<2048x128xf32, #tpu.memory_space<vmem>>, vector<2048x128xf32>
    tpu.vector_store %arg5[%swap3A, %swap3A_22], %mul3A_21 {strides = array<i32>} : memref<2048x128xf32, #tpu.memory_space<vmem>>, vector<2048x128xf32>,
    %swap3A_24 = arith.constant 0 : index
    %swap3A_25 = arith.constant 0 : index
    %swap3A_26 = vector.load %arg6[%swap3A_24, %swap3A_25] : memref<2048x1xf32, #tpu.memory_space<vmem>>, vector<2048x1xf32>
    tpu.vector_store %arg6[%swap3A_24, %swap3A_25], %select_n3A {strides = array<i32>} : memref<2048x1xf32, #tpu.memory_space<vmem>>, vector<2048x1xf32>,
    return
  }
  func.func @transform_0(%arg0: i32) -> (i32, i32) {
    %c0_i32 = arith.constant 0 : i32
    %c0_i32_0 = arith.constant 0 : i32
    return %arg0, %c0_i32 : i32, i32
  }
  func.func @transform_1(%arg0: i32) -> (i32, i32) {
    %c0_i32 = arith.constant 0 : i32
    %c0_i32_0 = arith.constant 0 : i32
    %c0_i32_1 = arith.constant 0 : i32
    return %c0_i32, %c0_i32_0 : i32, i32
  }
  func.func @transform_2(%arg0: i32) -> (i32, i32) {
    %c0_i32 = arith.constant 0 : i32
    %c0_i32_0 = arith.constant 0 : i32
    return %arg0, %c0_i32 : i32, i32
  }
  func.func @transform_3(%arg0: i32) -> (i32, i32) {
    %c0_i32 = arith.constant 0 : i32
    %c0_i32_0 = arith.constant 0 : i32
    return %arg0, %c0_i32 : i32, i32
  }
  func.func @transform_4(%arg0: i32) -> (i32, i32) {
    %c0_i32 = arith.constant 0 : i32
    %c0_i32_0 = arith.constant 0 : i32
    return %arg0, %c0_i32 : i32, i32
  }
  func.func @transform_5(%arg0: i32) -> (i32, i32) {
    %c0_i32 = arith.constant 0 : i32
    %c0_i32_0 = arith.constant 0 : i32
    return %arg0, %c0_i32 : i32, i32
  }
}

module attributes {stable_mosaic.version = 14 : i64} {
  func.func @_tc_mid_body(%arg0: i32, %arg1: memref<2048x128xf32, #tpu.memory_space<vmem>>, %arg2: memref<2048x128xf32, #tpu.memory_space<vmem>>, %arg3: memref<2048x128xf32, #tpu.memory_space<vmem>>, %arg4: memref<2048x1xf32, #tpu.memory_space<vmem>>, %arg5: memref<1x128xf32, #tpu.memory_space<vmem>>, %arg6: memref<128x128xf32, #tpu.memory_space<vmem>>, %arg7: memref<2048x128xf32, #tpu.memory_space<vmem>>) attributes {dimension_semantics = [#tpu.dimension_semantics<arbitrary>], iteration_bounds = array<i64: 5>, scalar_prefetch = 0 : i64, scratch_operands = 0 : i64, tpu.core_type = #tpu.core_type<tc>, window_params = [{transform_indices = @transform_0, window_bounds = array<i64: 2048, 128>}, {transform_indices = @transform_1, window_bounds = array<i64: 2048, 128>}, {transform_indices = @transform_2, window_bounds = array<i64: 2048, 128>}, {transform_indices = @transform_3, window_bounds = array<i64: 2048, 1>}, {pipeline_mode = #tpu.pipeline_mode<synchronous>, transform_indices = @transform_4, window_bounds = array<i64: 1, 128>}, {pipeline_mode = #tpu.pipeline_mode<synchronous>, transform_indices = @transform_5, window_bounds = array<i64: 128, 128>}, {transform_indices = @transform_6, window_bounds = array<i64: 2048, 128>}]} {
    %get3A = arith.constant 0 : index
    %get3A_0 = arith.constant 0 : index
    %get3A_1 = vector.load %arg4[%get3A, %get3A_0] : memref<2048x1xf32, #tpu.memory_space<vmem>>, vector<2048x1xf32>
    %get3A_2 = arith.constant 0 : index
    %get3A_3 = arith.constant 0 : index
    %get3A_4 = vector.load %arg1[%get3A_2, %get3A_3] : memref<2048x128xf32, #tpu.memory_space<vmem>>, vector<2048x128xf32>
    %get3A_5 = arith.constant 0 : index
    %get3A_6 = arith.constant 0 : index
    %get3A_7 = vector.load %arg2[%get3A_5, %get3A_6] : memref<2048x128xf32, #tpu.memory_space<vmem>>, vector<2048x128xf32>
    %add3A = arith.addf %get3A_4, %get3A_7 : vector<2048x128xf32>
    %get3A_8 = arith.constant 0 : index
    %get3A_9 = arith.constant 0 : index
    %get3A_10 = vector.load %arg3[%get3A_8, %get3A_9] : memref<2048x128xf32, #tpu.memory_space<vmem>>, vector<2048x128xf32>
    %add3A_11 = arith.addf %add3A, %get3A_10 : vector<2048x128xf32>
    %mul3A = vector.broadcast %get3A_1 : vector<2048x1xf32> to vector<2048x128xf32>
    %mul3A_12 = arith.mulf %add3A_11, %mul3A : vector<2048x128xf32>
    %get3A_13 = arith.constant 0 : index
    %get3A_14 = arith.constant 0 : index
    %get3A_15 = vector.load %arg5[%get3A_13, %get3A_14] : memref<1x128xf32, #tpu.memory_space<vmem>>, vector<1x128xf32>
    %add3A_16 = vector.broadcast %get3A_15 : vector<1x128xf32> to vector<2048x128xf32>
    %add3A_17 = arith.addf %mul3A_12, %add3A_16 : vector<2048x128xf32>
    %max3A = arith.constant 0.000000e+00 : f32
    %max3A_18 = vector.broadcast %max3A : f32 to vector<2048x128xf32>
    %max3A_19 = arith.maximumf %add3A_17, %max3A_18 : vector<2048x128xf32>
    %get3A_20 = arith.constant 0 : index
    %get3A_21 = arith.constant 0 : index
    %get3A_22 = vector.load %arg6[%get3A_20, %get3A_21] : memref<128x128xf32, #tpu.memory_space<vmem>>, vector<128x128xf32>
    %dot_general3A = arith.constant dense<0.000000e+00> : vector<2048x128xf32>
    %dot_general3A_23 = tpu.matmul %max3A_19, %get3A_22, %dot_general3A {dimension_numbers = #tpu.dot_dimension_numbers<[1], [0], [0], [1], [0, 0, 1, 1], [], []>, precision = #tpu.contract_precision<fp32>, transpose_lhs_hint = false} : vector<2048x128xf32>, vector<128x128xf32>, vector<2048x128xf32> -> vector<2048x128xf32>
    %mul3A_24 = vector.broadcast %get3A_1 : vector<2048x1xf32> to vector<2048x128xf32>
    %mul3A_25 = arith.mulf %dot_general3A_23, %mul3A_24 : vector<2048x128xf32>
    %swap3A = arith.constant 0 : index
    %swap3A_26 = arith.constant 0 : index
    %swap3A_27 = vector.load %arg7[%swap3A, %swap3A_26] : memref<2048x128xf32, #tpu.memory_space<vmem>>, vector<2048x128xf32>
    tpu.vector_store %arg7[%swap3A, %swap3A_26], %mul3A_25 {strides = array<i32>} : memref<2048x128xf32, #tpu.memory_space<vmem>>, vector<2048x128xf32>,
    return
  }
  func.func @transform_0(%arg0: i32) -> (i32, i32) {
    %c0_i32 = arith.constant 0 : i32
    %c0_i32_0 = arith.constant 0 : i32
    return %arg0, %c0_i32 : i32, i32
  }
  func.func @transform_1(%arg0: i32) -> (i32, i32) {
    %c0_i32 = arith.constant 0 : i32
    %c0_i32_0 = arith.constant 0 : i32
    return %arg0, %c0_i32 : i32, i32
  }
  func.func @transform_2(%arg0: i32) -> (i32, i32) {
    %c0_i32 = arith.constant 0 : i32
    %c0_i32_0 = arith.constant 0 : i32
    return %arg0, %c0_i32 : i32, i32
  }
  func.func @transform_3(%arg0: i32) -> (i32, i32) {
    %c0_i32 = arith.constant 0 : i32
    %c0_i32_0 = arith.constant 0 : i32
    return %arg0, %c0_i32 : i32, i32
  }
  func.func @transform_4(%arg0: i32) -> (i32, i32) {
    %c0_i32 = arith.constant 0 : i32
    %c0_i32_0 = arith.constant 0 : i32
    %c0_i32_1 = arith.constant 0 : i32
    return %c0_i32, %c0_i32_0 : i32, i32
  }
  func.func @transform_5(%arg0: i32) -> (i32, i32) {
    %c0_i32 = arith.constant 0 : i32
    %c0_i32_0 = arith.constant 0 : i32
    %c0_i32_1 = arith.constant 0 : i32
    return %c0_i32, %c0_i32_0 : i32, i32
  }
  func.func @transform_6(%arg0: i32) -> (i32, i32) {
    %c0_i32 = arith.constant 0 : i32
    %c0_i32_0 = arith.constant 0 : i32
    return %arg0, %c0_i32 : i32, i32
  }
}

module attributes {stable_mosaic.version = 14 : i64} {
  func.func @_tc_fin_body(%arg0: i32, %arg1: memref<2048x128xf32, #tpu.memory_space<vmem>>, %arg2: memref<2048x128xf32, #tpu.memory_space<vmem>>, %arg3: memref<2048x128xf32, #tpu.memory_space<vmem>>, %arg4: memref<2048x1xf32, #tpu.memory_space<vmem>>, %arg5: memref<1x128xf32, #tpu.memory_space<vmem>>, %arg6: memref<128x64xf32, #tpu.memory_space<vmem>>, %arg7: memref<1x64xf32, #tpu.memory_space<vmem>>, %arg8: memref<2048x64xf32, #tpu.memory_space<vmem>>) attributes {dimension_semantics = [#tpu.dimension_semantics<arbitrary>], iteration_bounds = array<i64: 5>, scalar_prefetch = 0 : i64, scratch_operands = 0 : i64, tpu.core_type = #tpu.core_type<tc>, window_params = [{transform_indices = @transform_0, window_bounds = array<i64: 2048, 128>}, {transform_indices = @transform_1, window_bounds = array<i64: 2048, 128>}, {transform_indices = @transform_2, window_bounds = array<i64: 2048, 128>}, {transform_indices = @transform_3, window_bounds = array<i64: 2048, 1>}, {pipeline_mode = #tpu.pipeline_mode<synchronous>, transform_indices = @transform_4, window_bounds = array<i64: 1, 128>}, {pipeline_mode = #tpu.pipeline_mode<synchronous>, transform_indices = @transform_5, window_bounds = array<i64: 128, 64>}, {pipeline_mode = #tpu.pipeline_mode<synchronous>, transform_indices = @transform_6, window_bounds = array<i64: 1, 64>}, {transform_indices = @transform_7, window_bounds = array<i64: 2048, 64>}]} {
    %get3A = arith.constant 0 : index
    %get3A_0 = arith.constant 0 : index
    %get3A_1 = vector.load %arg4[%get3A, %get3A_0] : memref<2048x1xf32, #tpu.memory_space<vmem>>, vector<2048x1xf32>
    %get3A_2 = arith.constant 0 : index
    %get3A_3 = arith.constant 0 : index
    %get3A_4 = vector.load %arg1[%get3A_2, %get3A_3] : memref<2048x128xf32, #tpu.memory_space<vmem>>, vector<2048x128xf32>
    %get3A_5 = arith.constant 0 : index
    %get3A_6 = arith.constant 0 : index
    %get3A_7 = vector.load %arg2[%get3A_5, %get3A_6] : memref<2048x128xf32, #tpu.memory_space<vmem>>, vector<2048x128xf32>
    %add3A = arith.addf %get3A_4, %get3A_7 : vector<2048x128xf32>
    %get3A_8 = arith.constant 0 : index
    %get3A_9 = arith.constant 0 : index
    %get3A_10 = vector.load %arg3[%get3A_8, %get3A_9] : memref<2048x128xf32, #tpu.memory_space<vmem>>, vector<2048x128xf32>
    %add3A_11 = arith.addf %add3A, %get3A_10 : vector<2048x128xf32>
    %mul3A = vector.broadcast %get3A_1 : vector<2048x1xf32> to vector<2048x128xf32>
    %mul3A_12 = arith.mulf %add3A_11, %mul3A : vector<2048x128xf32>
    %get3A_13 = arith.constant 0 : index
    %get3A_14 = arith.constant 0 : index
    %get3A_15 = vector.load %arg5[%get3A_13, %get3A_14] : memref<1x128xf32, #tpu.memory_space<vmem>>, vector<1x128xf32>
    %add3A_16 = vector.broadcast %get3A_15 : vector<1x128xf32> to vector<2048x128xf32>
    %add3A_17 = arith.addf %mul3A_12, %add3A_16 : vector<2048x128xf32>
    %max3A = arith.constant 0.000000e+00 : f32
    %max3A_18 = vector.broadcast %max3A : f32 to vector<2048x128xf32>
    %max3A_19 = arith.maximumf %add3A_17, %max3A_18 : vector<2048x128xf32>
    %get3A_20 = arith.constant 0 : index
    %get3A_21 = arith.constant 0 : index
    %get3A_22 = vector.load %arg6[%get3A_20, %get3A_21] : memref<128x64xf32, #tpu.memory_space<vmem>>, vector<128x64xf32>
    %dot_general3A = arith.constant dense<0.000000e+00> : vector<2048x64xf32>
    %dot_general3A_23 = tpu.matmul %max3A_19, %get3A_22, %dot_general3A {dimension_numbers = #tpu.dot_dimension_numbers<[1], [0], [0], [1], [0, 0, 1, 1], [], []>, precision = #tpu.contract_precision<fp32>, transpose_lhs_hint = false} : vector<2048x128xf32>, vector<128x64xf32>, vector<2048x64xf32> -> vector<2048x64xf32>
    %get3A_24 = arith.constant 0 : index
    %get3A_25 = arith.constant 0 : index
    %get3A_26 = vector.load %arg7[%get3A_24, %get3A_25] : memref<1x64xf32, #tpu.memory_space<vmem>>, vector<1x64xf32>
    %add3A_27 = vector.broadcast %get3A_26 : vector<1x64xf32> to vector<2048x64xf32>
    %add3A_28 = arith.addf %dot_general3A_23, %add3A_27 : vector<2048x64xf32>
    %reduce_max3A = arith.constant dense<0xFF800000> : vector<2048xf32>
    %reduce_max3A_29 = vector.multi_reduction <maximumf>, %add3A_28, %reduce_max3A [1] : vector<2048x64xf32> to vector<2048xf32>
    %broadcast_in_dim3A = vector.shape_cast %reduce_max3A_29 : vector<2048xf32> to vector<2048x1xf32>
    %sub3A = vector.broadcast %broadcast_in_dim3A : vector<2048x1xf32> to vector<2048x64xf32>
    %sub3A_30 = arith.subf %add3A_28, %sub3A : vector<2048x64xf32>
    %exp3A = math.exp %sub3A_30 : vector<2048x64xf32>
    %reduce_sum3A = arith.constant dense<0.000000e+00> : vector<2048xf32>
    %reduce_sum3A_31 = vector.multi_reduction <add>, %exp3A, %reduce_sum3A [1] : vector<2048x64xf32> to vector<2048xf32>
    %broadcast_in_dim3A_32 = vector.shape_cast %reduce_sum3A_31 : vector<2048xf32> to vector<2048x1xf32>
    %log3A = math.log %broadcast_in_dim3A_32 : vector<2048x1xf32>
    %add3A_33 = arith.addf %log3A, %broadcast_in_dim3A : vector<2048x1xf32>
    %sub3A_34 = vector.broadcast %add3A_33 : vector<2048x1xf32> to vector<2048x64xf32>
    %sub3A_35 = arith.subf %add3A_28, %sub3A_34 : vector<2048x64xf32>
    %swap3A = arith.constant 0 : index
    %swap3A_36 = arith.constant 0 : index
    %swap3A_37 = vector.load %arg8[%swap3A, %swap3A_36] : memref<2048x64xf32, #tpu.memory_space<vmem>>, vector<2048x64xf32>
    tpu.vector_store %arg8[%swap3A, %swap3A_36], %sub3A_35 {strides = array<i32>} : memref<2048x64xf32, #tpu.memory_space<vmem>>, vector<2048x64xf32>,
    return
  }
  func.func @transform_0(%arg0: i32) -> (i32, i32) {
    %c0_i32 = arith.constant 0 : i32
    %c0_i32_0 = arith.constant 0 : i32
    return %arg0, %c0_i32 : i32, i32
  }
  func.func @transform_1(%arg0: i32) -> (i32, i32) {
    %c0_i32 = arith.constant 0 : i32
    %c0_i32_0 = arith.constant 0 : i32
    return %arg0, %c0_i32 : i32, i32
  }
  func.func @transform_2(%arg0: i32) -> (i32, i32) {
    %c0_i32 = arith.constant 0 : i32
    %c0_i32_0 = arith.constant 0 : i32
    return %arg0, %c0_i32 : i32, i32
  }
  func.func @transform_3(%arg0: i32) -> (i32, i32) {
    %c0_i32 = arith.constant 0 : i32
    %c0_i32_0 = arith.constant 0 : i32
    return %arg0, %c0_i32 : i32, i32
  }
  func.func @transform_4(%arg0: i32) -> (i32, i32) {
    %c0_i32 = arith.constant 0 : i32
    %c0_i32_0 = arith.constant 0 : i32
    %c0_i32_1 = arith.constant 0 : i32
    return %c0_i32, %c0_i32_0 : i32, i32
  }
  func.func @transform_5(%arg0: i32) -> (i32, i32) {
    %c0_i32 = arith.constant 0 : i32
    %c0_i32_0 = arith.constant 0 : i32
    %c0_i32_1 = arith.constant 0 : i32
    return %c0_i32, %c0_i32_0 : i32, i32
  }
  func.func @transform_6(%arg0: i32) -> (i32, i32) {
    %c0_i32 = arith.constant 0 : i32
    %c0_i32_0 = arith.constant 0 : i32
    %c0_i32_1 = arith.constant 0 : i32
    return %c0_i32, %c0_i32_0 : i32, i32
  }
  func.func @transform_7(%arg0: i32) -> (i32, i32) {
    %c0_i32 = arith.constant 0 : i32
    %c0_i32_0 = arith.constant 0 : i32
    return %arg0, %c0_i32 : i32, i32
  }
}

</mosaic_0001>

<sc_bundles>
// kernel: kernel.11.cloned.1.call-start
scs
__scs_entry_jumppad:
0x0: {  	(pc) =	sbr.rel $0x88, $3  }
0x1: {  	(tag) =	ssettag $0x0;
	lr =	simm.s32 $0x1  }
0x2: {  	[smem:$0x3F99] =	sst lr;
	_ =	strace $0xD0000000  }
0x3: {  	_ = 	snop  }
0x4: {  	_ = 	snop  }
0x5: {  	_ = 	snop  }
0x6: {  	_ = 	snop  }
0x7: {  	_ = 	snop  }
__scs_overlays_trampoline_lowered:
0x8: {  	[smem:$0x3FA8] =	sst s0  }
0x9: {  	[smem:$0x3FA9] =	sst s1  }
0xa: {  	[smem:$0x3FAA] =	sst s2  }
0xb: {  	[smem:$0x3FAB] =	sst s3  }
0xc: {  	[smem:$0x3FAC] =	sst s4  }
0xd: {  	[smem:$0x3FAD] =	sst s5  }
0xe: {  	[smem:$0x3FAE] =	sst s6  }
0xf: {  	[smem:$0x3FAF] =	sst s7  }
0x10: {  	[smem:$0x3FB0] =	sst s8  }
0x11: {  	[smem:$0x3FB1] =	sst s9;
	s0 =	simm.s32 @!p0 $0x0  }
0x12: {  	s1 =	sld [smem:$0x3F97];
	s0 =	simm.s32 @p0 $0x1  }
0x13: {  	[smem:$0x3FB2] =	sst s0;
	s0 =	simm.s32 @!p1 $0x0  }
0x14: {  	s2 =	sld [smem:$0x3F96];
	s0 =	simm.s32 @p1 $0x1  }
0x15: {  	[smem:$0x3FB3] =	sst s0;
	s0 =	simm.s32 @!p2 $0x0  }
0x16: {  	s3 =	sld [smem:$0x3FDB];
	s0 =	simm.s32 @p2 $0x1  }
0x17: {  	s4 =	simm.s32 $0x1BF5;
	[smem:$0x3FB5] =	sst s0  }
0x18: {  	s0 =	sld [smem:$0x3F98];
	_ =	swait.ge [sflag:s4], $0x0  }
0x19: {  	s7 =	sld [smem:$0x3F99]  }
0x1a: {  	s8 =	sadd.s32 $0xFFFFE003, lr  }
0x1b: {  	s9 =	sadd.s32 $0xFFFFFEF7, lr;
	s5 =	simm.s32 $0xFFFFFFFF;
	p2 =	slt.u32 s8, $0xFFFFF086  }
0x1c: {  	p1 =	slt.u32 s9, $0xF7A;
	s5 =	simm.s32 @!p2 $0x0  }
0x1d: {  	s5 =	simm.s32 @p1 $0x1;
	p0 =	seq.s32 s7, s2  }
0x1e: {  	s7 =	smul.u32 @!p0 $0xF7A, s2;
	p2 =	seq.s32 @!p0 s5, $0x0  }
0x1f: {  	s9 =	smul.u32 $0xF7A, s1;
	s8 =	simm.s32 @!p0 $0x1BF5;
	p2 =	por !p2, p0  }
0x20: {  	[sflag:s8] =	ssyncset.s32 @!p0 $0xFFFFF086;
	s6 =	sadd.s32 @!p0 s3, s7;
	s7 =	simm.s32 @!p0 $0x108  }
0x21: {  	s3 =	sadd.s32 s3, s9;
	s6 =	sadd.s32 @!p0 $0x88, s6;
	s7 =	simm.s32 @p2 $0x1082  }
0x22: {  	[simem:s7], [sflag:s8] =	dma.local @!p0 [hbm:s6], $0xF7A  }
0x23: {  	s9 =	sor.u32 $0xD0000000, s2;
	s6 =	simm.s32 $0x108;
	_ =	swait.ge @!p0 [sflag:s8], $0x0  }
0x24: {  	s3 =	sadd.s32 $0x88, s3;
	s6 =	simm.s32 @!p1 $0x1082;
	[sflag:s4] =	ssyncset.s32 $0xFFFFF086  }
0x25: {  	[simem:s6], [sflag:s4] =	dma.local [hbm:s3], $0xF7A  }
0x26: {  	[smem:$0x3F99] =	sst s1;
	(tag) =	ssettag s2;
	_ =	strace s9  }
0x27: {  	s1 =	sld [smem:$0x3FA9]  }
0x28: {  	s2 =	sld [smem:$0x3FAA]  }
0x29: {  	s4 =	sld [smem:$0x3FAC]  }
0x2a: {  	p0 =	seq.s32 s5, $0x0;
	s5 =	sld [smem:$0x3FAD]  }
0x2b: {  	s6 =	sld [smem:$0x3FAE]  }
0x2c: {  	s7 =	sld [smem:$0x3FAF]  }
0x2d: {  	s3 =	simm.s32 $0x108;
	s8 =	sld [smem:$0x3FB0]  }
0x2e: {  	s3 =	simm.s32 @!p0 $0x1082;
	s9 =	sld [smem:$0x3FB1]  }
0x2f: {  	lr =	sadd.s32 s0, s3;
	s0 =	sld [smem:$0x3FA8]  }
0x30: {  	s3 =	sld [smem:$0x3FAB]  }
0x31: {  	[smem:$0x3FB4] =	sst s10  }
0x32: {  	s10 =	sld [smem:$0x3FB2];
	_ =	sdelay $0x3  }
0x33: {  	p0 =	seq.s32 s10, $0x1;
	s10 =	sld [smem:$0x3FB4];
	_ =	sdelay $0x3  }
0x34: {  	[smem:$0x3FB4] =	sst s10  }
0x35: {  	s10 =	sld [smem:$0x3FB3];
	_ =	sdelay $0x3  }
0x36: {  	p1 =	seq.s32 s10, $0x1;
	s10 =	sld [smem:$0x3FB4];
	_ =	sdelay $0x3  }
0x37: {  	[smem:$0x3FB4] =	sst s10  }
0x38: {  	s10 =	sld [smem:$0x3FB5]  }
0x39: {  	_ = 	snop;
	(pc) =	sbr.ind lr, $3  }
0x3a: {  	_ = 	snop  }
0x3b: {  	_ = 	snop  }
0x3c: {  	p2 =	seq.s32 s10, $0x1;
	s10 =	sld [smem:$0x3FB4]  }
0x3d: {  	_ =	shalt  }
0x3e: {  	_ =	shalt  }
0x3f: {  	_ =	shalt  }
0x40: {  	_ =	shalt  }
0x41: {  	_ =	shalt  }
0x42: {  	_ =	shalt  }
0x43: {  	_ =	shalt  }
0x44: {  	_ =	shalt  }
0x45: {  	_ =	shalt  }
0x46: {  	_ =	shalt  }
0x47: {  	_ =	shalt  }
0x48: {  	_ =	shalt  }
0x49: {  	_ =	shalt  }
0x4a: {  	_ =	shalt  }
0x4b: {  	_ =	shalt  }
0x4c: {  	_ =	shalt  }
0x4d: {  	_ =	shalt  }
0x4e: {  	_ =	shalt  }
0x4f: {  	_ =	shalt  }
0x50: {  	_ =	shalt  }
0x51: {  	_ =	shalt  }
0x52: {  	_ =	shalt  }
0x53: {  	_ =	shalt  }
0x54: {  	_ =	shalt  }
0x55: {  	_ =	shalt  }
0x56: {  	_ =	shalt  }
0x57: {  	_ =	shalt  }
0x58: {  	_ =	shalt  }
0x59: {  	_ =	shalt  }
0x5a: {  	_ =	shalt  }
0x5b: {  	_ =	shalt  }
0x5c: {  	_ =	shalt  }
0x5d: {  	_ =	shalt  }
0x5e: {  	_ =	shalt  }
0x5f: {  	_ =	shalt  }
0x60: {  	_ =	shalt  }
0x61: {  	_ =	shalt  }
0x62: {  	_ =	shalt  }
0x63: {  	_ =	shalt  }
0x64: {  	_ =	shalt  }
0x65: {  	_ =	shalt  }
0x66: {  	_ =	shalt  }
0x67: {  	_ =	shalt  }
0x68: {  	_ =	shalt  }
0x69: {  	_ =	shalt  }
0x6a: {  	_ =	shalt  }
0x6b: {  	_ =	shalt  }
0x6c: {  	_ =	shalt  }
0x6d: {  	_ =	shalt  }
0x6e: {  	_ =	shalt  }
0x6f: {  	_ =	shalt  }
0x70: {  	_ =	shalt  }
0x71: {  	_ =	shalt  }
0x72: {  	_ =	shalt  }
0x73: {  	_ =	shalt  }
0x74: {  	_ =	shalt  }
0x75: {  	_ =	shalt  }
0x76: {  	_ =	shalt  }
0x77: {  	_ =	shalt  }
0x78: {  	_ =	shalt  }
0x79: {  	_ =	shalt  }
0x7a: {  	_ =	shalt  }
0x7b: {  	_ =	shalt  }
0x7c: {  	_ =	shalt  }
0x7d: {  	_ =	shalt  }
0x7e: {  	_ =	shalt  }
0x7f: {  	_ =	shalt  }
0x80: {  	_ =	shalt  }
0x81: {  	_ =	shalt  }
0x82: {  	_ =	shalt  }
0x83: {  	_ =	shalt  }
0x84: {  	_ =	shalt  }
0x85: {  	_ =	shalt  }
0x86: {  	_ =	shalt  }
0x87: {  	_ =	shalt  }
.Lfunc_end0:
.L_simem_size_0:
called_computation.1_lowered:
.L_overlay_start_0:
0x88: {  	s2 =	sld [smem:$0x3FD9]  }
0x89: {  	s3 =	sld [smem:$0x3FFE];
	_ =	sdelay $0x1  }
0x8a: {  	s1 =	srdreg.scid  }
0x8b: {  	s0 =	sand.u32 $0x1, s1  }
0x8c: {  	s16 =	sshll.u32 s0, $0xA;
	s2 =	sadd.s32 s3, s2  }
0x8d: {  	s2 =	sadd.s32 s2, s16  }
0x8e: {  	[smem:$0x3FC0] =	sst s2  }
0x8f: {  	_ = 	snop  }
0x90: {  	(tm) =	ssettm $0x1  }
0x91: {  	s17 =	sld [smem:$0x3FFB];
	_ =	sdelay $0x3  }
0x92: {  	_ =	strace s17  }
0x93: {  	s2 =	sld [smem:$0x3FFC];
	_ =	sdelay $0x3  }
0x94: {  	_ =	strace s2  }
0x95: {  	s2 =	sld [smem:$0x3FFD];
	_ =	sdelay $0x3  }
0x96: {  	_ =	strace s2  }
0x97: {  	_ =	strace $0x8FFFFFFF  }
0x98: {  	s18 =	sld [smem:$0x3FDB];
	_ =	sdelay $0x1  }
0x99: {  	s19 =	simm.s32 $_scs_section_size  }
0x9a: {  	s4 =	simm.s32 $_size__tile_overlayer_lowered;
	s5 =	simm.s32 $_tile_overlayer_lowered  }
0x9b: {  	s22 =	simm.s32 $0x1BFF;
	s21 =	sshll.u32 s5, $0x1;
	s2 =	sadd.s32 s19, s18  }
0x9c: {  	s6 =	simm.s32 $0x0;
	s20 =	sshll.u32 s4, $0x1;
	s4 =	sadd.s32 s21, s2  }
0x9d: {  	[timem:s6], [sflag:s22] =	dma.local [hbm:s4], s20  }
0x9e: {  	_ =	swait.ge [sflag:s22], s20  }
0x9f: {  	s3 =	ssub.s32 $0x0, s20;
	[sflag:s22] =	ssyncset.done $0x0  }
0xa0: {  	[sflag:s22] =	ssyncadd.s32 s3;
	_ =	sdelay $0x1  }
0xa1: {  	s23 =	simm.s32 $0x1B8B  }
0xa2: {  	_ =	swait.ge [sflag:s23], $0x1  }
0xa3: {  	[sflag:s23] =	ssyncset.done $0x0  }
0xa4: {  	s25 =	simm.s32 $0x1B8E;
	s24 =	sld [smem:$0x3FFE];
	[sflag:s23] =	ssyncadd.s32 $0xFFFFFFFF  }
0xa5: {  	s26 =	simm.s32 $execute0_lowered;
	[smem:$0x3FD2] =	sst s25  }
0xa6: {  	s4 =	sshll.u32 s26, $0x1;
	_ =	strace $0x80000049;
	[dreg:$0x1] =	wrdreg $0xFFFFFFFF  }
0xa7: {  	s28 =	simm.s32 $_size_execute0_lowered;
	s2 =	sadd.s32 s2, s4;
	[dreg:$0x0] =	wrdreg $0x0  }
0xa8: {  	s4 =	sshll.u32 s28, $0x1;
	[dreg:$0x2] =	wrdreg s2  }
0xa9: {  	[dreg:$0x3] =	wrdreg s4  }
0xaa: {  	[dreg:$0x4] =	wrdreg $0xC0  }
0xab: {  	_ =	task [dreg:s6], $0x5FFFF  }
0xac: {  	[dreg:$0x1] =	wrdreg $0xFFFFFFFF  }
0xad: {  	[dreg:$0x0] =	wrdreg $0x60  }
0xae: {  	[dreg:$0x2] =	wrdreg s24  }
0xaf: {  	[dreg:$0x3] =	wrdreg $0x84000  }
0xb0: {  	[dreg:$0x4] =	wrdreg $0x9  }
0xb1: {  	_ =	task.clear_ibuf [dreg:s6], $0x5FFFF;
	_ =	strace $0x90000049  }
0xb2: {  	s29 =	simm.s32 $0x9;
	_ =	strace $0x8000004B  }
0xb3: {  	_ =	swait.ge [sflag:s29], $0x1  }
0xb4: {  	[sflag:s29] =	ssyncadd.s32 $0xFFFFFFFF  }
0xb5: {  	_ =	strace $0x9000004B  }
0xb6: {  	_ =	sfence  }
0xb7: {  	s30 =	sld [smem:$0x0];
	_ =	sdelay $0x2  }
0xb8: {  	s31 =	sshll.u32 s1, $0xD;
	s1 =	sshrl.u32 s1, $0x2  }
0xb9: {  	s3 =	sand.u32 $0x4000, s31;
	s1 =	sadd.s32 s1, s30  }
0xba: {  	s0 =	sor.u32 s3, s0;
	s1 =	sshll.u32 s1, $0x11  }
0xbb: {  	s0 =	sor.u32 s1, s0  }
0xbc: {  	s0 =	sadd.s32 $0x8F2B, s0  }
0xbd: {  	[sflag:s0] =	ssyncadd.remote.s32 $0x1  }
0xbe: {  	_ =	sfence.sel $0xFFFF  }
0xbf: {  	[dreg:$0x0] =	wrdreg $0xFFFFFFFF;
	(pc) =	sbr.abs _section_cstart, $3  }
0xc0: {  	[dreg:$0x1] =	wrdreg $0xFFFFFFFF  }
0xc1: {  	_ =	task.clear_ibuf [dreg:s6], $0x2FFFF;
	_ =	strace $0x9FFFFFFF  }
0xc2: {  	(tm) =	ssettm $0x7FFFFFFF  }
0xc3: {  	_ =	shalt  }
tec
execute0_lowered:
.L_overlay_start_1:
0x0: {  	(tag) =	ssettag $0x1  }
0x1: {  	s0 =	rddreg [dreg:$0x0]  }
0x2: {  	s1 =	rddreg [dreg:$0x1]  }
0x3: {  	s2 =	simm.s32 $0x0;
	s3 =	srdreg.scid;
	s19 =	stileid.u32  }
0x4: {  	s28 =	simm.s32 $0x100;
	s29 =	simm.s32 $0x200;
	s30 =	simm.s32 $0x300  }
0x5: {  	s31 =	simm.s32 $0x3;
	[smem:$0x7FF] =	sst s2;
	s4 =	sadd.s32 $0x4200, s0  }
0x6: {  	s3 =	sand.u32 $0x1, s3;
	s5 =	sadd.s32 $0x54A00, s0;
	s7 =	smul.u32 $0x50000, s19  }
0x7: {  	s8 =	sadd.s32 $0x3A00, s0;
	s11 =	smul.u32 $0x14000, s19;
	s0 =	sadd.s32 $0x68A00, s0  }
0x8: {  	s26 =	smul.u32 $0x5000, s19;
	_ =	strace $0x8000004A;
	s6 =	ssub.s32 $0x2, s3  }
0x9: {  	[dreg:$0x3] =	wrdreg s8;
	s21 =	sshll.u32 s3, $0x4;
	s16 =	smul.u32 $0x140000, s3  }
0xa: {  	s3 =	smul.u32 $0x50000, s3;
	s20 =	sshrl.u32 s6, $0x1;
	s22 =	sor.u32 s19, s21  }
0xb: {  	s23 =	sshrl.u32 s7, $0x2;
	s13 =	sadd.s32 $0x4000, s11;
	s14 =	sadd.s32 $0x8000, s11  }
0xc: {  	s15 =	sadd.s32 $0xC000, s11;
	s17 =	sadd.s32 $0x10000, s11;
	s12 =	ssub.s32 s6, s20  }
0xd: {  	s6 =	sadd.s32 s23, s1;
	s7 =	sadd.s32 s13, s1;
	s10 =	smul.u32 $0x5000, s22  }
0xe: {  	s8 =	sadd.s32 s14, s1;
	s9 =	sadd.s32 s15, s1;
	s18 =	sadd.s32 s11, s16  }
0xf: {  	s11 =	sadd.s32 s17, s1;
	s13 =	sadd.s32 s16, s13;
	s14 =	sadd.s32 s16, s14  }
0x10: {  	s15 =	sadd.s32 s16, s15;
	s19 =	sadd.s32 s16, s17;
	s3 =	sadd.s32 s26, s3  }
0x11: {  	s16 =	simm.s32 $0x0;
	s18 =	sshrl.u32 s18, $0x3;
	s13 =	sshrl.u32 s13, $0x3  }
0x12: {  	s14 =	sshrl.u32 s14, $0x3;
	s21 =	sshrl.u32 s19, $0x3;
	s25 =	sadd.s32 s0, s18  }
0x13: {  	s22 =	sor.u32 $0x700, s3;
	s13 =	sadd.s32 s0, s13;
	[dreg:$0x8] =	wrdreg s25  }
0x14: {  	s10 =	sshrl.u32 s10, $0x3;
	s14 =	sadd.s32 s0, s14;
	[dreg:$0x9] =	wrdreg s13  }
0x15: {  	s23 =	sshrl.u32 s22, $0x3;
	s10 =	sadd.s32 s5, s10;
	[dreg:$0xa] =	wrdreg s14  }
0x16: {  	s13 =	sshrl.u32 s15, $0x3;
	s20 =	sadd.s32 $0x20, s10;
	[dreg:$0x4] =	wrdreg s10  }
0x17: {  	s25 =	sor.u32 $0x500, s3;
	s24 =	sadd.s32 $0x40, s10;
	[dreg:$0x5] =	wrdreg s20  }
0x18: {  	s14 =	simm.s32 $0x280;
	s10 =	sadd.s32 $0x60, s10;
	[dreg:$0x6] =	wrdreg s24  }
0x19: {  	s15 =	simm.s32 $0x380;
	[dreg:$0x7] =	wrdreg s10;
	s20 =	sadd.s32 s0, s13  }
0x1a: {  	s0 =	sadd.s32 s0, s21;
	s21 =	sadd.s32 s23, s5;
	s24 =	sor.u32 $0x600, s3  }
0x1b: {  	s3 =	sor.u32 $0x400, s3;
	s13 =	simm.s32 $0x180;
	[dreg:$0xb] =	wrdreg s20  }
.Ltmp0:
0x1c: {  	[dreg:$0xc] =	wrdreg s0;
	s20 =	smax.u32 s12, $0x1;
	(pc) =	sbr.rel .LBB2_1-.Ltmp0, $4  }
0x1d: {  	s0 =	sshrl.u32 s24, $0x3;
	s12 =	sshrl.u32 s25, $0x3;
	s26 =	sshrl.u32 s3, $0x3  }
0x1e: {  	s25 =	simm.s32 $0x400;
	s3 =	simm.s32 $0x4400;
	s22 =	sadd.s32 s0, s5  }
0x1f: {  	s23 =	sadd.s32 s12, s5;
	s24 =	sadd.s32 s26, s5;
	s26 =	simm.s32 $0x4  }
0x20: {  	s0 =	simm.s32 $0x80;
	s5 =	simm.s32 $0x1;
	s12 =	simm.s32 $0x2  }
.LBB2_4:
0x21: {  	_ =	swait.ge [sflag:s12], $0x4000  }
0x22: {  	[sflag:s12] =	ssyncset.done $0x0  }
0x23: {  	[sflag:s12] =	ssyncadd.s32 $0xFFFFC000  }
0x24: {  	[spmem:s1] =	stream.indirect.scatter.add.f32 [tilespmem:s3], [sflag:$0x4], $0x80, s15, s0, $0xb8;
	[tilespmem:$0x1C400] =	vst v63  }
0x25: {  	_ =	swait.ge [sflag:s26], $0x4000  }
0x26: {  	[sflag:s26] =	ssyncset.done $0x0  }
0x27: {  	[sflag:s26] =	ssyncadd.s32 $0xFFFFC000  }
0x28: {  	[bflag:$0x0] =	sbarrier.arrive $0xFFFF  }
0x29: {  	[tilespmem:s25], [sflag:$0x4] =	stream.linear.gather [spmem:s6], $0x4000, $0x38;
	[tilespmem:$0x1C400] =	vst v63  }
0x2a: {  	_ =	swait.ge [sflag:s26], $0x4000  }
0x2b: {  	[sflag:s26] =	ssyncset.done $0x0  }
0x2c: {  	s10 =	rddreg [dreg:$0x8];
	[sflag:s26] =	ssyncadd.s32 $0xFFFFC000  }
0x2d: {  	[hbm4b:s10+s2] =	stream.linear.scatter [tilespmem:s25], [sflag:$0x4], $0x4000, $0x38;
	[tilespmem:$0x1C400] =	vst v63  }
0x2e: {  	_ =	swait.ge [sflag:s26], $0x4000  }
0x2f: {  	[sflag:s26] =	ssyncset.done $0x0  }
0x30: {  	[sflag:s26] =	ssyncadd.s32 $0xFFFFC000  }
0x31: {  	[tilespmem:s25], [sflag:$0x4] =	stream.linear.gather [spmem:s7], $0x4000, $0x38;
	[tilespmem:$0x1C400] =	vst v63  }
0x32: {  	_ =	swait.ge [sflag:s26], $0x4000  }
0x33: {  	[sflag:s26] =	ssyncset.done $0x0  }
0x34: {  	s19 =	rddreg [dreg:$0x9];
	[sflag:s26] =	ssyncadd.s32 $0xFFFFC000  }
0x35: {  	[hbm4b:s19+s2] =	stream.linear.scatter [tilespmem:s25], [sflag:$0x4], $0x4000, $0x38;
	[tilespmem:$0x1C400] =	vst v63  }
0x36: {  	_ =	swait.ge [sflag:s26], $0x4000  }
0x37: {  	[sflag:s26] =	ssyncset.done $0x0  }
0x38: {  	[sflag:s26] =	ssyncadd.s32 $0xFFFFC000  }
0x39: {  	[tilespmem:s25], [sflag:$0x4] =	stream.linear.gather [spmem:s8], $0x4000, $0x38;
	[tilespmem:$0x1C400] =	vst v63  }
0x3a: {  	_ =	swait.ge [sflag:s26], $0x4000  }
0x3b: {  	[sflag:s26] =	ssyncset.done $0x0  }
0x3c: {  	s17 =	rddreg [dreg:$0xa];
	[sflag:s26] =	ssyncadd.s32 $0xFFFFC000  }
0x3d: {  	[hbm4b:s17+s2] =	stream.linear.scatter [tilespmem:s25], [sflag:$0x4], $0x4000, $0x38;
	[tilespmem:$0x1C400] =	vst v63  }
0x3e: {  	_ =	swait.ge [sflag:s26], $0x4000  }
0x3f: {  	[sflag:s26] =	ssyncset.done $0x0  }
0x40: {  	[sflag:s26] =	ssyncadd.s32 $0xFFFFC000  }
0x41: {  	[tilespmem:s25], [sflag:$0x4] =	stream.linear.gather [spmem:s9], $0x4000, $0x38;
	[tilespmem:$0x1C400] =	vst v63  }
0x42: {  	_ =	swait.ge [sflag:s26], $0x4000  }
0x43: {  	[sflag:s26] =	ssyncset.done $0x0  }
0x44: {  	s18 =	rddreg [dreg:$0xb];
	[sflag:s26] =	ssyncadd.s32 $0xFFFFC000  }
0x45: {  	[hbm4b:s18+s2] =	stream.linear.scatter [tilespmem:s25], [sflag:$0x4], $0x4000, $0x38;
	[tilespmem:$0x1C400] =	vst v63  }
0x46: {  	_ =	swait.ge [sflag:s26], $0x4000  }
0x47: {  	[sflag:s26] =	ssyncset.done $0x0  }
0x48: {  	[sflag:s26] =	ssyncadd.s32 $0xFFFFC000  }
0x49: {  	[tilespmem:s25], [sflag:$0x4] =	stream.linear.gather [spmem:s11], $0x4000, $0x38;
	[tilespmem:$0x1C400] =	vst v63  }
0x4a: {  	s16 =	sadd.s32 $0x1, s16;
	_ =	swait.ge [sflag:s26], $0x4000  }
0x4b: {  	p0 =	sne.s32 s16, s20;
	[sflag:s26] =	ssyncset.done $0x0  }
.Ltmp1:
0x4c: {  	s19 =	rddreg [dreg:$0xc];
	[sflag:s26] =	ssyncadd.s32 $0xFFFFC000;
	(pc) =	sbr.rel @!p0 .LBB2_5-.Ltmp1, $4  }
0x4d: {  	[hbm4b:s19+s2] =	stream.linear.scatter [tilespmem:s25], [sflag:$0x4], $0x4000, $0x38;
	[tilespmem:$0x1C400] =	vst v63  }
0x4e: {  	_ =	swait.ge [sflag:s26], $0x4000  }
0x4f: {  	[sflag:s26] =	ssyncset.done $0x0  }
0x50: {  	[sflag:s26] =	ssyncadd.s32 $0xFFFFC000  }
.LBB2_1:
0x51: {  	s10 =	rddreg [dreg:$0x3]  }
0x52: {  	[tilespmem:s25], [sflag:$0x4] =	stream.linear.gather [hbm4b:s10+s2], $0x4000, $0x38;
	[tilespmem:$0x1C400] =	vst v63  }
0x53: {  	_ =	swait.ge [sflag:s26], $0x4000  }
0x54: {  	[sflag:s26] =	ssyncset.done $0x0  }
0x55: {  	[sflag:s26] =	ssyncadd.s32 $0xFFFFC000  }
0x56: {  	[spmem:s6] =	stream.linear.scatter [tilespmem:s25], [sflag:$0x4], $0x4000, $0x38;
	[tilespmem:$0x1C400] =	vst v63  }
0x57: {  	_ =	swait.ge [sflag:s26], $0x4000  }
0x58: {  	[sflag:s26] =	ssyncset.done $0x0  }
0x59: {  	[sflag:s26] =	ssyncadd.s32 $0xFFFFC000  }
0x5a: {  	[spmem:s7] =	stream.linear.scatter [tilespmem:s25], [sflag:$0x4], $0x4000, $0x38;
	[tilespmem:$0x1C400] =	vst v63  }
0x5b: {  	_ =	swait.ge [sflag:s26], $0x4000  }
0x5c: {  	[sflag:s26] =	ssyncset.done $0x0  }
0x5d: {  	[sflag:s26] =	ssyncadd.s32 $0xFFFFC000  }
0x5e: {  	[spmem:s8] =	stream.linear.scatter [tilespmem:s25], [sflag:$0x4], $0x4000, $0x38;
	[tilespmem:$0x1C400] =	vst v63  }
0x5f: {  	_ =	swait.ge [sflag:s26], $0x4000  }
0x60: {  	[sflag:s26] =	ssyncset.done $0x0  }
0x61: {  	[sflag:s26] =	ssyncadd.s32 $0xFFFFC000  }
0x62: {  	[spmem:s9] =	stream.linear.scatter [tilespmem:s25], [sflag:$0x4], $0x4000, $0x38;
	[tilespmem:$0x1C400] =	vst v63  }
0x63: {  	_ =	swait.ge [sflag:s26], $0x4000  }
0x64: {  	[sflag:s26] =	ssyncset.done $0x0  }
0x65: {  	[sflag:s26] =	ssyncadd.s32 $0xFFFFC000  }
0x66: {  	[spmem:s11] =	stream.linear.scatter [tilespmem:s25], [sflag:$0x4], $0x4000, $0x38;
	[tilespmem:$0x1C400] =	vst v63  }
0x67: {  	_ =	swait.ge [sflag:s26], $0x4000  }
0x68: {  	[sflag:s26] =	ssyncset.done $0x0  }
0x69: {  	[sflag:s26] =	ssyncadd.s32 $0xFFFFC000  }
0x6a: {  	[bflag:$0x0] =	sbarrier.arrive $0xFFFF  }
0x6b: {  	s19 =	rddreg [dreg:$0x4]  }
0x6c: {  	[tilespmem:s2], [sflag:$0x3] =	stream.linear.gather [hbm4b:s19+s2], $0x100, $0x38;
	[tilespmem:$0x1C400] =	vst v63  }
0x6d: {  	s17 =	rddreg [dreg:$0x5]  }
0x6e: {  	[tilespmem:s28], [sflag:$0x3] =	stream.linear.gather [hbm4b:s17+s2], $0x100, $0x38;
	[tilespmem:$0x1C400] =	vst v63  }
0x6f: {  	s18 =	rddreg [dreg:$0x6]  }
0x70: {  	[tilespmem:s29], [sflag:$0x3] =	stream.linear.gather [hbm4b:s18+s2], $0x100, $0x38;
	[tilespmem:$0x1C400] =	vst v63  }
0x71: {  	s19 =	rddreg [dreg:$0x7]  }
0x72: {  	[tilespmem:s30], [sflag:$0x3] =	stream.linear.gather [hbm4b:s19+s2], $0x100, $0x38;
	[tilespmem:$0x1C400] =	vst v63  }
0x73: {  	_ =	swait.ge [sflag:s31], $0x100  }
0x74: {  	[sflag:s31] =	ssyncset.done $0x0  }
0x75: {  	s17 =	simm.s32 $0x0;
	[sflag:s31] =	ssyncadd.s32 $0xFFFFFF00  }
0x76: {  	[tilespmem:s25], [sflag:$0x1] =	stream.indirect.gather [hbm4b:s4+s0], $0x80, s2, s0, $0xb8;
	[tilespmem:$0x1C400] =	vst v63  }
.LBB2_2:
0x77: {  	_ =	swait.ge [sflag:s31], $0x100  }
0x78: {  	[sflag:s31] =	ssyncset.done $0x0  }
0x79: {  	[sflag:s31] =	ssyncadd.s32 $0xFFFFFF00  }
0x7a: {  	[tilespmem:s3], [sflag:$0x2] =	stream.indirect.gather [hbm4b:s4+s0], $0x80, s28, s0, $0xb8;
	[tilespmem:$0x1C400] =	vst v63  }
0x7b: {  	_ =	swait.ge [sflag:s5], $0x4000  }
0x7c: {  	[sflag:s5] =	ssyncset.done $0x0  }
0x7d: {  	[sflag:s5] =	ssyncadd.s32 $0xFFFFC000  }
0x7e: {  	[spmem:s1] =	stream.indirect.scatter.add.f32 [tilespmem:s25], [sflag:$0x4], $0x80, s0, s0, $0xb8;
	[tilespmem:$0x1C400] =	vst v63  }
0x7f: {  	_ =	swait.ge [sflag:s26], $0x4000  }
0x80: {  	p0 =	seq.s32 s17, $0x980;
	[sflag:s26] =	ssyncset.done $0x0  }
0x81: {  	s10 =	sadd.s32 @!p0 s17, s24;
	s18 =	simm.s32 @!p0 $0x0;
	[sflag:s26] =	ssyncadd.s32 $0xFFFFC000  }
0x82: {  	[tilespmem:s18], [sflag:$0x3] =	stream.linear.gather @!p0 [hbm4b:s10+s18], $0x100, $0x38;
	[tilespmem:$0x1C400] =	vst v63  }
0x83: {  	_ =	swait.ge [sflag:s31], $0x100  }
0x84: {  	[sflag:s31] =	ssyncset.done $0x0  }
0x85: {  	[sflag:s31] =	ssyncadd.s32 $0xFFFFFF00  }
0x86: {  	[tilespmem:s25], [sflag:$0x1] =	stream.indirect.gather [hbm4b:s4+s0], $0x80, s29, s0, $0xb8;
	[tilespmem:$0x1C400] =	vst v63  }
0x87: {  	_ =	swait.ge [sflag:s12], $0x4000  }
0x88: {  	[sflag:s12] =	ssyncset.done $0x0  }
0x89: {  	[sflag:s12] =	ssyncadd.s32 $0xFFFFC000  }
0x8a: {  	[spmem:s1] =	stream.indirect.scatter.add.f32 [tilespmem:s3], [sflag:$0x4], $0x80, s13, s0, $0xb8;
	[tilespmem:$0x1C400] =	vst v63  }
0x8b: {  	_ =	swait.ge [sflag:s26], $0x4000  }
0x8c: {  	[sflag:s26] =	ssyncset.done $0x0  }
0x8d: {  	s19 =	simm.s32 @!p0 $0x100;
	s10 =	sadd.s32 @!p0 s17, s23;
	[sflag:s26] =	ssyncadd.s32 $0xFFFFC000  }
0x8e: {  	[tilespmem:s19], [sflag:$0x3] =	stream.linear.gather @!p0 [hbm4b:s10+s18], $0x100, $0x38;
	[tilespmem:$0x1C400] =	vst v63  }
0x8f: {  	_ =	swait.ge [sflag:s31], $0x100  }
0x90: {  	[sflag:s31] =	ssyncset.done $0x0  }
0x91: {  	[sflag:s31] =	ssyncadd.s32 $0xFFFFFF00  }
0x92: {  	[tilespmem:s3], [sflag:$0x2] =	stream.indirect.gather [hbm4b:s4+s0], $0x80, s30, s0, $0xb8;
	[tilespmem:$0x1C400] =	vst v63  }
0x93: {  	_ =	swait.ge [sflag:s5], $0x4000  }
0x94: {  	[sflag:s5] =	ssyncset.done $0x0  }
.Ltmp2:
0x95: {  	[sflag:s5] =	ssyncadd.s32 $0xFFFFC000;
	(pc) =	sbr.rel @p0 .LBB2_4-.Ltmp2, $4  }
0x96: {  	[spmem:s1] =	stream.indirect.scatter.add.f32 [tilespmem:s25], [sflag:$0x4], $0x80, s14, s0, $0xb8;
	[tilespmem:$0x1C400] =	vst v63  }
0x97: {  	_ =	swait.ge [sflag:s26], $0x4000  }
0x98: {  	[sflag:s26] =	ssyncset.done $0x0  }
0x99: {  	[sflag:s26] =	ssyncadd.s32 $0xFFFFC000  }
0x9a: {  	s10 =	sadd.s32 s17, s22  }
0x9b: {  	[tilespmem:s29], [sflag:$0x3] =	stream.linear.gather [hbm4b:s10+s2], $0x100, $0x38;
	[tilespmem:$0x1C400] =	vst v63  }
0x9c: {  	_ =	swait.ge [sflag:s31], $0x100  }
0x9d: {  	[sflag:s31] =	ssyncset.done $0x0  }
0x9e: {  	[sflag:s31] =	ssyncadd.s32 $0xFFFFFF00  }
0x9f: {  	[tilespmem:s25], [sflag:$0x1] =	stream.indirect.gather [hbm4b:s4+s0], $0x80, s2, s0, $0xb8;
	[tilespmem:$0x1C400] =	vst v63  }
0xa0: {  	_ =	swait.ge [sflag:s12], $0x4000  }
0xa1: {  	[sflag:s12] =	ssyncset.done $0x0  }
0xa2: {  	[sflag:s12] =	ssyncadd.s32 $0xFFFFC000  }
0xa3: {  	[spmem:s1] =	stream.indirect.scatter.add.f32 [tilespmem:s3], [sflag:$0x4], $0x80, s15, s0, $0xb8;
	[tilespmem:$0x1C400] =	vst v63  }
.Ltmp3:
0xa4: {  	_ = 	snop;
	(pc) =	sbr.rel .LBB2_2-.Ltmp3, $4  }
0xa5: {  	_ =	swait.ge [sflag:s26], $0x4000  }
0xa6: {  	[sflag:s26] =	ssyncset.done $0x0  }
0xa7: {  	s19 =	sadd.s32 s17, s21;
	s17 =	sadd.s32 $0x80, s17;
	[sflag:s26] =	ssyncadd.s32 $0xFFFFC000  }
0xa8: {  	[tilespmem:s30], [sflag:$0x3] =	stream.linear.gather [hbm4b:s19+s2], $0x100, $0x38;
	[tilespmem:$0x1C400] =	vst v63  }
.LBB2_5:
0xa9: {  	_ =	sfence.sel $0x180000  }
0xaa: {  	[bflag:$0x0] =	sbarrier.arrive $0xFFFF  }
0xab: {  	_ =	strace $0x9000004A  }
0xac: {  	s0 =	stileid.u32;
	[bflag:$0x2] =	sbarrier.arrive $0xFFFF  }
0xad: {  	p0 =	sne.s32 s0, $0x0;
	s0 =	rddreg [dreg:$0x2]  }
0xae: {  	s0 =	sadd.s32 @!p0 $0x100000, s0  }
0xaf: {  	[sflag:s0] =	ssyncadd.tile.s32 @!p0 $0x1;
	_ =	shalt  }
.Lfunc_end2:
_tile_overlayer_lowered:
.L_overlay_start_2:
0xb0: {  	(tag) =	ssettag $0x2  }
0xb1: {  	s0 =	rddreg [dreg:$0x0];
	s2 =	stileid.u32  }
0xb2: {  	s1 =	rddreg [dreg:$0x1];
	p0 =	sne.s32 s2, $0x0  }
0xb3: {  	s3 =	rddreg [dreg:$0x2];
	[bflag:$0x3] =	sbarrier.arrive $0xFFFF;
	s2 =	simm.s32 @!p0 $0x1C04  }
0xb4: {  	[timem:s3], [sflag:s2] =	dma.local @!p0 [hbm:s0], s1  }
0xb5: {  	s0 =	simm.s32 @!p0 $0x4  }
0xb6: {  	_ =	swait.ge @!p0 [sflag:s0], s1  }
0xb7: {  	s1 =	ssub.s32 @!p0 $0x0, s1;
	[sflag:s0] =	ssyncset.done @!p0 $0x0  }
0xb8: {  	[sflag:s0] =	ssyncadd.s32 @!p0 s1  }
0xb9: {  	[bflag:$0x3] =	sbarrier.arrive $0xFFFF  }
0xba: {  	_ =	shalt  }

// kernel: kernel.14.cloned.1.call-start
scs
__scs_entry_jumppad:
0x0: {  	(pc) =	sbr.rel $0x88, $3  }
0x1: {  	(tag) =	ssettag $0x0;
	lr =	simm.s32 $0x1  }
0x2: {  	[smem:$0x3F99] =	sst lr;
	_ =	strace $0xD0000000  }
0x3: {  	_ = 	snop  }
0x4: {  	_ = 	snop  }
0x5: {  	_ = 	snop  }
0x6: {  	_ = 	snop  }
0x7: {  	_ = 	snop  }
__scs_overlays_trampoline_lowered:
0x8: {  	[smem:$0x3FA8] =	sst s0  }
0x9: {  	[smem:$0x3FA9] =	sst s1  }
0xa: {  	[smem:$0x3FAA] =	sst s2  }
0xb: {  	[smem:$0x3FAB] =	sst s3  }
0xc: {  	[smem:$0x3FAC] =	sst s4  }
0xd: {  	[smem:$0x3FAD] =	sst s5  }
0xe: {  	[smem:$0x3FAE] =	sst s6  }
0xf: {  	[smem:$0x3FAF] =	sst s7  }
0x10: {  	[smem:$0x3FB0] =	sst s8  }
0x11: {  	[smem:$0x3FB1] =	sst s9;
	s0 =	simm.s32 @!p0 $0x0  }
0x12: {  	s1 =	sld [smem:$0x3F97];
	s0 =	simm.s32 @p0 $0x1  }
0x13: {  	[smem:$0x3FB2] =	sst s0;
	s0 =	simm.s32 @!p1 $0x0  }
0x14: {  	s2 =	sld [smem:$0x3F96];
	s0 =	simm.s32 @p1 $0x1  }
0x15: {  	[smem:$0x3FB3] =	sst s0;
	s0 =	simm.s32 @!p2 $0x0  }
0x16: {  	s3 =	sld [smem:$0x3FDB];
	s0 =	simm.s32 @p2 $0x1  }
0x17: {  	s4 =	simm.s32 $0x1BF5;
	[smem:$0x3FB5] =	sst s0  }
0x18: {  	s0 =	sld [smem:$0x3F98];
	_ =	swait.ge [sflag:s4], $0x0  }
0x19: {  	s7 =	sld [smem:$0x3F99]  }
0x1a: {  	s8 =	sadd.s32 $0xFFFFE003, lr  }
0x1b: {  	s9 =	sadd.s32 $0xFFFFFEF7, lr;
	s5 =	simm.s32 $0xFFFFFFFF;
	p2 =	slt.u32 s8, $0xFFFFF086  }
0x1c: {  	p1 =	slt.u32 s9, $0xF7A;
	s5 =	simm.s32 @!p2 $0x0  }
0x1d: {  	s5 =	simm.s32 @p1 $0x1;
	p0 =	seq.s32 s7, s2  }
0x1e: {  	s7 =	smul.u32 @!p0 $0xF7A, s2;
	p2 =	seq.s32 @!p0 s5, $0x0  }
0x1f: {  	s9 =	smul.u32 $0xF7A, s1;
	s8 =	simm.s32 @!p0 $0x1BF5;
	p2 =	por !p2, p0  }
0x20: {  	[sflag:s8] =	ssyncset.s32 @!p0 $0xFFFFF086;
	s6 =	sadd.s32 @!p0 s3, s7;
	s7 =	simm.s32 @!p0 $0x108  }
0x21: {  	s3 =	sadd.s32 s3, s9;
	s6 =	sadd.s32 @!p0 $0x88, s6;
	s7 =	simm.s32 @p2 $0x1082  }
0x22: {  	[simem:s7], [sflag:s8] =	dma.local @!p0 [hbm:s6], $0xF7A  }
0x23: {  	s9 =	sor.u32 $0xD0000000, s2;
	s6 =	simm.s32 $0x108;
	_ =	swait.ge @!p0 [sflag:s8], $0x0  }
0x24: {  	s3 =	sadd.s32 $0x88, s3;
	s6 =	simm.s32 @!p1 $0x1082;
	[sflag:s4] =	ssyncset.s32 $0xFFFFF086  }
0x25: {  	[simem:s6], [sflag:s4] =	dma.local [hbm:s3], $0xF7A  }
0x26: {  	[smem:$0x3F99] =	sst s1;
	(tag) =	ssettag s2;
	_ =	strace s9  }
0x27: {  	s1 =	sld [smem:$0x3FA9]  }
0x28: {  	s2 =	sld [smem:$0x3FAA]  }
0x29: {  	s4 =	sld [smem:$0x3FAC]  }
0x2a: {  	p0 =	seq.s32 s5, $0x0;
	s5 =	sld [smem:$0x3FAD]  }
0x2b: {  	s6 =	sld [smem:$0x3FAE]  }
0x2c: {  	s7 =	sld [smem:$0x3FAF]  }
0x2d: {  	s3 =	simm.s32 $0x108;
	s8 =	sld [smem:$0x3FB0]  }
0x2e: {  	s3 =	simm.s32 @!p0 $0x1082;
	s9 =	sld [smem:$0x3FB1]  }
0x2f: {  	lr =	sadd.s32 s0, s3;
	s0 =	sld [smem:$0x3FA8]  }
0x30: {  	s3 =	sld [smem:$0x3FAB]  }
0x31: {  	[smem:$0x3FB4] =	sst s10  }
0x32: {  	s10 =	sld [smem:$0x3FB2];
	_ =	sdelay $0x3  }
0x33: {  	p0 =	seq.s32 s10, $0x1;
	s10 =	sld [smem:$0x3FB4];
	_ =	sdelay $0x3  }
0x34: {  	[smem:$0x3FB4] =	sst s10  }
0x35: {  	s10 =	sld [smem:$0x3FB3];
	_ =	sdelay $0x3  }
0x36: {  	p1 =	seq.s32 s10, $0x1;
	s10 =	sld [smem:$0x3FB4];
	_ =	sdelay $0x3  }
0x37: {  	[smem:$0x3FB4] =	sst s10  }
0x38: {  	s10 =	sld [smem:$0x3FB5]  }
0x39: {  	_ = 	snop;
	(pc) =	sbr.ind lr, $3  }
0x3a: {  	_ = 	snop  }
0x3b: {  	_ = 	snop  }
0x3c: {  	p2 =	seq.s32 s10, $0x1;
	s10 =	sld [smem:$0x3FB4]  }
0x3d: {  	_ =	shalt  }
0x3e: {  	_ =	shalt  }
0x3f: {  	_ =	shalt  }
0x40: {  	_ =	shalt  }
0x41: {  	_ =	shalt  }
0x42: {  	_ =	shalt  }
0x43: {  	_ =	shalt  }
0x44: {  	_ =	shalt  }
0x45: {  	_ =	shalt  }
0x46: {  	_ =	shalt  }
0x47: {  	_ =	shalt  }
0x48: {  	_ =	shalt  }
0x49: {  	_ =	shalt  }
0x4a: {  	_ =	shalt  }
0x4b: {  	_ =	shalt  }
0x4c: {  	_ =	shalt  }
0x4d: {  	_ =	shalt  }
0x4e: {  	_ =	shalt  }
0x4f: {  	_ =	shalt  }
0x50: {  	_ =	shalt  }
0x51: {  	_ =	shalt  }
0x52: {  	_ =	shalt  }
0x53: {  	_ =	shalt  }
0x54: {  	_ =	shalt  }
0x55: {  	_ =	shalt  }
0x56: {  	_ =	shalt  }
0x57: {  	_ =	shalt  }
0x58: {  	_ =	shalt  }
0x59: {  	_ =	shalt  }
0x5a: {  	_ =	shalt  }
0x5b: {  	_ =	shalt  }
0x5c: {  	_ =	shalt  }
0x5d: {  	_ =	shalt  }
0x5e: {  	_ =	shalt  }
0x5f: {  	_ =	shalt  }
0x60: {  	_ =	shalt  }
0x61: {  	_ =	shalt  }
0x62: {  	_ =	shalt  }
0x63: {  	_ =	shalt  }
0x64: {  	_ =	shalt  }
0x65: {  	_ =	shalt  }
0x66: {  	_ =	shalt  }
0x67: {  	_ =	shalt  }
0x68: {  	_ =	shalt  }
0x69: {  	_ =	shalt  }
0x6a: {  	_ =	shalt  }
0x6b: {  	_ =	shalt  }
0x6c: {  	_ =	shalt  }
0x6d: {  	_ =	shalt  }
0x6e: {  	_ =	shalt  }
0x6f: {  	_ =	shalt  }
0x70: {  	_ =	shalt  }
0x71: {  	_ =	shalt  }
0x72: {  	_ =	shalt  }
0x73: {  	_ =	shalt  }
0x74: {  	_ =	shalt  }
0x75: {  	_ =	shalt  }
0x76: {  	_ =	shalt  }
0x77: {  	_ =	shalt  }
0x78: {  	_ =	shalt  }
0x79: {  	_ =	shalt  }
0x7a: {  	_ =	shalt  }
0x7b: {  	_ =	shalt  }
0x7c: {  	_ =	shalt  }
0x7d: {  	_ =	shalt  }
0x7e: {  	_ =	shalt  }
0x7f: {  	_ =	shalt  }
0x80: {  	_ =	shalt  }
0x81: {  	_ =	shalt  }
0x82: {  	_ =	shalt  }
0x83: {  	_ =	shalt  }
0x84: {  	_ =	shalt  }
0x85: {  	_ =	shalt  }
0x86: {  	_ =	shalt  }
0x87: {  	_ =	shalt  }
.Lfunc_end0:
.L_simem_size_0:
called_computation.2_lowered:
.L_overlay_start_0:
0x88: {  	s2 =	sld [smem:$0x3FD9]  }
0x89: {  	s3 =	sld [smem:$0x3FFE];
	_ =	sdelay $0x1  }
0x8a: {  	s1 =	srdreg.scid  }
0x8b: {  	s0 =	sand.u32 $0x1, s1  }
0x8c: {  	s16 =	sshll.u32 s0, $0xA;
	s2 =	sadd.s32 s3, s2  }
0x8d: {  	s2 =	sadd.s32 s2, s16  }
0x8e: {  	[smem:$0x3FC0] =	sst s2  }
0x8f: {  	_ = 	snop  }
0x90: {  	(tm) =	ssettm $0x1  }
0x91: {  	s17 =	sld [smem:$0x3FFB];
	_ =	sdelay $0x3  }
0x92: {  	_ =	strace s17  }
0x93: {  	s2 =	sld [smem:$0x3FFC];
	_ =	sdelay $0x3  }
0x94: {  	_ =	strace s2  }
0x95: {  	s2 =	sld [smem:$0x3FFD];
	_ =	sdelay $0x3  }
0x96: {  	_ =	strace s2  }
0x97: {  	_ =	strace $0x8FFFFFFF  }
0x98: {  	s18 =	sld [smem:$0x3FDB];
	_ =	sdelay $0x1  }
0x99: {  	s19 =	simm.s32 $_scs_section_size  }
0x9a: {  	s4 =	simm.s32 $_size__tile_overlayer_lowered;
	s5 =	simm.s32 $_tile_overlayer_lowered  }
0x9b: {  	s22 =	simm.s32 $0x1BFF;
	s21 =	sshll.u32 s5, $0x1;
	s2 =	sadd.s32 s19, s18  }
0x9c: {  	s6 =	simm.s32 $0x0;
	s20 =	sshll.u32 s4, $0x1;
	s4 =	sadd.s32 s21, s2  }
0x9d: {  	[timem:s6], [sflag:s22] =	dma.local [hbm:s4], s20  }
0x9e: {  	_ =	swait.ge [sflag:s22], s20  }
0x9f: {  	s3 =	ssub.s32 $0x0, s20;
	[sflag:s22] =	ssyncset.done $0x0  }
0xa0: {  	[sflag:s22] =	ssyncadd.s32 s3;
	_ =	sdelay $0x1  }
0xa1: {  	s23 =	simm.s32 $0x1B8B  }
0xa2: {  	_ =	swait.ge [sflag:s23], $0x1  }
0xa3: {  	[sflag:s23] =	ssyncset.done $0x0  }
0xa4: {  	s25 =	simm.s32 $0x1B8E;
	s24 =	sld [smem:$0x3FFE];
	[sflag:s23] =	ssyncadd.s32 $0xFFFFFFFF  }
0xa5: {  	s26 =	simm.s32 $execute0_lowered;
	[smem:$0x3FD2] =	sst s25  }
0xa6: {  	s4 =	sshll.u32 s26, $0x1;
	_ =	strace $0x8000004C;
	[dreg:$0x1] =	wrdreg $0xFFFFFFFF  }
0xa7: {  	s28 =	simm.s32 $_size_execute0_lowered;
	s2 =	sadd.s32 s2, s4;
	[dreg:$0x0] =	wrdreg $0x0  }
0xa8: {  	s4 =	sshll.u32 s28, $0x1;
	[dreg:$0x2] =	wrdreg s2  }
0xa9: {  	[dreg:$0x3] =	wrdreg s4  }
0xaa: {  	[dreg:$0x4] =	wrdreg $0xC0  }
0xab: {  	_ =	task [dreg:s6], $0x5FFFF  }
0xac: {  	[dreg:$0x1] =	wrdreg $0xFFFFFFFF  }
0xad: {  	[dreg:$0x0] =	wrdreg $0x60  }
0xae: {  	[dreg:$0x2] =	wrdreg s24  }
0xaf: {  	[dreg:$0x3] =	wrdreg $0x84000  }
0xb0: {  	[dreg:$0x4] =	wrdreg $0x9  }
0xb1: {  	_ =	task.clear_ibuf [dreg:s6], $0x5FFFF;
	_ =	strace $0x9000004C  }
0xb2: {  	s29 =	simm.s32 $0x9;
	_ =	strace $0x8000004E  }
0xb3: {  	_ =	swait.ge [sflag:s29], $0x1  }
0xb4: {  	[sflag:s29] =	ssyncadd.s32 $0xFFFFFFFF  }
0xb5: {  	_ =	strace $0x9000004E  }
0xb6: {  	_ =	sfence  }
0xb7: {  	s30 =	sld [smem:$0x0];
	_ =	sdelay $0x2  }
0xb8: {  	s31 =	sshll.u32 s1, $0xD;
	s1 =	sshrl.u32 s1, $0x2  }
0xb9: {  	s3 =	sand.u32 $0x4000, s31;
	s1 =	sadd.s32 s1, s30  }
0xba: {  	s0 =	sor.u32 s3, s0;
	s1 =	sshll.u32 s1, $0x11  }
0xbb: {  	s0 =	sor.u32 s1, s0  }
0xbc: {  	s0 =	sadd.s32 $0x8F2B, s0  }
0xbd: {  	[sflag:s0] =	ssyncadd.remote.s32 $0x1  }
0xbe: {  	_ =	sfence.sel $0xFFFF  }
0xbf: {  	[dreg:$0x0] =	wrdreg $0xFFFFFFFF;
	(pc) =	sbr.abs _section_cstart, $3  }
0xc0: {  	[dreg:$0x1] =	wrdreg $0xFFFFFFFF  }
0xc1: {  	_ =	task.clear_ibuf [dreg:s6], $0x2FFFF;
	_ =	strace $0x9FFFFFFF  }
0xc2: {  	(tm) =	ssettm $0x7FFFFFFF  }
0xc3: {  	_ =	shalt  }
tec
execute0_lowered:
.L_overlay_start_1:
0x0: {  	(tag) =	ssettag $0x1  }
0x1: {  	s0 =	rddreg [dreg:$0x0]  }
0x2: {  	s1 =	rddreg [dreg:$0x1]  }
0x3: {  	s2 =	simm.s32 $0x0;
	s3 =	srdreg.scid;
	s19 =	stileid.u32  }
0x4: {  	s28 =	simm.s32 $0x100;
	s29 =	simm.s32 $0x200;
	s30 =	simm.s32 $0x300  }
0x5: {  	s31 =	simm.s32 $0x3;
	[smem:$0x7FF] =	sst s2;
	s4 =	sadd.s32 $0x4200, s0  }
0x6: {  	s3 =	sand.u32 $0x1, s3;
	s5 =	sadd.s32 $0x54A00, s0;
	s7 =	smul.u32 $0x50000, s19  }
0x7: {  	s8 =	sadd.s32 $0x3A00, s0;
	s11 =	smul.u32 $0x14000, s19;
	s0 =	sadd.s32 $0x68A00, s0  }
0x8: {  	s26 =	smul.u32 $0x5000, s19;
	_ =	strace $0x8000004D;
	s6 =	ssub.s32 $0x2, s3  }
0x9: {  	[dreg:$0x3] =	wrdreg s8;
	s21 =	sshll.u32 s3, $0x4;
	s16 =	smul.u32 $0x140000, s3  }
0xa: {  	s3 =	smul.u32 $0x50000, s3;
	s20 =	sshrl.u32 s6, $0x1;
	s22 =	sor.u32 s19, s21  }
0xb: {  	s23 =	sshrl.u32 s7, $0x2;
	s13 =	sadd.s32 $0x4000, s11;
	s14 =	sadd.s32 $0x8000, s11  }
0xc: {  	s15 =	sadd.s32 $0xC000, s11;
	s17 =	sadd.s32 $0x10000, s11;
	s12 =	ssub.s32 s6, s20  }
0xd: {  	s6 =	sadd.s32 s23, s1;
	s7 =	sadd.s32 s13, s1;
	s10 =	smul.u32 $0x5000, s22  }
0xe: {  	s8 =	sadd.s32 s14, s1;
	s9 =	sadd.s32 s15, s1;
	s18 =	sadd.s32 s11, s16  }
0xf: {  	s11 =	sadd.s32 s17, s1;
	s13 =	sadd.s32 s16, s13;
	s14 =	sadd.s32 s16, s14  }
0x10: {  	s15 =	sadd.s32 s16, s15;
	s19 =	sadd.s32 s16, s17;
	s3 =	sadd.s32 s26, s3  }
0x11: {  	s16 =	simm.s32 $0x0;
	s18 =	sshrl.u32 s18, $0x3;
	s13 =	sshrl.u32 s13, $0x3  }
0x12: {  	s14 =	sshrl.u32 s14, $0x3;
	s21 =	sshrl.u32 s19, $0x3;
	s25 =	sadd.s32 s0, s18  }
0x13: {  	s22 =	sor.u32 $0x700, s3;
	s13 =	sadd.s32 s0, s13;
	[dreg:$0x8] =	wrdreg s25  }
0x14: {  	s10 =	sshrl.u32 s10, $0x3;
	s14 =	sadd.s32 s0, s14;
	[dreg:$0x9] =	wrdreg s13  }
0x15: {  	s23 =	sshrl.u32 s22, $0x3;
	s10 =	sadd.s32 s5, s10;
	[dreg:$0xa] =	wrdreg s14  }
0x16: {  	s13 =	sshrl.u32 s15, $0x3;
	s20 =	sadd.s32 $0x20, s10;
	[dreg:$0x4] =	wrdreg s10  }
0x17: {  	s25 =	sor.u32 $0x500, s3;
	s24 =	sadd.s32 $0x40, s10;
	[dreg:$0x5] =	wrdreg s20  }
0x18: {  	s14 =	simm.s32 $0x280;
	s10 =	sadd.s32 $0x60, s10;
	[dreg:$0x6] =	wrdreg s24  }
0x19: {  	s15 =	simm.s32 $0x380;
	[dreg:$0x7] =	wrdreg s10;
	s20 =	sadd.s32 s0, s13  }
0x1a: {  	s0 =	sadd.s32 s0, s21;
	s21 =	sadd.s32 s23, s5;
	s24 =	sor.u32 $0x600, s3  }
0x1b: {  	s3 =	sor.u32 $0x400, s3;
	s13 =	simm.s32 $0x180;
	[dreg:$0xb] =	wrdreg s20  }
.Ltmp0:
0x1c: {  	[dreg:$0xc] =	wrdreg s0;
	s20 =	smax.u32 s12, $0x1;
	(pc) =	sbr.rel .LBB2_1-.Ltmp0, $4  }
0x1d: {  	s0 =	sshrl.u32 s24, $0x3;
	s12 =	sshrl.u32 s25, $0x3;
	s26 =	sshrl.u32 s3, $0x3  }
0x1e: {  	s25 =	simm.s32 $0x400;
	s3 =	simm.s32 $0x4400;
	s22 =	sadd.s32 s0, s5  }
0x1f: {  	s23 =	sadd.s32 s12, s5;
	s24 =	sadd.s32 s26, s5;
	s26 =	simm.s32 $0x4  }
0x20: {  	s0 =	simm.s32 $0x80;
	s5 =	simm.s32 $0x1;
	s12 =	simm.s32 $0x2  }
.LBB2_4:
0x21: {  	_ =	swait.ge [sflag:s12], $0x4000  }
0x22: {  	[sflag:s12] =	ssyncset.done $0x0  }
0x23: {  	[sflag:s12] =	ssyncadd.s32 $0xFFFFC000  }
0x24: {  	[spmem:s1] =	stream.indirect.scatter.add.f32 [tilespmem:s3], [sflag:$0x4], $0x80, s15, s0, $0xb8;
	[tilespmem:$0x1C400] =	vst v63  }
0x25: {  	_ =	swait.ge [sflag:s26], $0x4000  }
0x26: {  	[sflag:s26] =	ssyncset.done $0x0  }
0x27: {  	[sflag:s26] =	ssyncadd.s32 $0xFFFFC000  }
0x28: {  	[bflag:$0x0] =	sbarrier.arrive $0xFFFF  }
0x29: {  	[tilespmem:s25], [sflag:$0x4] =	stream.linear.gather [spmem:s6], $0x4000, $0x38;
	[tilespmem:$0x1C400] =	vst v63  }
0x2a: {  	_ =	swait.ge [sflag:s26], $0x4000  }
0x2b: {  	[sflag:s26] =	ssyncset.done $0x0  }
0x2c: {  	s10 =	rddreg [dreg:$0x8];
	[sflag:s26] =	ssyncadd.s32 $0xFFFFC000  }
0x2d: {  	[hbm4b:s10+s2] =	stream.linear.scatter [tilespmem:s25], [sflag:$0x4], $0x4000, $0x38;
	[tilespmem:$0x1C400] =	vst v63  }
0x2e: {  	_ =	swait.ge [sflag:s26], $0x4000  }
0x2f: {  	[sflag:s26] =	ssyncset.done $0x0  }
0x30: {  	[sflag:s26] =	ssyncadd.s32 $0xFFFFC000  }
0x31: {  	[tilespmem:s25], [sflag:$0x4] =	stream.linear.gather [spmem:s7], $0x4000, $0x38;
	[tilespmem:$0x1C400] =	vst v63  }
0x32: {  	_ =	swait.ge [sflag:s26], $0x4000  }
0x33: {  	[sflag:s26] =	ssyncset.done $0x0  }
0x34: {  	s19 =	rddreg [dreg:$0x9];
	[sflag:s26] =	ssyncadd.s32 $0xFFFFC000  }
0x35: {  	[hbm4b:s19+s2] =	stream.linear.scatter [tilespmem:s25], [sflag:$0x4], $0x4000, $0x38;
	[tilespmem:$0x1C400] =	vst v63  }
0x36: {  	_ =	swait.ge [sflag:s26], $0x4000  }
0x37: {  	[sflag:s26] =	ssyncset.done $0x0  }
0x38: {  	[sflag:s26] =	ssyncadd.s32 $0xFFFFC000  }
0x39: {  	[tilespmem:s25], [sflag:$0x4] =	stream.linear.gather [spmem:s8], $0x4000, $0x38;
	[tilespmem:$0x1C400] =	vst v63  }
0x3a: {  	_ =	swait.ge [sflag:s26], $0x4000  }
0x3b: {  	[sflag:s26] =	ssyncset.done $0x0  }
0x3c: {  	s17 =	rddreg [dreg:$0xa];
	[sflag:s26] =	ssyncadd.s32 $0xFFFFC000  }
0x3d: {  	[hbm4b:s17+s2] =	stream.linear.scatter [tilespmem:s25], [sflag:$0x4], $0x4000, $0x38;
	[tilespmem:$0x1C400] =	vst v63  }
0x3e: {  	_ =	swait.ge [sflag:s26], $0x4000  }
0x3f: {  	[sflag:s26] =	ssyncset.done $0x0  }
0x40: {  	[sflag:s26] =	ssyncadd.s32 $0xFFFFC000  }
0x41: {  	[tilespmem:s25], [sflag:$0x4] =	stream.linear.gather [spmem:s9], $0x4000, $0x38;
	[tilespmem:$0x1C400] =	vst v63  }
0x42: {  	_ =	swait.ge [sflag:s26], $0x4000  }
0x43: {  	[sflag:s26] =	ssyncset.done $0x0  }
0x44: {  	s18 =	rddreg [dreg:$0xb];
	[sflag:s26] =	ssyncadd.s32 $0xFFFFC000  }
0x45: {  	[hbm4b:s18+s2] =	stream.linear.scatter [tilespmem:s25], [sflag:$0x4], $0x4000, $0x38;
	[tilespmem:$0x1C400] =	vst v63  }
0x46: {  	_ =	swait.ge [sflag:s26], $0x4000  }
0x47: {  	[sflag:s26] =	ssyncset.done $0x0  }
0x48: {  	[sflag:s26] =	ssyncadd.s32 $0xFFFFC000  }
0x49: {  	[tilespmem:s25], [sflag:$0x4] =	stream.linear.gather [spmem:s11], $0x4000, $0x38;
	[tilespmem:$0x1C400] =	vst v63  }
0x4a: {  	s16 =	sadd.s32 $0x1, s16;
	_ =	swait.ge [sflag:s26], $0x4000  }
0x4b: {  	p0 =	sne.s32 s16, s20;
	[sflag:s26] =	ssyncset.done $0x0  }
.Ltmp1:
0x4c: {  	s19 =	rddreg [dreg:$0xc];
	[sflag:s26] =	ssyncadd.s32 $0xFFFFC000;
	(pc) =	sbr.rel @!p0 .LBB2_5-.Ltmp1, $4  }
0x4d: {  	[hbm4b:s19+s2] =	stream.linear.scatter [tilespmem:s25], [sflag:$0x4], $0x4000, $0x38;
	[tilespmem:$0x1C400] =	vst v63  }
0x4e: {  	_ =	swait.ge [sflag:s26], $0x4000  }
0x4f: {  	[sflag:s26] =	ssyncset.done $0x0  }
0x50: {  	[sflag:s26] =	ssyncadd.s32 $0xFFFFC000  }
.LBB2_1:
0x51: {  	s10 =	rddreg [dreg:$0x3]  }
0x52: {  	[tilespmem:s25], [sflag:$0x4] =	stream.linear.gather [hbm4b:s10+s2], $0x4000, $0x38;
	[tilespmem:$0x1C400] =	vst v63  }
0x53: {  	_ =	swait.ge [sflag:s26], $0x4000  }
0x54: {  	[sflag:s26] =	ssyncset.done $0x0  }
0x55: {  	[sflag:s26] =	ssyncadd.s32 $0xFFFFC000  }
0x56: {  	[spmem:s6] =	stream.linear.scatter [tilespmem:s25], [sflag:$0x4], $0x4000, $0x38;
	[tilespmem:$0x1C400] =	vst v63  }
0x57: {  	_ =	swait.ge [sflag:s26], $0x4000  }
0x58: {  	[sflag:s26] =	ssyncset.done $0x0  }
0x59: {  	[sflag:s26] =	ssyncadd.s32 $0xFFFFC000  }
0x5a: {  	[spmem:s7] =	stream.linear.scatter [tilespmem:s25], [sflag:$0x4], $0x4000, $0x38;
	[tilespmem:$0x1C400] =	vst v63  }
0x5b: {  	_ =	swait.ge [sflag:s26], $0x4000  }
0x5c: {  	[sflag:s26] =	ssyncset.done $0x0  }
0x5d: {  	[sflag:s26] =	ssyncadd.s32 $0xFFFFC000  }
0x5e: {  	[spmem:s8] =	stream.linear.scatter [tilespmem:s25], [sflag:$0x4], $0x4000, $0x38;
	[tilespmem:$0x1C400] =	vst v63  }
0x5f: {  	_ =	swait.ge [sflag:s26], $0x4000  }
0x60: {  	[sflag:s26] =	ssyncset.done $0x0  }
0x61: {  	[sflag:s26] =	ssyncadd.s32 $0xFFFFC000  }
0x62: {  	[spmem:s9] =	stream.linear.scatter [tilespmem:s25], [sflag:$0x4], $0x4000, $0x38;
	[tilespmem:$0x1C400] =	vst v63  }
0x63: {  	_ =	swait.ge [sflag:s26], $0x4000  }
0x64: {  	[sflag:s26] =	ssyncset.done $0x0  }
0x65: {  	[sflag:s26] =	ssyncadd.s32 $0xFFFFC000  }
0x66: {  	[spmem:s11] =	stream.linear.scatter [tilespmem:s25], [sflag:$0x4], $0x4000, $0x38;
	[tilespmem:$0x1C400] =	vst v63  }
0x67: {  	_ =	swait.ge [sflag:s26], $0x4000  }
0x68: {  	[sflag:s26] =	ssyncset.done $0x0  }
0x69: {  	[sflag:s26] =	ssyncadd.s32 $0xFFFFC000  }
0x6a: {  	[bflag:$0x0] =	sbarrier.arrive $0xFFFF  }
0x6b: {  	s19 =	rddreg [dreg:$0x4]  }
0x6c: {  	[tilespmem:s2], [sflag:$0x3] =	stream.linear.gather [hbm4b:s19+s2], $0x100, $0x38;
	[tilespmem:$0x1C400] =	vst v63  }
0x6d: {  	s17 =	rddreg [dreg:$0x5]  }
0x6e: {  	[tilespmem:s28], [sflag:$0x3] =	stream.linear.gather [hbm4b:s17+s2], $0x100, $0x38;
	[tilespmem:$0x1C400] =	vst v63  }
0x6f: {  	s18 =	rddreg [dreg:$0x6]  }
0x70: {  	[tilespmem:s29], [sflag:$0x3] =	stream.linear.gather [hbm4b:s18+s2], $0x100, $0x38;
	[tilespmem:$0x1C400] =	vst v63  }
0x71: {  	s19 =	rddreg [dreg:$0x7]  }
0x72: {  	[tilespmem:s30], [sflag:$0x3] =	stream.linear.gather [hbm4b:s19+s2], $0x100, $0x38;
	[tilespmem:$0x1C400] =	vst v63  }
0x73: {  	_ =	swait.ge [sflag:s31], $0x100  }
0x74: {  	[sflag:s31] =	ssyncset.done $0x0  }
0x75: {  	s17 =	simm.s32 $0x0;
	[sflag:s31] =	ssyncadd.s32 $0xFFFFFF00  }
0x76: {  	[tilespmem:s25], [sflag:$0x1] =	stream.indirect.gather [hbm4b:s4+s0], $0x80, s2, s0, $0xb8;
	[tilespmem:$0x1C400] =	vst v63  }
.LBB2_2:
0x77: {  	_ =	swait.ge [sflag:s31], $0x100  }
0x78: {  	[sflag:s31] =	ssyncset.done $0x0  }
0x79: {  	[sflag:s31] =	ssyncadd.s32 $0xFFFFFF00  }
0x7a: {  	[tilespmem:s3], [sflag:$0x2] =	stream.indirect.gather [hbm4b:s4+s0], $0x80, s28, s0, $0xb8;
	[tilespmem:$0x1C400] =	vst v63  }
0x7b: {  	_ =	swait.ge [sflag:s5], $0x4000  }
0x7c: {  	[sflag:s5] =	ssyncset.done $0x0  }
0x7d: {  	[sflag:s5] =	ssyncadd.s32 $0xFFFFC000  }
0x7e: {  	[spmem:s1] =	stream.indirect.scatter.add.f32 [tilespmem:s25], [sflag:$0x4], $0x80, s0, s0, $0xb8;
	[tilespmem:$0x1C400] =	vst v63  }
0x7f: {  	_ =	swait.ge [sflag:s26], $0x4000  }
0x80: {  	p0 =	seq.s32 s17, $0x980;
	[sflag:s26] =	ssyncset.done $0x0  }
0x81: {  	s10 =	sadd.s32 @!p0 s17, s24;
	s18 =	simm.s32 @!p0 $0x0;
	[sflag:s26] =	ssyncadd.s32 $0xFFFFC000  }
0x82: {  	[tilespmem:s18], [sflag:$0x3] =	stream.linear.gather @!p0 [hbm4b:s10+s18], $0x100, $0x38;
	[tilespmem:$0x1C400] =	vst v63  }
0x83: {  	_ =	swait.ge [sflag:s31], $0x100  }
0x84: {  	[sflag:s31] =	ssyncset.done $0x0  }
0x85: {  	[sflag:s31] =	ssyncadd.s32 $0xFFFFFF00  }
0x86: {  	[tilespmem:s25], [sflag:$0x1] =	stream.indirect.gather [hbm4b:s4+s0], $0x80, s29, s0, $0xb8;
	[tilespmem:$0x1C400] =	vst v63  }
0x87: {  	_ =	swait.ge [sflag:s12], $0x4000  }
0x88: {  	[sflag:s12] =	ssyncset.done $0x0  }
0x89: {  	[sflag:s12] =	ssyncadd.s32 $0xFFFFC000  }
0x8a: {  	[spmem:s1] =	stream.indirect.scatter.add.f32 [tilespmem:s3], [sflag:$0x4], $0x80, s13, s0, $0xb8;
	[tilespmem:$0x1C400] =	vst v63  }
0x8b: {  	_ =	swait.ge [sflag:s26], $0x4000  }
0x8c: {  	[sflag:s26] =	ssyncset.done $0x0  }
0x8d: {  	s19 =	simm.s32 @!p0 $0x100;
	s10 =	sadd.s32 @!p0 s17, s23;
	[sflag:s26] =	ssyncadd.s32 $0xFFFFC000  }
0x8e: {  	[tilespmem:s19], [sflag:$0x3] =	stream.linear.gather @!p0 [hbm4b:s10+s18], $0x100, $0x38;
	[tilespmem:$0x1C400] =	vst v63  }
0x8f: {  	_ =	swait.ge [sflag:s31], $0x100  }
0x90: {  	[sflag:s31] =	ssyncset.done $0x0  }
0x91: {  	[sflag:s31] =	ssyncadd.s32 $0xFFFFFF00  }
0x92: {  	[tilespmem:s3], [sflag:$0x2] =	stream.indirect.gather [hbm4b:s4+s0], $0x80, s30, s0, $0xb8;
	[tilespmem:$0x1C400] =	vst v63  }
0x93: {  	_ =	swait.ge [sflag:s5], $0x4000  }
0x94: {  	[sflag:s5] =	ssyncset.done $0x0  }
.Ltmp2:
0x95: {  	[sflag:s5] =	ssyncadd.s32 $0xFFFFC000;
	(pc) =	sbr.rel @p0 .LBB2_4-.Ltmp2, $4  }
0x96: {  	[spmem:s1] =	stream.indirect.scatter.add.f32 [tilespmem:s25], [sflag:$0x4], $0x80, s14, s0, $0xb8;
	[tilespmem:$0x1C400] =	vst v63  }
0x97: {  	_ =	swait.ge [sflag:s26], $0x4000  }
0x98: {  	[sflag:s26] =	ssyncset.done $0x0  }
0x99: {  	[sflag:s26] =	ssyncadd.s32 $0xFFFFC000  }
0x9a: {  	s10 =	sadd.s32 s17, s22  }
0x9b: {  	[tilespmem:s29], [sflag:$0x3] =	stream.linear.gather [hbm4b:s10+s2], $0x100, $0x38;
	[tilespmem:$0x1C400] =	vst v63  }
0x9c: {  	_ =	swait.ge [sflag:s31], $0x100  }
0x9d: {  	[sflag:s31] =	ssyncset.done $0x0  }
0x9e: {  	[sflag:s31] =	ssyncadd.s32 $0xFFFFFF00  }
0x9f: {  	[tilespmem:s25], [sflag:$0x1] =	stream.indirect.gather [hbm4b:s4+s0], $0x80, s2, s0, $0xb8;
	[tilespmem:$0x1C400] =	vst v63  }
0xa0: {  	_ =	swait.ge [sflag:s12], $0x4000  }
0xa1: {  	[sflag:s12] =	ssyncset.done $0x0  }
0xa2: {  	[sflag:s12] =	ssyncadd.s32 $0xFFFFC000  }
0xa3: {  	[spmem:s1] =	stream.indirect.scatter.add.f32 [tilespmem:s3], [sflag:$0x4], $0x80, s15, s0, $0xb8;
	[tilespmem:$0x1C400] =	vst v63  }
.Ltmp3:
0xa4: {  	_ = 	snop;
	(pc) =	sbr.rel .LBB2_2-.Ltmp3, $4  }
0xa5: {  	_ =	swait.ge [sflag:s26], $0x4000  }
0xa6: {  	[sflag:s26] =	ssyncset.done $0x0  }
0xa7: {  	s19 =	sadd.s32 s17, s21;
	s17 =	sadd.s32 $0x80, s17;
	[sflag:s26] =	ssyncadd.s32 $0xFFFFC000  }
0xa8: {  	[tilespmem:s30], [sflag:$0x3] =	stream.linear.gather [hbm4b:s19+s2], $0x100, $0x38;
	[tilespmem:$0x1C400] =	vst v63  }
.LBB2_5:
0xa9: {  	_ =	sfence.sel $0x180000  }
0xaa: {  	[bflag:$0x0] =	sbarrier.arrive $0xFFFF  }
0xab: {  	_ =	strace $0x9000004D  }
0xac: {  	s0 =	stileid.u32;
	[bflag:$0x2] =	sbarrier.arrive $0xFFFF  }
0xad: {  	p0 =	sne.s32 s0, $0x0;
	s0 =	rddreg [dreg:$0x2]  }
0xae: {  	s0 =	sadd.s32 @!p0 $0x100000, s0  }
0xaf: {  	[sflag:s0] =	ssyncadd.tile.s32 @!p0 $0x1;
	_ =	shalt  }
.Lfunc_end2:
_tile_overlayer_lowered:
.L_overlay_start_2:
0xb0: {  	(tag) =	ssettag $0x2  }
0xb1: {  	s0 =	rddreg [dreg:$0x0];
	s2 =	stileid.u32  }
0xb2: {  	s1 =	rddreg [dreg:$0x1];
	p0 =	sne.s32 s2, $0x0  }
0xb3: {  	s3 =	rddreg [dreg:$0x2];
	[bflag:$0x3] =	sbarrier.arrive $0xFFFF;
	s2 =	simm.s32 @!p0 $0x1C04  }
0xb4: {  	[timem:s3], [sflag:s2] =	dma.local @!p0 [hbm:s0], s1  }
0xb5: {  	s0 =	simm.s32 @!p0 $0x4  }
0xb6: {  	_ =	swait.ge @!p0 [sflag:s0], s1  }
0xb7: {  	s1 =	ssub.s32 @!p0 $0x0, s1;
	[sflag:s0] =	ssyncset.done @!p0 $0x0  }
0xb8: {  	[sflag:s0] =	ssyncadd.s32 @!p0 s1  }
0xb9: {  	[bflag:$0x3] =	sbarrier.arrive $0xFFFF  }
0xba: {  	_ =	shalt  }

// kernel: kernel.8.cloned.1.call-start
scs
__scs_entry_jumppad:
0x0: {  	(pc) =	sbr.rel $0x88, $3  }
0x1: {  	(tag) =	ssettag $0x0;
	lr =	simm.s32 $0x1  }
0x2: {  	[smem:$0x3F99] =	sst lr;
	_ =	strace $0xD0000000  }
0x3: {  	_ = 	snop  }
0x4: {  	_ = 	snop  }
0x5: {  	_ = 	snop  }
0x6: {  	_ = 	snop  }
0x7: {  	_ = 	snop  }
__scs_overlays_trampoline_lowered:
0x8: {  	[smem:$0x3FA8] =	sst s0  }
0x9: {  	[smem:$0x3FA9] =	sst s1  }
0xa: {  	[smem:$0x3FAA] =	sst s2  }
0xb: {  	[smem:$0x3FAB] =	sst s3  }
0xc: {  	[smem:$0x3FAC] =	sst s4  }
0xd: {  	[smem:$0x3FAD] =	sst s5  }
0xe: {  	[smem:$0x3FAE] =	sst s6  }
0xf: {  	[smem:$0x3FAF] =	sst s7  }
0x10: {  	[smem:$0x3FB0] =	sst s8  }
0x11: {  	[smem:$0x3FB1] =	sst s9;
	s0 =	simm.s32 @!p0 $0x0  }
0x12: {  	s1 =	sld [smem:$0x3F97];
	s0 =	simm.s32 @p0 $0x1  }
0x13: {  	[smem:$0x3FB2] =	sst s0;
	s0 =	simm.s32 @!p1 $0x0  }
0x14: {  	s2 =	sld [smem:$0x3F96];
	s0 =	simm.s32 @p1 $0x1  }
0x15: {  	[smem:$0x3FB3] =	sst s0;
	s0 =	simm.s32 @!p2 $0x0  }
0x16: {  	s3 =	sld [smem:$0x3FDB];
	s0 =	simm.s32 @p2 $0x1  }
0x17: {  	s4 =	simm.s32 $0x1BF5;
	[smem:$0x3FB5] =	sst s0  }
0x18: {  	s0 =	sld [smem:$0x3F98];
	_ =	swait.ge [sflag:s4], $0x0  }
0x19: {  	s7 =	sld [smem:$0x3F99]  }
0x1a: {  	s8 =	sadd.s32 $0xFFFFE003, lr  }
0x1b: {  	s9 =	sadd.s32 $0xFFFFFEF7, lr;
	s5 =	simm.s32 $0xFFFFFFFF;
	p2 =	slt.u32 s8, $0xFFFFF086  }
0x1c: {  	p1 =	slt.u32 s9, $0xF7A;
	s5 =	simm.s32 @!p2 $0x0  }
0x1d: {  	s5 =	simm.s32 @p1 $0x1;
	p0 =	seq.s32 s7, s2  }
0x1e: {  	s7 =	smul.u32 @!p0 $0xF7A, s2;
	p2 =	seq.s32 @!p0 s5, $0x0  }
0x1f: {  	s9 =	smul.u32 $0xF7A, s1;
	s8 =	simm.s32 @!p0 $0x1BF5;
	p2 =	por !p2, p0  }
0x20: {  	[sflag:s8] =	ssyncset.s32 @!p0 $0xFFFFF086;
	s6 =	sadd.s32 @!p0 s3, s7;
	s7 =	simm.s32 @!p0 $0x108  }
0x21: {  	s3 =	sadd.s32 s3, s9;
	s6 =	sadd.s32 @!p0 $0x88, s6;
	s7 =	simm.s32 @p2 $0x1082  }
0x22: {  	[simem:s7], [sflag:s8] =	dma.local @!p0 [hbm:s6], $0xF7A  }
0x23: {  	s9 =	sor.u32 $0xD0000000, s2;
	s6 =	simm.s32 $0x108;
	_ =	swait.ge @!p0 [sflag:s8], $0x0  }
0x24: {  	s3 =	sadd.s32 $0x88, s3;
	s6 =	simm.s32 @!p1 $0x1082;
	[sflag:s4] =	ssyncset.s32 $0xFFFFF086  }
0x25: {  	[simem:s6], [sflag:s4] =	dma.local [hbm:s3], $0xF7A  }
0x26: {  	[smem:$0x3F99] =	sst s1;
	(tag) =	ssettag s2;
	_ =	strace s9  }
0x27: {  	s1 =	sld [smem:$0x3FA9]  }
0x28: {  	s2 =	sld [smem:$0x3FAA]  }
0x29: {  	s4 =	sld [smem:$0x3FAC]  }
0x2a: {  	p0 =	seq.s32 s5, $0x0;
	s5 =	sld [smem:$0x3FAD]  }
0x2b: {  	s6 =	sld [smem:$0x3FAE]  }
0x2c: {  	s7 =	sld [smem:$0x3FAF]  }
0x2d: {  	s3 =	simm.s32 $0x108;
	s8 =	sld [smem:$0x3FB0]  }
0x2e: {  	s3 =	simm.s32 @!p0 $0x1082;
	s9 =	sld [smem:$0x3FB1]  }
0x2f: {  	lr =	sadd.s32 s0, s3;
	s0 =	sld [smem:$0x3FA8]  }
0x30: {  	s3 =	sld [smem:$0x3FAB]  }
0x31: {  	[smem:$0x3FB4] =	sst s10  }
0x32: {  	s10 =	sld [smem:$0x3FB2];
	_ =	sdelay $0x3  }
0x33: {  	p0 =	seq.s32 s10, $0x1;
	s10 =	sld [smem:$0x3FB4];
	_ =	sdelay $0x3  }
0x34: {  	[smem:$0x3FB4] =	sst s10  }
0x35: {  	s10 =	sld [smem:$0x3FB3];
	_ =	sdelay $0x3  }
0x36: {  	p1 =	seq.s32 s10, $0x1;
	s10 =	sld [smem:$0x3FB4];
	_ =	sdelay $0x3  }
0x37: {  	[smem:$0x3FB4] =	sst s10  }
0x38: {  	s10 =	sld [smem:$0x3FB5]  }
0x39: {  	_ = 	snop;
	(pc) =	sbr.ind lr, $3  }
0x3a: {  	_ = 	snop  }
0x3b: {  	_ = 	snop  }
0x3c: {  	p2 =	seq.s32 s10, $0x1;
	s10 =	sld [smem:$0x3FB4]  }
0x3d: {  	_ =	shalt  }
0x3e: {  	_ =	shalt  }
0x3f: {  	_ =	shalt  }
0x40: {  	_ =	shalt  }
0x41: {  	_ =	shalt  }
0x42: {  	_ =	shalt  }
0x43: {  	_ =	shalt  }
0x44: {  	_ =	shalt  }
0x45: {  	_ =	shalt  }
0x46: {  	_ =	shalt  }
0x47: {  	_ =	shalt  }
0x48: {  	_ =	shalt  }
0x49: {  	_ =	shalt  }
0x4a: {  	_ =	shalt  }
0x4b: {  	_ =	shalt  }
0x4c: {  	_ =	shalt  }
0x4d: {  	_ =	shalt  }
0x4e: {  	_ =	shalt  }
0x4f: {  	_ =	shalt  }
0x50: {  	_ =	shalt  }
0x51: {  	_ =	shalt  }
0x52: {  	_ =	shalt  }
0x53: {  	_ =	shalt  }
0x54: {  	_ =	shalt  }
0x55: {  	_ =	shalt  }
0x56: {  	_ =	shalt  }
0x57: {  	_ =	shalt  }
0x58: {  	_ =	shalt  }
0x59: {  	_ =	shalt  }
0x5a: {  	_ =	shalt  }
0x5b: {  	_ =	shalt  }
0x5c: {  	_ =	shalt  }
0x5d: {  	_ =	shalt  }
0x5e: {  	_ =	shalt  }
0x5f: {  	_ =	shalt  }
0x60: {  	_ =	shalt  }
0x61: {  	_ =	shalt  }
0x62: {  	_ =	shalt  }
0x63: {  	_ =	shalt  }
0x64: {  	_ =	shalt  }
0x65: {  	_ =	shalt  }
0x66: {  	_ =	shalt  }
0x67: {  	_ =	shalt  }
0x68: {  	_ =	shalt  }
0x69: {  	_ =	shalt  }
0x6a: {  	_ =	shalt  }
0x6b: {  	_ =	shalt  }
0x6c: {  	_ =	shalt  }
0x6d: {  	_ =	shalt  }
0x6e: {  	_ =	shalt  }
0x6f: {  	_ =	shalt  }
0x70: {  	_ =	shalt  }
0x71: {  	_ =	shalt  }
0x72: {  	_ =	shalt  }
0x73: {  	_ =	shalt  }
0x74: {  	_ =	shalt  }
0x75: {  	_ =	shalt  }
0x76: {  	_ =	shalt  }
0x77: {  	_ =	shalt  }
0x78: {  	_ =	shalt  }
0x79: {  	_ =	shalt  }
0x7a: {  	_ =	shalt  }
0x7b: {  	_ =	shalt  }
0x7c: {  	_ =	shalt  }
0x7d: {  	_ =	shalt  }
0x7e: {  	_ =	shalt  }
0x7f: {  	_ =	shalt  }
0x80: {  	_ =	shalt  }
0x81: {  	_ =	shalt  }
0x82: {  	_ =	shalt  }
0x83: {  	_ =	shalt  }
0x84: {  	_ =	shalt  }
0x85: {  	_ =	shalt  }
0x86: {  	_ =	shalt  }
0x87: {  	_ =	shalt  }
.Lfunc_end0:
.L_simem_size_0:
called_computation_lowered:
.L_overlay_start_0:
0x88: {  	s2 =	sld [smem:$0x3FD9]  }
0x89: {  	s3 =	sld [smem:$0x3FFE];
	_ =	sdelay $0x1  }
0x8a: {  	s1 =	srdreg.scid  }
0x8b: {  	s0 =	sand.u32 $0x1, s1  }
0x8c: {  	s17 =	sshll.u32 s0, $0xA;
	s2 =	sadd.s32 s3, s2  }
0x8d: {  	s2 =	sadd.s32 s2, s17  }
0x8e: {  	[smem:$0x3FC0] =	sst s2  }
0x8f: {  	_ = 	snop  }
0x90: {  	s2 =	sld [smem:$0x3FD0];
	(tm) =	ssettm $0x1  }
0x91: {  	s18 =	sld [smem:$0x3FFB];
	_ =	sdelay $0x3  }
0x92: {  	_ =	strace s18  }
0x93: {  	s3 =	sld [smem:$0x3FFC];
	_ =	sdelay $0x3  }
0x94: {  	_ =	strace s3  }
0x95: {  	s3 =	sld [smem:$0x3FFD];
	_ =	sdelay $0x3  }
0x96: {  	_ =	strace s3  }
0x97: {  	_ =	strace $0x8FFFFFFF  }
0x98: {  	s19 =	sld [smem:$0x3FDB];
	_ =	sdelay $0x1  }
0x99: {  	s4 =	simm.s32 $_scs_section_size  }
0x9a: {  	s5 =	simm.s32 $_size__tile_overlayer_lowered;
	s6 =	simm.s32 $_tile_overlayer_lowered  }
0x9b: {  	s22 =	simm.s32 $0x1BFF;
	s21 =	sshll.u32 s6, $0x1;
	s3 =	sadd.s32 s4, s19  }
0x9c: {  	s7 =	simm.s32 $0x0;
	s20 =	sshll.u32 s5, $0x1;
	s5 =	sadd.s32 s21, s3  }
0x9d: {  	[timem:s7], [sflag:s22] =	dma.local [hbm:s5], s20  }
0x9e: {  	_ =	swait.ge [sflag:s22], s20  }
0x9f: {  	s4 =	ssub.s32 $0x0, s20;
	[sflag:s22] =	ssyncset.done $0x0  }
0xa0: {  	[sflag:s22] =	ssyncadd.s32 s4;
	_ =	sdelay $0x1  }
0xa1: {  	s23 =	simm.s32 $0x1B8B  }
0xa2: {  	_ =	swait.ge [sflag:s23], $0x1  }
0xa3: {  	[sflag:s23] =	ssyncset.done $0x0  }
0xa4: {  	s25 =	simm.s32 $0x1B8E;
	s24 =	sld [smem:$0x3FFE];
	[sflag:s23] =	ssyncadd.s32 $0xFFFFFFFF  }
0xa5: {  	s26 =	simm.s32 $execute0_lowered;
	[smem:$0x3FD2] =	sst s25  }
0xa6: {  	s5 =	sshll.u32 s26, $0x1;
	_ =	strace $0x80000046;
	[dreg:$0x1] =	wrdreg $0xFFFFFFFF  }
0xa7: {  	s28 =	simm.s32 $_size_execute0_lowered;
	s3 =	sadd.s32 s3, s5;
	[dreg:$0x0] =	wrdreg $0x0  }
0xa8: {  	s5 =	sshll.u32 s28, $0x1;
	[dreg:$0x2] =	wrdreg s3  }
0xa9: {  	[dreg:$0x3] =	wrdreg s5  }
0xaa: {  	[dreg:$0x4] =	wrdreg $0xC0  }
0xab: {  	_ =	task [dreg:s7], $0x5FFFF  }
0xac: {  	[dreg:$0x1] =	wrdreg $0xFFFFFFFF  }
0xad: {  	[dreg:$0x0] =	wrdreg $0x60  }
0xae: {  	[dreg:$0x2] =	wrdreg s2  }
0xaf: {  	[dreg:$0x3] =	wrdreg s24  }
0xb0: {  	[dreg:$0x4] =	wrdreg $0x81000  }
0xb1: {  	[dreg:$0x5] =	wrdreg $0x9  }
0xb2: {  	_ =	task.clear_ibuf [dreg:s7], $0x6FFFF;
	_ =	strace $0x90000046  }
0xb3: {  	s29 =	simm.s32 $0x9;
	_ =	strace $0x80000048  }
0xb4: {  	_ =	swait.ge [sflag:s29], $0x1  }
0xb5: {  	[sflag:s29] =	ssyncadd.s32 $0xFFFFFFFF  }
0xb6: {  	_ =	strace $0x90000048  }
0xb7: {  	_ =	sfence  }
0xb8: {  	s30 =	sld [smem:$0x0];
	_ =	sdelay $0x2  }
0xb9: {  	s31 =	sshll.u32 s1, $0xD;
	s1 =	sshrl.u32 s1, $0x2  }
0xba: {  	s3 =	sand.u32 $0x4000, s31;
	s1 =	sadd.s32 s1, s30  }
0xbb: {  	s0 =	sor.u32 s3, s0;
	s1 =	sshll.u32 s1, $0x11  }
0xbc: {  	s0 =	sor.u32 s1, s0  }
0xbd: {  	s0 =	sadd.s32 $0x8F2B, s0  }
0xbe: {  	[sflag:s0] =	ssyncadd.remote.s32 $0x1  }
0xbf: {  	_ =	sfence.sel $0xFFFF  }
0xc0: {  	[dreg:$0x0] =	wrdreg $0xFFFFFFFF;
	(pc) =	sbr.abs _section_cstart, $3  }
0xc1: {  	[dreg:$0x1] =	wrdreg $0xFFFFFFFF  }
0xc2: {  	_ =	task.clear_ibuf [dreg:s7], $0x2FFFF;
	_ =	strace $0x9FFFFFFF  }
0xc3: {  	(tm) =	ssettm $0x7FFFFFFF  }
tec
execute0_lowered:
.L_overlay_start_1:
0x0: {  	(tag) =	ssettag $0x1  }
0x1: {  	s1 =	rddreg [dreg:$0x0]  }
0x2: {  	s7 =	rddreg [dreg:$0x1]  }
0x3: {  	s2 =	rddreg [dreg:$0x2];
	s3 =	simm.s32 $0x0;
	s8 =	srdreg.scid  }
0x4: {  	s4 =	stileid.u32;
	s24 =	simm.s32 $0x1;
	s25 =	simm.s32 $0x100  }
0x5: {  	[smem:$0x7FF] =	sst s3;
	s5 =	sadd.s32 $0x4200, s7;
	s6 =	sadd.s32 $0x3A00, s7  }
0x6: {  	s10 =	sand.u32 $0x1, s8;
	s18 =	sadd.s32 $0x4A00, s7;
	s28 =	smul.u32 $0x50000, s4  }
0x7: {  	s13 =	smul.u32 $0x14000, s4;
	_ =	strace $0x80000047;
	s26 =	ssub.s32 $0x2, s10  }
0x8: {  	s11 =	sshll.u32 s10, $0x4;
	s17 =	smul.u32 $0x140000, s10;
	s9 =	sshrl.u32 s26, $0x1  }
0x9: {  	s11 =	sor.u32 s4, s11;
	s29 =	sshrl.u32 s28, $0x2;
	s14 =	sadd.s32 $0x4000, s13  }
0xa: {  	s16 =	sadd.s32 $0x8000, s13;
	s20 =	sadd.s32 $0xC000, s13;
	s21 =	sadd.s32 $0x10000, s13  }
0xb: {  	s19 =	ssub.s32 s26, s9;
	s7 =	sadd.s32 s29, s2;
	s8 =	sadd.s32 s14, s2  }
0xc: {  	s9 =	sadd.s32 s16, s2;
	s10 =	smul.u32 $0x2800, s11;
	s11 =	sadd.s32 s20, s2  }
0xd: {  	s12 =	sadd.s32 s21, s2;
	s13 =	sadd.s32 s13, s17;
	s23 =	sadd.s32 s17, s14  }
0xe: {  	s16 =	sadd.s32 s17, s16;
	s20 =	sadd.s32 s17, s20;
	s21 =	sadd.s32 s17, s21  }
0xf: {  	s26 =	simm.s32 $0x0;
	s22 =	sshrl.u32 s13, $0x3;
	s30 =	sshrl.u32 s23, $0x3  }
0x10: {  	s16 =	sshrl.u32 s16, $0x3;
	s20 =	sshrl.u32 s20, $0x3;
	s31 =	sshrl.u32 s21, $0x3  }
0x11: {  	s19 =	smax.u32 s19, $0x1;
	s21 =	simm.s32 $0x2;
	s23 =	simm.s32 $0x80  }
0x12: {  	s15 =	sshrl.u32 s10, $0x3;
	s14 =	sadd.s32 s18, s22;
	s16 =	sadd.s32 s18, s16  }
0x13: {  	s17 =	sadd.s32 s18, s20;
	s22 =	simm.s32 $0x4100;
	s13 =	sadd.s32 s1, s15  }
0x14: {  	s15 =	sadd.s32 s18, s30;
	s18 =	sadd.s32 s18, s31;
	s20 =	sadd.s32 $0x4F0, s13  }
.LBB2_1:
0x15: {  	[tilespmem:s25], [sflag:$0x2] =	stream.linear.gather [hbm4b:s5+s3], $0x4000, $0x38;
	[tilespmem:$0x1C100] =	vst v63  }
0x16: {  	_ =	swait.ge [sflag:s21], $0x4000  }
0x17: {  	[sflag:s21] =	ssyncset.done $0x0  }
0x18: {  	[sflag:s21] =	ssyncadd.s32 $0xFFFFC000  }
0x19: {  	[tilespmem:s22], [sflag:$0x2] =	stream.linear.gather [hbm4b:s6+s3], $0x4000, $0x38;
	[tilespmem:$0x1C100] =	vst v63  }
0x1a: {  	_ =	swait.ge [sflag:s21], $0x4000  }
0x1b: {  	[sflag:s21] =	ssyncset.done $0x0  }
0x1c: {  	[sflag:s21] =	ssyncadd.s32 $0xFFFFC000  }
0x1d: {  	[spmem:s7] =	stream.linear.scatter [tilespmem:s22], [sflag:$0x2], $0x4000, $0x38;
	[tilespmem:$0x1C100] =	vst v63  }
0x1e: {  	_ =	swait.ge [sflag:s21], $0x4000  }
0x1f: {  	[sflag:s21] =	ssyncset.done $0x0  }
0x20: {  	[sflag:s21] =	ssyncadd.s32 $0xFFFFC000  }
0x21: {  	[spmem:s8] =	stream.linear.scatter [tilespmem:s22], [sflag:$0x2], $0x4000, $0x38;
	[tilespmem:$0x1C100] =	vst v63  }
0x22: {  	_ =	swait.ge [sflag:s21], $0x4000  }
0x23: {  	[sflag:s21] =	ssyncset.done $0x0  }
0x24: {  	[sflag:s21] =	ssyncadd.s32 $0xFFFFC000  }
0x25: {  	[spmem:s9] =	stream.linear.scatter [tilespmem:s22], [sflag:$0x2], $0x4000, $0x38;
	[tilespmem:$0x1C100] =	vst v63  }
0x26: {  	_ =	swait.ge [sflag:s21], $0x4000  }
0x27: {  	[sflag:s21] =	ssyncset.done $0x0  }
0x28: {  	[sflag:s21] =	ssyncadd.s32 $0xFFFFC000  }
0x29: {  	[spmem:s11] =	stream.linear.scatter [tilespmem:s22], [sflag:$0x2], $0x4000, $0x38;
	[tilespmem:$0x1C100] =	vst v63  }
0x2a: {  	_ =	swait.ge [sflag:s21], $0x4000  }
0x2b: {  	s28 =	simm.s32 $0x0;
	[sflag:s21] =	ssyncset.done $0x0  }
0x2c: {  	s29 =	sand.u32 $0x3C00, s28;
	[sflag:s21] =	ssyncadd.s32 $0xFFFFC000  }
0x2d: {  	[spmem:s12] =	stream.linear.scatter [tilespmem:s22], [sflag:$0x2], $0x4000, $0x38;
	[tilespmem:$0x1C100] =	vst v63  }
0x2e: {  	s28 =	sand.u32 $0x300, s28;
	s29 =	sadd.s32 s10, s29;
	_ =	swait.ge [sflag:s21], $0x4000  }
0x2f: {  	s28 =	sor.u32 s29, s28;
	[sflag:s21] =	ssyncset.done $0x0  }
0x30: {  	s28 =	sor.u32 $0x80, s28;
	[sflag:s21] =	ssyncadd.s32 $0xFFFFC000  }
0x31: {  	s28 =	sshrl.u32 s28, $0x3;
	[bflag:$0x0] =	sbarrier.arrive $0xFFFF  }
0x32: {  	[tilespmem:s3], [sflag:$0x1] =	stream.linear.gather [hbm4b:s13+s3], $0x80, $0x38;
	[tilespmem:$0x1C100] =	vst v63  }
0x33: {  	s28 =	sadd.s32 s1, s28  }
0x34: {  	[tilespmem:s23], [sflag:$0x1] =	stream.linear.gather [hbm4b:s28+s3], $0x80, $0x38;
	[tilespmem:$0x1C100] =	vst v63  }
0x35: {  	s28 =	sand.u32 $0x7C00, s25;
	_ =	swait.ge [sflag:s24], $0x80  }
0x36: {  	s29 =	sand.u32 $0x300, s25;
	s28 =	sadd.s32 s10, s28;
	[sflag:s24] =	ssyncset.done $0x0  }
0x37: {  	s28 =	sor.u32 s29, s28;
	s29 =	simm.s32 $0x100;
	[sflag:s24] =	ssyncadd.s32 $0xFFFFFF80  }
0x38: {  	[spmem:s2] =	stream.indirect.scatter.add.f32 [tilespmem:s25], [sflag:$0x2], $0x80, s3, s23, $0xb8;
	[tilespmem:$0x1C100] =	vst v63  }
0x39: {  	s28 =	sshrl.u32 s28, $0x3;
	s30 =	sand.u32 $0x3C00, s29;
	_ =	swait.ge [sflag:s21], $0x4000  }
0x3a: {  	s31 =	sand.u32 $0x300, s29;
	s29 =	simm.s32 $0x300;
	[sflag:s21] =	ssyncset.done $0x0  }
0x3b: {  	s28 =	sadd.s32 s1, s28;
	s30 =	sadd.s32 s10, s30;
	[sflag:s21] =	ssyncadd.s32 $0xFFFFC000  }
0x3c: {  	[tilespmem:s3], [sflag:$0x1] =	stream.linear.gather [hbm4b:s28+s3], $0x80, $0x38;
	[tilespmem:$0x1C100] =	vst v63  }
0x3d: {  	s30 =	sor.u32 s30, s31;
	s28 =	simm.s32 $0x200;
	_ =	swait.ge [sflag:s24], $0x80  }
.LBB2_2:
0x3e: {  	p0 =	sne.s32 s29, $0x2700  }
0x3f: {  	[sflag:s24] =	ssyncset.done $0x0;
	s31 =	smov.u32 s29;
	s29 =	sadd.s32 $0x100, s29  }
0x40: {  	[sflag:s24] =	ssyncadd.s32 $0xFFFFFF80  }
0x41: {  	[spmem:s2] =	stream.indirect.scatter.add.f32 [tilespmem:s25], [sflag:$0x2], $0x80, s23, s23, $0xb8;
	[tilespmem:$0x1C100] =	vst v63  }
0x42: {  	s30 =	sor.u32 $0x80, s30;
	_ =	swait.ge [sflag:s21], $0x4000  }
0x43: {  	s30 =	sshrl.u32 s30, $0x3;
	[sflag:s21] =	ssyncset.done $0x0  }
0x44: {  	s30 =	sadd.s32 s1, s30;
	[sflag:s21] =	ssyncadd.s32 $0xFFFFC000  }
0x45: {  	[tilespmem:s23], [sflag:$0x1] =	stream.linear.gather [hbm4b:s30+s3], $0x80, $0x38;
	[tilespmem:$0x1C100] =	vst v63  }
0x46: {  	_ =	swait.ge [sflag:s24], $0x80  }
0x47: {  	s0 =	sand.u32 $0x300, s28;
	[sflag:s24] =	ssyncset.done $0x0  }
0x48: {  	s30 =	sand.u32 $0x7C00, s28;
	s28 =	smov.u32 s31;
	[sflag:s24] =	ssyncadd.s32 $0xFFFFFF80  }
0x49: {  	[spmem:s2] =	stream.indirect.scatter.add.f32 [tilespmem:s25], [sflag:$0x2], $0x80, s3, s23, $0xb8;
	[tilespmem:$0x1C100] =	vst v63  }
0x4a: {  	s30 =	sadd.s32 s10, s30;
	s31 =	sadd.s32 $0xFFFFFF00, s28;
	_ =	swait.ge [sflag:s21], $0x4000  }
.Ltmp0:
0x4b: {  	s0 =	sor.u32 s0, s30;
	[sflag:s21] =	ssyncset.done $0x0;
	(pc) =	sbr.rel @p0 .LBB2_2-.Ltmp0, $4  }
0x4c: {  	s30 =	sand.u32 $0x3C00, s31;
	s0 =	sshrl.u32 s0, $0x3;
	[sflag:s21] =	ssyncadd.s32 $0xFFFFC000  }
0x4d: {  	s31 =	sand.u32 $0x300, s31;
	s30 =	sadd.s32 s10, s30;
	s0 =	sadd.s32 s1, s0  }
0x4e: {  	[tilespmem:s3], [sflag:$0x1] =	stream.linear.gather [hbm4b:s0+s3], $0x80, $0x38;
	[tilespmem:$0x1C100] =	vst v63  }
0x4f: {  	s30 =	sor.u32 s30, s31;
	_ =	swait.ge [sflag:s24], $0x80  }
0x50: {  	[sflag:s24] =	ssyncset.done $0x0  }
0x51: {  	[sflag:s24] =	ssyncadd.s32 $0xFFFFFF80  }
0x52: {  	[spmem:s2] =	stream.indirect.scatter.add.f32 [tilespmem:s25], [sflag:$0x2], $0x80, s23, s23, $0xb8;
	[tilespmem:$0x1C100] =	vst v63  }
0x53: {  	s0 =	sor.u32 $0x80, s30;
	_ =	swait.ge [sflag:s21], $0x4000  }
0x54: {  	s0 =	sshrl.u32 s0, $0x3;
	[sflag:s21] =	ssyncset.done $0x0  }
0x55: {  	s0 =	sadd.s32 s1, s0;
	[sflag:s21] =	ssyncadd.s32 $0xFFFFC000  }
0x56: {  	[tilespmem:s23], [sflag:$0x1] =	stream.linear.gather [hbm4b:s0+s3], $0x80, $0x38;
	[tilespmem:$0x1C100] =	vst v63  }
0x57: {  	_ =	swait.ge [sflag:s24], $0x80  }
0x58: {  	s30 =	sand.u32 $0x7C00, s28;
	[sflag:s24] =	ssyncset.done $0x0  }
0x59: {  	s31 =	sand.u32 $0x300, s28;
	s0 =	sadd.s32 s10, s30;
	[sflag:s24] =	ssyncadd.s32 $0xFFFFFF80  }
0x5a: {  	[spmem:s2] =	stream.indirect.scatter.add.f32 [tilespmem:s25], [sflag:$0x2], $0x80, s3, s23, $0xb8;
	[tilespmem:$0x1C100] =	vst v63  }
0x5b: {  	s0 =	sor.u32 s31, s0;
	_ =	swait.ge [sflag:s21], $0x4000  }
0x5c: {  	s0 =	sshrl.u32 s0, $0x3;
	[sflag:s21] =	ssyncset.done $0x0  }
0x5d: {  	s0 =	sadd.s32 s1, s0;
	[sflag:s21] =	ssyncadd.s32 $0xFFFFC000  }
0x5e: {  	[tilespmem:s3], [sflag:$0x1] =	stream.linear.gather [hbm4b:s0+s3], $0x80, $0x38;
	[tilespmem:$0x1C100] =	vst v63  }
0x5f: {  	_ =	swait.ge [sflag:s24], $0x80  }
0x60: {  	[sflag:s24] =	ssyncset.done $0x0  }
0x61: {  	[sflag:s24] =	ssyncadd.s32 $0xFFFFFF80  }
0x62: {  	[spmem:s2] =	stream.indirect.scatter.add.f32 [tilespmem:s25], [sflag:$0x2], $0x80, s23, s23, $0xb8;
	[tilespmem:$0x1C100] =	vst v63  }
0x63: {  	_ =	swait.ge [sflag:s21], $0x4000  }
0x64: {  	[sflag:s21] =	ssyncset.done $0x0  }
0x65: {  	[sflag:s21] =	ssyncadd.s32 $0xFFFFC000  }
0x66: {  	[tilespmem:s23], [sflag:$0x1] =	stream.linear.gather [hbm4b:s20+s3], $0x80, $0x38;
	[tilespmem:$0x1C100] =	vst v63  }
0x67: {  	_ =	swait.ge [sflag:s24], $0x80  }
0x68: {  	[sflag:s24] =	ssyncset.done $0x0  }
0x69: {  	[sflag:s24] =	ssyncadd.s32 $0xFFFFFF80  }
0x6a: {  	[spmem:s2] =	stream.indirect.scatter.add.f32 [tilespmem:s25], [sflag:$0x2], $0x80, s3, s23, $0xb8;
	[tilespmem:$0x1C100] =	vst v63  }
0x6b: {  	_ =	swait.ge [sflag:s21], $0x4000  }
0x6c: {  	[sflag:s21] =	ssyncset.done $0x0  }
0x6d: {  	[sflag:s21] =	ssyncadd.s32 $0xFFFFC000  }
0x6e: {  	_ =	swait.ge [sflag:s24], $0x80  }
0x6f: {  	[sflag:s24] =	ssyncset.done $0x0  }
0x70: {  	[sflag:s24] =	ssyncadd.s32 $0xFFFFFF80  }
0x71: {  	[spmem:s2] =	stream.indirect.scatter.add.f32 [tilespmem:s25], [sflag:$0x2], $0x80, s23, s23, $0xb8;
	[tilespmem:$0x1C100] =	vst v63  }
0x72: {  	_ =	swait.ge [sflag:s21], $0x4000  }
0x73: {  	[sflag:s21] =	ssyncset.done $0x0  }
0x74: {  	[sflag:s21] =	ssyncadd.s32 $0xFFFFC000  }
0x75: {  	[bflag:$0x0] =	sbarrier.arrive $0xFFFF  }
0x76: {  	[tilespmem:s22], [sflag:$0x2] =	stream.linear.gather [spmem:s7], $0x4000, $0x38;
	[tilespmem:$0x1C100] =	vst v63  }
0x77: {  	_ =	swait.ge [sflag:s21], $0x4000  }
0x78: {  	[sflag:s21] =	ssyncset.done $0x0  }
0x79: {  	[sflag:s21] =	ssyncadd.s32 $0xFFFFC000  }
0x7a: {  	[hbm4b:s14+s3] =	stream.linear.scatter [tilespmem:s22], [sflag:$0x2], $0x4000, $0x38;
	[tilespmem:$0x1C100] =	vst v63  }
0x7b: {  	_ =	swait.ge [sflag:s21], $0x4000  }
0x7c: {  	[sflag:s21] =	ssyncset.done $0x0  }
0x7d: {  	[sflag:s21] =	ssyncadd.s32 $0xFFFFC000  }
0x7e: {  	[tilespmem:s22], [sflag:$0x2] =	stream.linear.gather [spmem:s8], $0x4000, $0x38;
	[tilespmem:$0x1C100] =	vst v63  }
0x7f: {  	_ =	swait.ge [sflag:s21], $0x4000  }
0x80: {  	[sflag:s21] =	ssyncset.done $0x0  }
0x81: {  	[sflag:s21] =	ssyncadd.s32 $0xFFFFC000  }
0x82: {  	[hbm4b:s15+s3] =	stream.linear.scatter [tilespmem:s22], [sflag:$0x2], $0x4000, $0x38;
	[tilespmem:$0x1C100] =	vst v63  }
0x83: {  	_ =	swait.ge [sflag:s21], $0x4000  }
0x84: {  	[sflag:s21] =	ssyncset.done $0x0  }
0x85: {  	[sflag:s21] =	ssyncadd.s32 $0xFFFFC000  }
0x86: {  	[tilespmem:s22], [sflag:$0x2] =	stream.linear.gather [spmem:s9], $0x4000, $0x38;
	[tilespmem:$0x1C100] =	vst v63  }
0x87: {  	_ =	swait.ge [sflag:s21], $0x4000  }
0x88: {  	[sflag:s21] =	ssyncset.done $0x0  }
0x89: {  	[sflag:s21] =	ssyncadd.s32 $0xFFFFC000  }
0x8a: {  	[hbm4b:s16+s3] =	stream.linear.scatter [tilespmem:s22], [sflag:$0x2], $0x4000, $0x38;
	[tilespmem:$0x1C100] =	vst v63  }
0x8b: {  	_ =	swait.ge [sflag:s21], $0x4000  }
0x8c: {  	[sflag:s21] =	ssyncset.done $0x0  }
0x8d: {  	[sflag:s21] =	ssyncadd.s32 $0xFFFFC000  }
0x8e: {  	[tilespmem:s22], [sflag:$0x2] =	stream.linear.gather [spmem:s11], $0x4000, $0x38;
	[tilespmem:$0x1C100] =	vst v63  }
0x8f: {  	_ =	swait.ge [sflag:s21], $0x4000  }
0x90: {  	[sflag:s21] =	ssyncset.done $0x0  }
0x91: {  	[sflag:s21] =	ssyncadd.s32 $0xFFFFC000  }
0x92: {  	[hbm4b:s17+s3] =	stream.linear.scatter [tilespmem:s22], [sflag:$0x2], $0x4000, $0x38;
	[tilespmem:$0x1C100] =	vst v63  }
0x93: {  	_ =	swait.ge [sflag:s21], $0x4000  }
0x94: {  	[sflag:s21] =	ssyncset.done $0x0  }
0x95: {  	[sflag:s21] =	ssyncadd.s32 $0xFFFFC000  }
0x96: {  	[tilespmem:s22], [sflag:$0x2] =	stream.linear.gather [spmem:s12], $0x4000, $0x38;
	[tilespmem:$0x1C100] =	vst v63  }
0x97: {  	s26 =	sadd.s32 $0x1, s26;
	_ =	swait.ge [sflag:s21], $0x4000  }
0x98: {  	p0 =	sne.s32 s26, s19;
	[sflag:s21] =	ssyncset.done $0x0  }
.Ltmp1:
0x99: {  	[sflag:s21] =	ssyncadd.s32 $0xFFFFC000;
	(pc) =	sbr.rel @p0 .LBB2_1-.Ltmp1, $4  }
0x9a: {  	[hbm4b:s18+s3] =	stream.linear.scatter [tilespmem:s22], [sflag:$0x2], $0x4000, $0x38;
	[tilespmem:$0x1C100] =	vst v63  }
0x9b: {  	_ =	swait.ge [sflag:s21], $0x4000  }
0x9c: {  	[sflag:s21] =	ssyncset.done $0x0  }
0x9d: {  	[sflag:s21] =	ssyncadd.s32 $0xFFFFC000  }
0x9e: {  	_ =	sfence.sel $0x180000  }
0x9f: {  	[bflag:$0x0] =	sbarrier.arrive $0xFFFF  }
0xa0: {  	_ =	strace $0x90000047  }
0xa1: {  	[bflag:$0x2] =	sbarrier.arrive $0xFFFF  }
0xa2: {  	p0 =	sne.s32 s4, $0x0;
	s0 =	rddreg [dreg:$0x3]  }
0xa3: {  	s0 =	sadd.s32 @!p0 $0x100000, s0  }
0xa4: {  	[sflag:s0] =	ssyncadd.tile.s32 @!p0 $0x1;
	_ =	shalt  }
.Lfunc_end2:
_tile_overlayer_lowered:
.L_overlay_start_2:
0xa5: {  	(tag) =	ssettag $0x2  }
0xa6: {  	s0 =	rddreg [dreg:$0x0];
	s2 =	stileid.u32  }
0xa7: {  	s1 =	rddreg [dreg:$0x1];
	p0 =	sne.s32 s2, $0x0  }
0xa8: {  	s3 =	rddreg [dreg:$0x2];
	[bflag:$0x3] =	sbarrier.arrive $0xFFFF;
	s2 =	simm.s32 @!p0 $0x1C02  }
0xa9: {  	[timem:s3], [sflag:s2] =	dma.local @!p0 [hbm:s0], s1  }
0xaa: {  	s0 =	simm.s32 @!p0 $0x2  }
0xab: {  	_ =	swait.ge @!p0 [sflag:s0], s1  }
0xac: {  	s1 =	ssub.s32 @!p0 $0x0, s1;
	[sflag:s0] =	ssyncset.done @!p0 $0x0  }
0xad: {  	[sflag:s0] =	ssyncadd.s32 @!p0 s1  }
0xae: {  	[bflag:$0x3] =	sbarrier.arrive $0xFFFF  }
0xaf: {  	_ =	shalt  }

</sc_bundles>
